<compile_context>
chip_gen: v7x
topology: tpu7x:2x2x1
jax: 0.10.2.dev20260603
libtpu: 0.0.44.dev20260713+nightly
codegen_flags: <defaults>
</compile_context>

<pallas_src>
import jax
import jax.numpy as jnp
from jax import lax
from jax.experimental import pallas as pl
from jax.experimental.pallas import tpu as pltpu
from jax.experimental.pallas import tpu_sc as plsc

B = 16384
EMBED = 16
H = 64

_info = plsc.get_sparse_core_info()
_NC, _NS = _info.num_cores, _info.num_subcores
_NW = _NC * _NS
_HALF = B // 2
_BPW = _HALF // _NW
_GRP = 16


def _gather_body(idx_hbm, tableT_hbm, out_hbm, idx_v, e_v, sem, *slots):
    wid = lax.axis_index("s") * _NC + lax.axis_index("c")
    base = wid * _BPW
    pltpu.sync_copy(idx_hbm.at[pl.ds(base, _BPW)], idx_v)
    lanes = lax.iota(jnp.int32, 16)

    def group_step(g, carry):
        p0 = g * _GRP
        v = idx_v[pl.ds(p0, _GRP)]
        copies = []
        for j in range(_GRP):
            k = v[j]
            lane_base = pl.multiple_of(
                lax.shift_left(lax.shift_right_logical(k, 7), 7), 128
            )
            copies.append(
                pltpu.async_copy(
                    tableT_hbm.at[:, pl.ds(lane_base, 128)], slots[j], sem
                )
            )
        for j in range(_GRP):
            copies[j].wait()
            col = jnp.bitwise_and(v[j], 127)
            vals = plsc.load_gather(
                slots[j], [lanes, jnp.full((16,), 0, jnp.int32) + col]
            )
            e_v[p0 + j, :] = vals
        return carry

    lax.fori_loop(0, _BPW // _GRP, group_step, 0)
    pltpu.sync_copy(e_v, out_hbm.at[pl.ds(base, _BPW), :])


_sc_gather = pl.kernel(
    _gather_body,
    mesh=plsc.VectorSubcoreMesh(core_axis_name="c", subcore_axis_name="s"),
    out_type=jax.ShapeDtypeStruct((_HALF, EMBED), jnp.float32),
    scratch_types=[
        pltpu.VMEM((_BPW,), jnp.int32),
        pltpu.VMEM((_BPW, EMBED), jnp.float32),
        pltpu.SemaphoreType.DMA,
    ] + [pltpu.VMEM((EMBED, 128), jnp.float32) for _ in range(_GRP)],
    compiler_params=pltpu.CompilerParams(needs_layout_passes=False),
)

_BLK = 4096
_MLP_GRID = _HALF // _BLK


def _mlp_body(e_ref, W1_ref, b1_ref, W2_ref, b2_ref, out_ref):
    h = jnp.dot(e_ref[...], W1_ref[...], preferred_element_type=jnp.float32)
    h = jnp.maximum(h + b1_ref[...], 0.0)
    o = jnp.dot(h, W2_ref[...], preferred_element_type=jnp.float32)
    out_ref[...] = o + b2_ref[...]


_tc_mlp = pl.pallas_call(
    _mlp_body,
    grid=(_MLP_GRID,),
    in_specs=[
        pl.BlockSpec((_BLK, EMBED), lambda i: (i, 0)),
        pl.BlockSpec((EMBED, H), lambda i: (0, 0)),
        pl.BlockSpec((1, H), lambda i: (0, 0)),
        pl.BlockSpec((H, 1), lambda i: (0, 0)),
        pl.BlockSpec((1, 1), lambda i: (0, 0)),
    ],
    out_specs=pl.BlockSpec((_BLK, 1), lambda i: (i, 0)),
    out_shape=jax.ShapeDtypeStruct((_HALF, 1), jnp.float32),
)


@jax.jit
def kernel(x, table, W1, b1, W2, b2):
    idx = x.astype(jnp.int32).reshape(B)
    tT = table.T
    b1r, b2r = b1.reshape(1, H), b2.reshape(1, 1)
    e0 = _sc_gather(idx[:_HALF], tT)
    e1 = _sc_gather(idx[_HALF:], tT)
    o0 = _tc_mlp(e0, W1, b1r, W2, b2r)
    o1 = _tc_mlp(e1, W1, b1r, W2, b2r)
    return jnp.concatenate([o0, o1], axis=0).reshape(B)

# --- scband reference (transcript-rebuilt; emitter-appended) ---
"""Pipeline reference for scband-model-57913339019888 (READ-ONLY COPY).

The authoritative reference and input builder live on the scoring server;
editing this copy changes nothing except your own understanding.
"""

import jax, jax.numpy as jnp
import numpy as np

VOCAB = 1000000
EMBED = 16
H = 64
D_OUT = 1
B = 16384

def setup_inputs(seed: int = 0) -> dict:
    key = jax.random.key(seed)
    k1, k2, k3, k4, k5, k6 = jax.random.split(key, 6)
    x = jax.random.randint(k1, (B, 1), 0, VOCAB, dtype=jnp.int64) if jax.config.jax_enable_x64 else jax.random.randint(k1, (B, 1), 0, VOCAB, dtype=jnp.int32)
    table = jax.random.normal(k2, (VOCAB + 1, EMBED), dtype=jnp.float32) * 0.02
    W1 = jax.random.normal(k3, (EMBED, H), dtype=jnp.float32) * (1.0 / np.sqrt(EMBED))
    b1 = jnp.zeros((H,), dtype=jnp.float32)
    W2 = jax.random.normal(k4, (H, D_OUT), dtype=jnp.float32) * (1.0 / np.sqrt(H))
    b2 = jnp.zeros((D_OUT,), dtype=jnp.float32)
    return {"x": x, "table": table, "W1": W1, "b1": b1, "W2": W2, "b2": b2}

def reference(x, table, W1, b1, W2, b2):
    # embedding lookup: [B, 1] -> [B, 1, EMBED]
    e = jnp.take(table, x, axis=0)
    # Dense with relu: [B, 1, H]
    h = jax.nn.relu(jnp.dot(e, W1) + b1)
    # Dense out, no activation: [B, 1, D_OUT]
    o = jnp.dot(h, W2) + b2
    # squeeze(2).squeeze(1): [B, 1, 1] -> [B]
    o = jnp.squeeze(o, axis=2)
    o = jnp.squeeze(o, axis=1)
    return o

if __name__ == "__main__":
    import jax
    _d = setup_inputs()
    print(jax.jit(kernel)(*tuple(_d.values())))

</pallas_src>

<mosaic_0001>
#map = affine_map<(d0, d1) -> (0)>
#map1 = affine_map<(d0, d1) -> (0, 0)>
module attributes {stable_mosaic.version = 14 : i64} {
  func.func @_gather_body(%arg0: i32, %arg1: i32, %arg2: memref<8192xi32, #tpu.memory_space<hbm>>, %arg3: memref<16x1000001xf32, #tpu.memory_space<hbm>>, %arg4: memref<8192x16xf32, #tpu.memory_space<hbm>>, %arg5: memref<256xi32, #tpu.memory_space<vmem>>, %arg6: memref<256x16xf32, #tpu.memory_space<vmem>>, %arg7: memref<!tpu.dma_semaphore, #tpu.memory_space<semaphore_mem>>, %arg8: memref<16x128xf32, #tpu.memory_space<vmem>>, %arg9: memref<16x128xf32, #tpu.memory_space<vmem>>, %arg10: memref<16x128xf32, #tpu.memory_space<vmem>>, %arg11: memref<16x128xf32, #tpu.memory_space<vmem>>, %arg12: memref<16x128xf32, #tpu.memory_space<vmem>>, %arg13: memref<16x128xf32, #tpu.memory_space<vmem>>, %arg14: memref<16x128xf32, #tpu.memory_space<vmem>>, %arg15: memref<16x128xf32, #tpu.memory_space<vmem>>, %arg16: memref<16x128xf32, #tpu.memory_space<vmem>>, %arg17: memref<16x128xf32, #tpu.memory_space<vmem>>, %arg18: memref<16x128xf32, #tpu.memory_space<vmem>>, %arg19: memref<16x128xf32, #tpu.memory_space<vmem>>, %arg20: memref<16x128xf32, #tpu.memory_space<vmem>>, %arg21: memref<16x128xf32, #tpu.memory_space<vmem>>, %arg22: memref<16x128xf32, #tpu.memory_space<vmem>>, %arg23: memref<16x128xf32, #tpu.memory_space<vmem>>) attributes {dimension_semantics = [#tpu.dimension_semantics<core_parallel>, #tpu.dimension_semantics<subcore_parallel>], iteration_bounds = array<i64: 2, 16>, scalar_prefetch = 0 : i64, scratch_operands = 19 : i64, tpu.core_type = #tpu.core_type<sc_vector_subcore>, window_params = [{transform_indices = #map}, {transform_indices = #map1}, {transform_indices = #map1}]} {
    %mul3A = arith.constant 2 : i32
    %mul3A_0 = arith.muli %arg1, %mul3A : i32
    %add3A = arith.addi %mul3A_0, %arg0 : i32
    %mul3A_1 = arith.constant 256 : i32
    %mul3A_2 = arith.muli %add3A, %mul3A_1 : i32
    "tpu.region"() ({
      %run_scoped3A = tpu.sem_alloc : memref<!tpu.dma_semaphore, #tpu.memory_space<semaphore_mem>>
      %dma_start3A = tpu.memref_slice %arg2[%mul3A_2] : memref<8192xi32, #tpu.memory_space<hbm>> -> memref<256xi32, #tpu.memory_space<hbm>>
      %dma_start3A_8 = tpu.memref_slice %arg2[%mul3A_2] : memref<8192xi32, #tpu.memory_space<hbm>> -> memref<256xi32, #tpu.memory_space<hbm>>
      tpu.enqueue_dma source(%dma_start3A_8 : memref<256xi32, #tpu.memory_space<hbm>>) target(%arg5 : memref<256xi32, #tpu.memory_space<vmem>>) target_semaphore(%run_scoped3A : memref<!tpu.dma_semaphore, #tpu.memory_space<semaphore_mem>>)
      %dma_wait3A = tpu.memref_slice %arg2[%mul3A_2] : memref<8192xi32, #tpu.memory_space<hbm>> -> memref<256xi32, #tpu.memory_space<hbm>>
      %dma_wait3A_9 = tpu.memref_slice %arg2[%mul3A_2] : memref<8192xi32, #tpu.memory_space<hbm>> -> memref<256xi32, #tpu.memory_space<hbm>>
      tpu.wait_dma2 semaphore(%run_scoped3A : memref<!tpu.dma_semaphore, #tpu.memory_space<semaphore_mem>>) src(%dma_wait3A_9 : memref<256xi32, #tpu.memory_space<hbm>>) dst(%arg5 : memref<256xi32, #tpu.memory_space<vmem>>)
      tpu.yield
    }) : () -> ()
    %iota3A = tpu.iota {dimensions = array<i32: 0>} : vector<16xi32>
    %scan3A = arith.constant 0 : i32
    %scan3A_3 = arith.constant 0 : i32
    %scan3A_4 = arith.constant 16 : i32
    %scan3A_5 = arith.addi %scan3A_3, %scan3A_4 : i32
    %scan3A_6 = arith.constant 1 : i32
    scf.for %scan3A_8 = %scan3A_3 to %scan3A_5 step %scan3A_6  : i32 {
      %mul3A_9 = arith.constant 16 : i32
      %mul3A_10 = arith.muli %scan3A_8, %mul3A_9 : i32
      %get3A = arith.index_cast %mul3A_10 : i32 to index
      %get3A_11 = tpu.vector_load %arg5[%get3A] {strides = array<i32>} : memref<256xi32, #tpu.memory_space<vmem>>, vector<16xi32>,
      %slice3A = vector.extract_strided_slice %get3A_11 {offsets = [0], sizes = [1], strides = [1]} : vector<16xi32> to vector<1xi32>
      %squeeze3A = vector.extract %slice3A[0] : i32 from vector<1xi32>
      %shift_right_logical3A = arith.constant 7 : i32
      %shift_right_logical3A_12 = arith.shrui %squeeze3A, %shift_right_logical3A : i32
      %shift_left3A = arith.constant 7 : i32
      %shift_left3A_13 = arith.shli %shift_right_logical3A_12, %shift_left3A : i32
      %multiple_of3A = tpu.assume_multiple %shift_left3A_13, 128 : i32
      %dma_start3A = arith.constant 0 : i32
      %dma_start3A_14 = tpu.memref_slice %arg3[%dma_start3A, %multiple_of3A] : memref<16x1000001xf32, #tpu.memory_space<hbm>> -> memref<16x128xf32, #tpu.memory_space<hbm>>
      %dma_start3A_15 = arith.constant 0 : i32
      %dma_start3A_16 = tpu.memref_slice %arg3[%dma_start3A_15, %multiple_of3A] : memref<16x1000001xf32, #tpu.memory_space<hbm>> -> memref<16x128xf32, #tpu.memory_space<hbm>>
      tpu.enqueue_dma source(%dma_start3A_16 : memref<16x128xf32, #tpu.memory_space<hbm>>) target(%arg8 : memref<16x128xf32, #tpu.memory_space<vmem>>) target_semaphore(%arg7 : memref<!tpu.dma_semaphore, #tpu.memory_space<semaphore_mem>>)
      %slice3A_17 = vector.extract_strided_slice %get3A_11 {offsets = [1], sizes = [1], strides = [1]} : vector<16xi32> to vector<1xi32>
      %squeeze3A_18 = vector.extract %slice3A_17[0] : i32 from vector<1xi32>
      %shift_right_logical3A_19 = arith.constant 7 : i32
      %shift_right_logical3A_20 = arith.shrui %squeeze3A_18, %shift_right_logical3A_19 : i32
      %shift_left3A_21 = arith.constant 7 : i32
      %shift_left3A_22 = arith.shli %shift_right_logical3A_20, %shift_left3A_21 : i32
      %multiple_of3A_23 = tpu.assume_multiple %shift_left3A_22, 128 : i32
      %dma_start3A_24 = arith.constant 0 : i32
      %dma_start3A_25 = tpu.memref_slice %arg3[%dma_start3A_24, %multiple_of3A_23] : memref<16x1000001xf32, #tpu.memory_space<hbm>> -> memref<16x128xf32, #tpu.memory_space<hbm>>
      %dma_start3A_26 = arith.constant 0 : i32
      %dma_start3A_27 = tpu.memref_slice %arg3[%dma_start3A_26, %multiple_of3A_23] : memref<16x1000001xf32, #tpu.memory_space<hbm>> -> memref<16x128xf32, #tpu.memory_space<hbm>>
      tpu.enqueue_dma source(%dma_start3A_27 : memref<16x128xf32, #tpu.memory_space<hbm>>) target(%arg9 : memref<16x128xf32, #tpu.memory_space<vmem>>) target_semaphore(%arg7 : memref<!tpu.dma_semaphore, #tpu.memory_space<semaphore_mem>>)
      %slice3A_28 = vector.extract_strided_slice %get3A_11 {offsets = [2], sizes = [1], strides = [1]} : vector<16xi32> to vector<1xi32>
      %squeeze3A_29 = vector.extract %slice3A_28[0] : i32 from vector<1xi32>
      %shift_right_logical3A_30 = arith.constant 7 : i32
      %shift_right_logical3A_31 = arith.shrui %squeeze3A_29, %shift_right_logical3A_30 : i32
      %shift_left3A_32 = arith.constant 7 : i32
      %shift_left3A_33 = arith.shli %shift_right_logical3A_31, %shift_left3A_32 : i32
      %multiple_of3A_34 = tpu.assume_multiple %shift_left3A_33, 128 : i32
      %dma_start3A_35 = arith.constant 0 : i32
      %dma_start3A_36 = tpu.memref_slice %arg3[%dma_start3A_35, %multiple_of3A_34] : memref<16x1000001xf32, #tpu.memory_space<hbm>> -> memref<16x128xf32, #tpu.memory_space<hbm>>
      %dma_start3A_37 = arith.constant 0 : i32
      %dma_start3A_38 = tpu.memref_slice %arg3[%dma_start3A_37, %multiple_of3A_34] : memref<16x1000001xf32, #tpu.memory_space<hbm>> -> memref<16x128xf32, #tpu.memory_space<hbm>>
      tpu.enqueue_dma source(%dma_start3A_38 : memref<16x128xf32, #tpu.memory_space<hbm>>) target(%arg10 : memref<16x128xf32, #tpu.memory_space<vmem>>) target_semaphore(%arg7 : memref<!tpu.dma_semaphore, #tpu.memory_space<semaphore_mem>>)
      %slice3A_39 = vector.extract_strided_slice %get3A_11 {offsets = [3], sizes = [1], strides = [1]} : vector<16xi32> to vector<1xi32>
      %squeeze3A_40 = vector.extract %slice3A_39[0] : i32 from vector<1xi32>
      %shift_right_logical3A_41 = arith.constant 7 : i32
      %shift_right_logical3A_42 = arith.shrui %squeeze3A_40, %shift_right_logical3A_41 : i32
      %shift_left3A_43 = arith.constant 7 : i32
      %shift_left3A_44 = arith.shli %shift_right_logical3A_42, %shift_left3A_43 : i32
      %multiple_of3A_45 = tpu.assume_multiple %shift_left3A_44, 128 : i32
      %dma_start3A_46 = arith.constant 0 : i32
      %dma_start3A_47 = tpu.memref_slice %arg3[%dma_start3A_46, %multiple_of3A_45] : memref<16x1000001xf32, #tpu.memory_space<hbm>> -> memref<16x128xf32, #tpu.memory_space<hbm>>
      %dma_start3A_48 = arith.constant 0 : i32
      %dma_start3A_49 = tpu.memref_slice %arg3[%dma_start3A_48, %multiple_of3A_45] : memref<16x1000001xf32, #tpu.memory_space<hbm>> -> memref<16x128xf32, #tpu.memory_space<hbm>>
      tpu.enqueue_dma source(%dma_start3A_49 : memref<16x128xf32, #tpu.memory_space<hbm>>) target(%arg11 : memref<16x128xf32, #tpu.memory_space<vmem>>) target_semaphore(%arg7 : memref<!tpu.dma_semaphore, #tpu.memory_space<semaphore_mem>>)
      %slice3A_50 = vector.extract_strided_slice %get3A_11 {offsets = [4], sizes = [1], strides = [1]} : vector<16xi32> to vector<1xi32>
      %squeeze3A_51 = vector.extract %slice3A_50[0] : i32 from vector<1xi32>
      %shift_right_logical3A_52 = arith.constant 7 : i32
      %shift_right_logical3A_53 = arith.shrui %squeeze3A_51, %shift_right_logical3A_52 : i32
      %shift_left3A_54 = arith.constant 7 : i32
      %shift_left3A_55 = arith.shli %shift_right_logical3A_53, %shift_left3A_54 : i32
      %multiple_of3A_56 = tpu.assume_multiple %shift_left3A_55, 128 : i32
      %dma_start3A_57 = arith.constant 0 : i32
      %dma_start3A_58 = tpu.memref_slice %arg3[%dma_start3A_57, %multiple_of3A_56] : memref<16x1000001xf32, #tpu.memory_space<hbm>> -> memref<16x128xf32, #tpu.memory_space<hbm>>
      %dma_start3A_59 = arith.constant 0 : i32
      %dma_start3A_60 = tpu.memref_slice %arg3[%dma_start3A_59, %multiple_of3A_56] : memref<16x1000001xf32, #tpu.memory_space<hbm>> -> memref<16x128xf32, #tpu.memory_space<hbm>>
      tpu.enqueue_dma source(%dma_start3A_60 : memref<16x128xf32, #tpu.memory_space<hbm>>) target(%arg12 : memref<16x128xf32, #tpu.memory_space<vmem>>) target_semaphore(%arg7 : memref<!tpu.dma_semaphore, #tpu.memory_space<semaphore_mem>>)
      %slice3A_61 = vector.extract_strided_slice %get3A_11 {offsets = [5], sizes = [1], strides = [1]} : vector<16xi32> to vector<1xi32>
      %squeeze3A_62 = vector.extract %slice3A_61[0] : i32 from vector<1xi32>
      %shift_right_logical3A_63 = arith.constant 7 : i32
      %shift_right_logical3A_64 = arith.shrui %squeeze3A_62, %shift_right_logical3A_63 : i32
      %shift_left3A_65 = arith.constant 7 : i32
      %shift_left3A_66 = arith.shli %shift_right_logical3A_64, %shift_left3A_65 : i32
      %multiple_of3A_67 = tpu.assume_multiple %shift_left3A_66, 128 : i32
      %dma_start3A_68 = arith.constant 0 : i32
      %dma_start3A_69 = tpu.memref_slice %arg3[%dma_start3A_68, %multiple_of3A_67] : memref<16x1000001xf32, #tpu.memory_space<hbm>> -> memref<16x128xf32, #tpu.memory_space<hbm>>
      %dma_start3A_70 = arith.constant 0 : i32
      %dma_start3A_71 = tpu.memref_slice %arg3[%dma_start3A_70, %multiple_of3A_67] : memref<16x1000001xf32, #tpu.memory_space<hbm>> -> memref<16x128xf32, #tpu.memory_space<hbm>>
      tpu.enqueue_dma source(%dma_start3A_71 : memref<16x128xf32, #tpu.memory_space<hbm>>) target(%arg13 : memref<16x128xf32, #tpu.memory_space<vmem>>) target_semaphore(%arg7 : memref<!tpu.dma_semaphore, #tpu.memory_space<semaphore_mem>>)
      %slice3A_72 = vector.extract_strided_slice %get3A_11 {offsets = [6], sizes = [1], strides = [1]} : vector<16xi32> to vector<1xi32>
      %squeeze3A_73 = vector.extract %slice3A_72[0] : i32 from vector<1xi32>
      %shift_right_logical3A_74 = arith.constant 7 : i32
      %shift_right_logical3A_75 = arith.shrui %squeeze3A_73, %shift_right_logical3A_74 : i32
      %shift_left3A_76 = arith.constant 7 : i32
      %shift_left3A_77 = arith.shli %shift_right_logical3A_75, %shift_left3A_76 : i32
      %multiple_of3A_78 = tpu.assume_multiple %shift_left3A_77, 128 : i32
      %dma_start3A_79 = arith.constant 0 : i32
      %dma_start3A_80 = tpu.memref_slice %arg3[%dma_start3A_79, %multiple_of3A_78] : memref<16x1000001xf32, #tpu.memory_space<hbm>> -> memref<16x128xf32, #tpu.memory_space<hbm>>
      %dma_start3A_81 = arith.constant 0 : i32
      %dma_start3A_82 = tpu.memref_slice %arg3[%dma_start3A_81, %multiple_of3A_78] : memref<16x1000001xf32, #tpu.memory_space<hbm>> -> memref<16x128xf32, #tpu.memory_space<hbm>>
      tpu.enqueue_dma source(%dma_start3A_82 : memref<16x128xf32, #tpu.memory_space<hbm>>) target(%arg14 : memref<16x128xf32, #tpu.memory_space<vmem>>) target_semaphore(%arg7 : memref<!tpu.dma_semaphore, #tpu.memory_space<semaphore_mem>>)
      %slice3A_83 = vector.extract_strided_slice %get3A_11 {offsets = [7], sizes = [1], strides = [1]} : vector<16xi32> to vector<1xi32>
      %squeeze3A_84 = vector.extract %slice3A_83[0] : i32 from vector<1xi32>
      %shift_right_logical3A_85 = arith.constant 7 : i32
      %shift_right_logical3A_86 = arith.shrui %squeeze3A_84, %shift_right_logical3A_85 : i32
      %shift_left3A_87 = arith.constant 7 : i32
      %shift_left3A_88 = arith.shli %shift_right_logical3A_86, %shift_left3A_87 : i32
      %multiple_of3A_89 = tpu.assume_multiple %shift_left3A_88, 128 : i32
      %dma_start3A_90 = arith.constant 0 : i32
      %dma_start3A_91 = tpu.memref_slice %arg3[%dma_start3A_90, %multiple_of3A_89] : memref<16x1000001xf32, #tpu.memory_space<hbm>> -> memref<16x128xf32, #tpu.memory_space<hbm>>
      %dma_start3A_92 = arith.constant 0 : i32
      %dma_start3A_93 = tpu.memref_slice %arg3[%dma_start3A_92, %multiple_of3A_89] : memref<16x1000001xf32, #tpu.memory_space<hbm>> -> memref<16x128xf32, #tpu.memory_space<hbm>>
      tpu.enqueue_dma source(%dma_start3A_93 : memref<16x128xf32, #tpu.memory_space<hbm>>) target(%arg15 : memref<16x128xf32, #tpu.memory_space<vmem>>) target_semaphore(%arg7 : memref<!tpu.dma_semaphore, #tpu.memory_space<semaphore_mem>>)
      %slice3A_94 = vector.extract_strided_slice %get3A_11 {offsets = [8], sizes = [1], strides = [1]} : vector<16xi32> to vector<1xi32>
      %squeeze3A_95 = vector.extract %slice3A_94[0] : i32 from vector<1xi32>
      %shift_right_logical3A_96 = arith.constant 7 : i32
      %shift_right_logical3A_97 = arith.shrui %squeeze3A_95, %shift_right_logical3A_96 : i32
      %shift_left3A_98 = arith.constant 7 : i32
      %shift_left3A_99 = arith.shli %shift_right_logical3A_97, %shift_left3A_98 : i32
      %multiple_of3A_100 = tpu.assume_multiple %shift_left3A_99, 128 : i32
      %dma_start3A_101 = arith.constant 0 : i32
      %dma_start3A_102 = tpu.memref_slice %arg3[%dma_start3A_101, %multiple_of3A_100] : memref<16x1000001xf32, #tpu.memory_space<hbm>> -> memref<16x128xf32, #tpu.memory_space<hbm>>
      %dma_start3A_103 = arith.constant 0 : i32
      %dma_start3A_104 = tpu.memref_slice %arg3[%dma_start3A_103, %multiple_of3A_100] : memref<16x1000001xf32, #tpu.memory_space<hbm>> -> memref<16x128xf32, #tpu.memory_space<hbm>>
      tpu.enqueue_dma source(%dma_start3A_104 : memref<16x128xf32, #tpu.memory_space<hbm>>) target(%arg16 : memref<16x128xf32, #tpu.memory_space<vmem>>) target_semaphore(%arg7 : memref<!tpu.dma_semaphore, #tpu.memory_space<semaphore_mem>>)
      %slice3A_105 = vector.extract_strided_slice %get3A_11 {offsets = [9], sizes = [1], strides = [1]} : vector<16xi32> to vector<1xi32>
      %squeeze3A_106 = vector.extract %slice3A_105[0] : i32 from vector<1xi32>
      %shift_right_logical3A_107 = arith.constant 7 : i32
      %shift_right_logical3A_108 = arith.shrui %squeeze3A_106, %shift_right_logical3A_107 : i32
      %shift_left3A_109 = arith.constant 7 : i32
      %shift_left3A_110 = arith.shli %shift_right_logical3A_108, %shift_left3A_109 : i32
      %multiple_of3A_111 = tpu.assume_multiple %shift_left3A_110, 128 : i32
      %dma_start3A_112 = arith.constant 0 : i32
      %dma_start3A_113 = tpu.memref_slice %arg3[%dma_start3A_112, %multiple_of3A_111] : memref<16x1000001xf32, #tpu.memory_space<hbm>> -> memref<16x128xf32, #tpu.memory_space<hbm>>
      %dma_start3A_114 = arith.constant 0 : i32
      %dma_start3A_115 = tpu.memref_slice %arg3[%dma_start3A_114, %multiple_of3A_111] : memref<16x1000001xf32, #tpu.memory_space<hbm>> -> memref<16x128xf32, #tpu.memory_space<hbm>>
      tpu.enqueue_dma source(%dma_start3A_115 : memref<16x128xf32, #tpu.memory_space<hbm>>) target(%arg17 : memref<16x128xf32, #tpu.memory_space<vmem>>) target_semaphore(%arg7 : memref<!tpu.dma_semaphore, #tpu.memory_space<semaphore_mem>>)
      %slice3A_116 = vector.extract_strided_slice %get3A_11 {offsets = [10], sizes = [1], strides = [1]} : vector<16xi32> to vector<1xi32>
      %squeeze3A_117 = vector.extract %slice3A_116[0] : i32 from vector<1xi32>
      %shift_right_logical3A_118 = arith.constant 7 : i32
      %shift_right_logical3A_119 = arith.shrui %squeeze3A_117, %shift_right_logical3A_118 : i32
      %shift_left3A_120 = arith.constant 7 : i32
      %shift_left3A_121 = arith.shli %shift_right_logical3A_119, %shift_left3A_120 : i32
      %multiple_of3A_122 = tpu.assume_multiple %shift_left3A_121, 128 : i32
      %dma_start3A_123 = arith.constant 0 : i32
      %dma_start3A_124 = tpu.memref_slice %arg3[%dma_start3A_123, %multiple_of3A_122] : memref<16x1000001xf32, #tpu.memory_space<hbm>> -> memref<16x128xf32, #tpu.memory_space<hbm>>
      %dma_start3A_125 = arith.constant 0 : i32
      %dma_start3A_126 = tpu.memref_slice %arg3[%dma_start3A_125, %multiple_of3A_122] : memref<16x1000001xf32, #tpu.memory_space<hbm>> -> memref<16x128xf32, #tpu.memory_space<hbm>>
      tpu.enqueue_dma source(%dma_start3A_126 : memref<16x128xf32, #tpu.memory_space<hbm>>) target(%arg18 : memref<16x128xf32, #tpu.memory_space<vmem>>) target_semaphore(%arg7 : memref<!tpu.dma_semaphore, #tpu.memory_space<semaphore_mem>>)
      %slice3A_127 = vector.extract_strided_slice %get3A_11 {offsets = [11], sizes = [1], strides = [1]} : vector<16xi32> to vector<1xi32>
      %squeeze3A_128 = vector.extract %slice3A_127[0] : i32 from vector<1xi32>
      %shift_right_logical3A_129 = arith.constant 7 : i32
      %shift_right_logical3A_130 = arith.shrui %squeeze3A_128, %shift_right_logical3A_129 : i32
      %shift_left3A_131 = arith.constant 7 : i32
      %shift_left3A_132 = arith.shli %shift_right_logical3A_130, %shift_left3A_131 : i32
      %multiple_of3A_133 = tpu.assume_multiple %shift_left3A_132, 128 : i32
      %dma_start3A_134 = arith.constant 0 : i32
      %dma_start3A_135 = tpu.memref_slice %arg3[%dma_start3A_134, %multiple_of3A_133] : memref<16x1000001xf32, #tpu.memory_space<hbm>> -> memref<16x128xf32, #tpu.memory_space<hbm>>
      %dma_start3A_136 = arith.constant 0 : i32
      %dma_start3A_137 = tpu.memref_slice %arg3[%dma_start3A_136, %multiple_of3A_133] : memref<16x1000001xf32, #tpu.memory_space<hbm>> -> memref<16x128xf32, #tpu.memory_space<hbm>>
      tpu.enqueue_dma source(%dma_start3A_137 : memref<16x128xf32, #tpu.memory_space<hbm>>) target(%arg19 : memref<16x128xf32, #tpu.memory_space<vmem>>) target_semaphore(%arg7 : memref<!tpu.dma_semaphore, #tpu.memory_space<semaphore_mem>>)
      %slice3A_138 = vector.extract_strided_slice %get3A_11 {offsets = [12], sizes = [1], strides = [1]} : vector<16xi32> to vector<1xi32>
      %squeeze3A_139 = vector.extract %slice3A_138[0] : i32 from vector<1xi32>
      %shift_right_logical3A_140 = arith.constant 7 : i32
      %shift_right_logical3A_141 = arith.shrui %squeeze3A_139, %shift_right_logical3A_140 : i32
      %shift_left3A_142 = arith.constant 7 : i32
      %shift_left3A_143 = arith.shli %shift_right_logical3A_141, %shift_left3A_142 : i32
      %multiple_of3A_144 = tpu.assume_multiple %shift_left3A_143, 128 : i32
      %dma_start3A_145 = arith.constant 0 : i32
      %dma_start3A_146 = tpu.memref_slice %arg3[%dma_start3A_145, %multiple_of3A_144] : memref<16x1000001xf32, #tpu.memory_space<hbm>> -> memref<16x128xf32, #tpu.memory_space<hbm>>
      %dma_start3A_147 = arith.constant 0 : i32
      %dma_start3A_148 = tpu.memref_slice %arg3[%dma_start3A_147, %multiple_of3A_144] : memref<16x1000001xf32, #tpu.memory_space<hbm>> -> memref<16x128xf32, #tpu.memory_space<hbm>>
      tpu.enqueue_dma source(%dma_start3A_148 : memref<16x128xf32, #tpu.memory_space<hbm>>) target(%arg20 : memref<16x128xf32, #tpu.memory_space<vmem>>) target_semaphore(%arg7 : memref<!tpu.dma_semaphore, #tpu.memory_space<semaphore_mem>>)
      %slice3A_149 = vector.extract_strided_slice %get3A_11 {offsets = [13], sizes = [1], strides = [1]} : vector<16xi32> to vector<1xi32>
      %squeeze3A_150 = vector.extract %slice3A_149[0] : i32 from vector<1xi32>
      %shift_right_logical3A_151 = arith.constant 7 : i32
      %shift_right_logical3A_152 = arith.shrui %squeeze3A_150, %shift_right_logical3A_151 : i32
      %shift_left3A_153 = arith.constant 7 : i32
      %shift_left3A_154 = arith.shli %shift_right_logical3A_152, %shift_left3A_153 : i32
      %multiple_of3A_155 = tpu.assume_multiple %shift_left3A_154, 128 : i32
      %dma_start3A_156 = arith.constant 0 : i32
      %dma_start3A_157 = tpu.memref_slice %arg3[%dma_start3A_156, %multiple_of3A_155] : memref<16x1000001xf32, #tpu.memory_space<hbm>> -> memref<16x128xf32, #tpu.memory_space<hbm>>
      %dma_start3A_158 = arith.constant 0 : i32
      %dma_start3A_159 = tpu.memref_slice %arg3[%dma_start3A_158, %multiple_of3A_155] : memref<16x1000001xf32, #tpu.memory_space<hbm>> -> memref<16x128xf32, #tpu.memory_space<hbm>>
      tpu.enqueue_dma source(%dma_start3A_159 : memref<16x128xf32, #tpu.memory_space<hbm>>) target(%arg21 : memref<16x128xf32, #tpu.memory_space<vmem>>) target_semaphore(%arg7 : memref<!tpu.dma_semaphore, #tpu.memory_space<semaphore_mem>>)
      %slice3A_160 = vector.extract_strided_slice %get3A_11 {offsets = [14], sizes = [1], strides = [1]} : vector<16xi32> to vector<1xi32>
      %squeeze3A_161 = vector.extract %slice3A_160[0] : i32 from vector<1xi32>
      %shift_right_logical3A_162 = arith.constant 7 : i32
      %shift_right_logical3A_163 = arith.shrui %squeeze3A_161, %shift_right_logical3A_162 : i32
      %shift_left3A_164 = arith.constant 7 : i32
      %shift_left3A_165 = arith.shli %shift_right_logical3A_163, %shift_left3A_164 : i32
      %multiple_of3A_166 = tpu.assume_multiple %shift_left3A_165, 128 : i32
      %dma_start3A_167 = arith.constant 0 : i32
      %dma_start3A_168 = tpu.memref_slice %arg3[%dma_start3A_167, %multiple_of3A_166] : memref<16x1000001xf32, #tpu.memory_space<hbm>> -> memref<16x128xf32, #tpu.memory_space<hbm>>
      %dma_start3A_169 = arith.constant 0 : i32
      %dma_start3A_170 = tpu.memref_slice %arg3[%dma_start3A_169, %multiple_of3A_166] : memref<16x1000001xf32, #tpu.memory_space<hbm>> -> memref<16x128xf32, #tpu.memory_space<hbm>>
      tpu.enqueue_dma source(%dma_start3A_170 : memref<16x128xf32, #tpu.memory_space<hbm>>) target(%arg22 : memref<16x128xf32, #tpu.memory_space<vmem>>) target_semaphore(%arg7 : memref<!tpu.dma_semaphore, #tpu.memory_space<semaphore_mem>>)
      %slice3A_171 = vector.extract_strided_slice %get3A_11 {offsets = [15], sizes = [1], strides = [1]} : vector<16xi32> to vector<1xi32>
      %squeeze3A_172 = vector.extract %slice3A_171[0] : i32 from vector<1xi32>
      %shift_right_logical3A_173 = arith.constant 7 : i32
      %shift_right_logical3A_174 = arith.shrui %squeeze3A_172, %shift_right_logical3A_173 : i32
      %shift_left3A_175 = arith.constant 7 : i32
      %shift_left3A_176 = arith.shli %shift_right_logical3A_174, %shift_left3A_175 : i32
      %multiple_of3A_177 = tpu.assume_multiple %shift_left3A_176, 128 : i32
      %dma_start3A_178 = arith.constant 0 : i32
      %dma_start3A_179 = tpu.memref_slice %arg3[%dma_start3A_178, %multiple_of3A_177] : memref<16x1000001xf32, #tpu.memory_space<hbm>> -> memref<16x128xf32, #tpu.memory_space<hbm>>
      %dma_start3A_180 = arith.constant 0 : i32
      %dma_start3A_181 = tpu.memref_slice %arg3[%dma_start3A_180, %multiple_of3A_177] : memref<16x1000001xf32, #tpu.memory_space<hbm>> -> memref<16x128xf32, #tpu.memory_space<hbm>>
      tpu.enqueue_dma source(%dma_start3A_181 : memref<16x128xf32, #tpu.memory_space<hbm>>) target(%arg23 : memref<16x128xf32, #tpu.memory_space<vmem>>) target_semaphore(%arg7 : memref<!tpu.dma_semaphore, #tpu.memory_space<semaphore_mem>>)
      %dma_wait3A = arith.constant 0 : i32
      %dma_wait3A_182 = tpu.memref_slice %arg3[%dma_wait3A, %multiple_of3A] : memref<16x1000001xf32, #tpu.memory_space<hbm>> -> memref<16x128xf32, #tpu.memory_space<hbm>>
      %dma_wait3A_183 = arith.constant 0 : i32
      %dma_wait3A_184 = tpu.memref_slice %arg3[%dma_wait3A_183, %multiple_of3A] : memref<16x1000001xf32, #tpu.memory_space<hbm>> -> memref<16x128xf32, #tpu.memory_space<hbm>>
      tpu.wait_dma2 semaphore(%arg7 : memref<!tpu.dma_semaphore, #tpu.memory_space<semaphore_mem>>) src(%dma_wait3A_184 : memref<16x128xf32, #tpu.memory_space<hbm>>) dst(%arg8 : memref<16x128xf32, #tpu.memory_space<vmem>>)
      %slice3A_185 = vector.extract_strided_slice %get3A_11 {offsets = [0], sizes = [1], strides = [1]} : vector<16xi32> to vector<1xi32>
      %squeeze3A_186 = vector.extract %slice3A_185[0] : i32 from vector<1xi32>
      %and3A = arith.constant 127 : i32
      %and3A_187 = arith.andi %squeeze3A_186, %and3A : i32
      %broadcast_in_dim3A = arith.constant 0 : i32
      %broadcast_in_dim3A_188 = vector.broadcast %broadcast_in_dim3A : i32 to vector<16xi32>
      %add3A_189 = vector.broadcast %and3A_187 : i32 to vector<16xi32>
      %add3A_190 = arith.addi %broadcast_in_dim3A_188, %add3A_189 : vector<16xi32>
      %gather3A = tpu.vector_load_idx %arg8[%iota3A, %add3A_190] : memref<16x128xf32, #tpu.memory_space<vmem>>[vector<16xi32>, vector<16xi32>], vector<16xf32>,
      %add3A_191 = arith.constant 0 : i32
      %add3A_192 = arith.addi %mul3A_10, %add3A_191 : i32
      %swap3A = arith.index_cast %add3A_192 : i32 to index
      %swap3A_193 = arith.constant 0 : index
      %swap3A_194 = tpu.vector_load %arg6[%swap3A, %swap3A_193] {strides = array<i32>} : memref<256x16xf32, #tpu.memory_space<vmem>>, vector<16xf32>,
      tpu.vector_store %arg6[%swap3A, %swap3A_193], %gather3A {strides = array<i32>} : memref<256x16xf32, #tpu.memory_space<vmem>>, vector<16xf32>,
      %dma_wait3A_195 = arith.constant 0 : i32
      %dma_wait3A_196 = tpu.memref_slice %arg3[%dma_wait3A_195, %multiple_of3A_23] : memref<16x1000001xf32, #tpu.memory_space<hbm>> -> memref<16x128xf32, #tpu.memory_space<hbm>>
      %dma_wait3A_197 = arith.constant 0 : i32
      %dma_wait3A_198 = tpu.memref_slice %arg3[%dma_wait3A_197, %multiple_of3A_23] : memref<16x1000001xf32, #tpu.memory_space<hbm>> -> memref<16x128xf32, #tpu.memory_space<hbm>>
      tpu.wait_dma2 semaphore(%arg7 : memref<!tpu.dma_semaphore, #tpu.memory_space<semaphore_mem>>) src(%dma_wait3A_198 : memref<16x128xf32, #tpu.memory_space<hbm>>) dst(%arg9 : memref<16x128xf32, #tpu.memory_space<vmem>>)
      %slice3A_199 = vector.extract_strided_slice %get3A_11 {offsets = [1], sizes = [1], strides = [1]} : vector<16xi32> to vector<1xi32>
      %squeeze3A_200 = vector.extract %slice3A_199[0] : i32 from vector<1xi32>
      %and3A_201 = arith.constant 127 : i32
      %and3A_202 = arith.andi %squeeze3A_200, %and3A_201 : i32
      %broadcast_in_dim3A_203 = arith.constant 0 : i32
      %broadcast_in_dim3A_204 = vector.broadcast %broadcast_in_dim3A_203 : i32 to vector<16xi32>
      %add3A_205 = vector.broadcast %and3A_202 : i32 to vector<16xi32>
      %add3A_206 = arith.addi %broadcast_in_dim3A_204, %add3A_205 : vector<16xi32>
      %gather3A_207 = tpu.vector_load_idx %arg9[%iota3A, %add3A_206] : memref<16x128xf32, #tpu.memory_space<vmem>>[vector<16xi32>, vector<16xi32>], vector<16xf32>,
      %add3A_208 = arith.constant 1 : i32
      %add3A_209 = arith.addi %mul3A_10, %add3A_208 : i32
      %swap3A_210 = arith.index_cast %add3A_209 : i32 to index
      %swap3A_211 = arith.constant 0 : index
      %swap3A_212 = tpu.vector_load %arg6[%swap3A_210, %swap3A_211] {strides = array<i32>} : memref<256x16xf32, #tpu.memory_space<vmem>>, vector<16xf32>,
      tpu.vector_store %arg6[%swap3A_210, %swap3A_211], %gather3A_207 {strides = array<i32>} : memref<256x16xf32, #tpu.memory_space<vmem>>, vector<16xf32>,
      %dma_wait3A_213 = arith.constant 0 : i32
      %dma_wait3A_214 = tpu.memref_slice %arg3[%dma_wait3A_213, %multiple_of3A_34] : memref<16x1000001xf32, #tpu.memory_space<hbm>> -> memref<16x128xf32, #tpu.memory_space<hbm>>
      %dma_wait3A_215 = arith.constant 0 : i32
      %dma_wait3A_216 = tpu.memref_slice %arg3[%dma_wait3A_215, %multiple_of3A_34] : memref<16x1000001xf32, #tpu.memory_space<hbm>> -> memref<16x128xf32, #tpu.memory_space<hbm>>
      tpu.wait_dma2 semaphore(%arg7 : memref<!tpu.dma_semaphore, #tpu.memory_space<semaphore_mem>>) src(%dma_wait3A_216 : memref<16x128xf32, #tpu.memory_space<hbm>>) dst(%arg10 : memref<16x128xf32, #tpu.memory_space<vmem>>)
      %slice3A_217 = vector.extract_strided_slice %get3A_11 {offsets = [2], sizes = [1], strides = [1]} : vector<16xi32> to vector<1xi32>
      %squeeze3A_218 = vector.extract %slice3A_217[0] : i32 from vector<1xi32>
      %and3A_219 = arith.constant 127 : i32
      %and3A_220 = arith.andi %squeeze3A_218, %and3A_219 : i32
      %broadcast_in_dim3A_221 = arith.constant 0 : i32
      %broadcast_in_dim3A_222 = vector.broadcast %broadcast_in_dim3A_221 : i32 to vector<16xi32>
      %add3A_223 = vector.broadcast %and3A_220 : i32 to vector<16xi32>
      %add3A_224 = arith.addi %broadcast_in_dim3A_222, %add3A_223 : vector<16xi32>
      %gather3A_225 = tpu.vector_load_idx %arg10[%iota3A, %add3A_224] : memref<16x128xf32, #tpu.memory_space<vmem>>[vector<16xi32>, vector<16xi32>], vector<16xf32>,
      %add3A_226 = arith.constant 2 : i32
      %add3A_227 = arith.addi %mul3A_10, %add3A_226 : i32
      %swap3A_228 = arith.index_cast %add3A_227 : i32 to index
      %swap3A_229 = arith.constant 0 : index
      %swap3A_230 = tpu.vector_load %arg6[%swap3A_228, %swap3A_229] {strides = array<i32>} : memref<256x16xf32, #tpu.memory_space<vmem>>, vector<16xf32>,
      tpu.vector_store %arg6[%swap3A_228, %swap3A_229], %gather3A_225 {strides = array<i32>} : memref<256x16xf32, #tpu.memory_space<vmem>>, vector<16xf32>,
      %dma_wait3A_231 = arith.constant 0 : i32
      %dma_wait3A_232 = tpu.memref_slice %arg3[%dma_wait3A_231, %multiple_of3A_45] : memref<16x1000001xf32, #tpu.memory_space<hbm>> -> memref<16x128xf32, #tpu.memory_space<hbm>>
      %dma_wait3A_233 = arith.constant 0 : i32
      %dma_wait3A_234 = tpu.memref_slice %arg3[%dma_wait3A_233, %multiple_of3A_45] : memref<16x1000001xf32, #tpu.memory_space<hbm>> -> memref<16x128xf32, #tpu.memory_space<hbm>>
      tpu.wait_dma2 semaphore(%arg7 : memref<!tpu.dma_semaphore, #tpu.memory_space<semaphore_mem>>) src(%dma_wait3A_234 : memref<16x128xf32, #tpu.memory_space<hbm>>) dst(%arg11 : memref<16x128xf32, #tpu.memory_space<vmem>>)
      %slice3A_235 = vector.extract_strided_slice %get3A_11 {offsets = [3], sizes = [1], strides = [1]} : vector<16xi32> to vector<1xi32>
      %squeeze3A_236 = vector.extract %slice3A_235[0] : i32 from vector<1xi32>
      %and3A_237 = arith.constant 127 : i32
      %and3A_238 = arith.andi %squeeze3A_236, %and3A_237 : i32
      %broadcast_in_dim3A_239 = arith.constant 0 : i32
      %broadcast_in_dim3A_240 = vector.broadcast %broadcast_in_dim3A_239 : i32 to vector<16xi32>
      %add3A_241 = vector.broadcast %and3A_238 : i32 to vector<16xi32>
      %add3A_242 = arith.addi %broadcast_in_dim3A_240, %add3A_241 : vector<16xi32>
      %gather3A_243 = tpu.vector_load_idx %arg11[%iota3A, %add3A_242] : memref<16x128xf32, #tpu.memory_space<vmem>>[vector<16xi32>, vector<16xi32>], vector<16xf32>,
      %add3A_244 = arith.constant 3 : i32
      %add3A_245 = arith.addi %mul3A_10, %add3A_244 : i32
      %swap3A_246 = arith.index_cast %add3A_245 : i32 to index
      %swap3A_247 = arith.constant 0 : index
      %swap3A_248 = tpu.vector_load %arg6[%swap3A_246, %swap3A_247] {strides = array<i32>} : memref<256x16xf32, #tpu.memory_space<vmem>>, vector<16xf32>,
      tpu.vector_store %arg6[%swap3A_246, %swap3A_247], %gather3A_243 {strides = array<i32>} : memref<256x16xf32, #tpu.memory_space<vmem>>, vector<16xf32>,
      %dma_wait3A_249 = arith.constant 0 : i32
      %dma_wait3A_250 = tpu.memref_slice %arg3[%dma_wait3A_249, %multiple_of3A_56] : memref<16x1000001xf32, #tpu.memory_space<hbm>> -> memref<16x128xf32, #tpu.memory_space<hbm>>
      %dma_wait3A_251 = arith.constant 0 : i32
      %dma_wait3A_252 = tpu.memref_slice %arg3[%dma_wait3A_251, %multiple_of3A_56] : memref<16x1000001xf32, #tpu.memory_space<hbm>> -> memref<16x128xf32, #tpu.memory_space<hbm>>
      tpu.wait_dma2 semaphore(%arg7 : memref<!tpu.dma_semaphore, #tpu.memory_space<semaphore_mem>>) src(%dma_wait3A_252 : memref<16x128xf32, #tpu.memory_space<hbm>>) dst(%arg12 : memref<16x128xf32, #tpu.memory_space<vmem>>)
      %slice3A_253 = vector.extract_strided_slice %get3A_11 {offsets = [4], sizes = [1], strides = [1]} : vector<16xi32> to vector<1xi32>
      %squeeze3A_254 = vector.extract %slice3A_253[0] : i32 from vector<1xi32>
      %and3A_255 = arith.constant 127 : i32
      %and3A_256 = arith.andi %squeeze3A_254, %and3A_255 : i32
      %broadcast_in_dim3A_257 = arith.constant 0 : i32
      %broadcast_in_dim3A_258 = vector.broadcast %broadcast_in_dim3A_257 : i32 to vector<16xi32>
      %add3A_259 = vector.broadcast %and3A_256 : i32 to vector<16xi32>
      %add3A_260 = arith.addi %broadcast_in_dim3A_258, %add3A_259 : vector<16xi32>
      %gather3A_261 = tpu.vector_load_idx %arg12[%iota3A, %add3A_260] : memref<16x128xf32, #tpu.memory_space<vmem>>[vector<16xi32>, vector<16xi32>], vector<16xf32>,
      %add3A_262 = arith.constant 4 : i32
      %add3A_263 = arith.addi %mul3A_10, %add3A_262 : i32
      %swap3A_264 = arith.index_cast %add3A_263 : i32 to index
      %swap3A_265 = arith.constant 0 : index
      %swap3A_266 = tpu.vector_load %arg6[%swap3A_264, %swap3A_265] {strides = array<i32>} : memref<256x16xf32, #tpu.memory_space<vmem>>, vector<16xf32>,
      tpu.vector_store %arg6[%swap3A_264, %swap3A_265], %gather3A_261 {strides = array<i32>} : memref<256x16xf32, #tpu.memory_space<vmem>>, vector<16xf32>,
      %dma_wait3A_267 = arith.constant 0 : i32
      %dma_wait3A_268 = tpu.memref_slice %arg3[%dma_wait3A_267, %multiple_of3A_67] : memref<16x1000001xf32, #tpu.memory_space<hbm>> -> memref<16x128xf32, #tpu.memory_space<hbm>>
      %dma_wait3A_269 = arith.constant 0 : i32
      %dma_wait3A_270 = tpu.memref_slice %arg3[%dma_wait3A_269, %multiple_of3A_67] : memref<16x1000001xf32, #tpu.memory_space<hbm>> -> memref<16x128xf32, #tpu.memory_space<hbm>>
      tpu.wait_dma2 semaphore(%arg7 : memref<!tpu.dma_semaphore, #tpu.memory_space<semaphore_mem>>) src(%dma_wait3A_270 : memref<16x128xf32, #tpu.memory_space<hbm>>) dst(%arg13 : memref<16x128xf32, #tpu.memory_space<vmem>>)
      %slice3A_271 = vector.extract_strided_slice %get3A_11 {offsets = [5], sizes = [1], strides = [1]} : vector<16xi32> to vector<1xi32>
      %squeeze3A_272 = vector.extract %slice3A_271[0] : i32 from vector<1xi32>
      %and3A_273 = arith.constant 127 : i32
      %and3A_274 = arith.andi %squeeze3A_272, %and3A_273 : i32
      %broadcast_in_dim3A_275 = arith.constant 0 : i32
      %broadcast_in_dim3A_276 = vector.broadcast %broadcast_in_dim3A_275 : i32 to vector<16xi32>
      %add3A_277 = vector.broadcast %and3A_274 : i32 to vector<16xi32>
      %add3A_278 = arith.addi %broadcast_in_dim3A_276, %add3A_277 : vector<16xi32>
      %gather3A_279 = tpu.vector_load_idx %arg13[%iota3A, %add3A_278] : memref<16x128xf32, #tpu.memory_space<vmem>>[vector<16xi32>, vector<16xi32>], vector<16xf32>,
      %add3A_280 = arith.constant 5 : i32
      %add3A_281 = arith.addi %mul3A_10, %add3A_280 : i32
      %swap3A_282 = arith.index_cast %add3A_281 : i32 to index
      %swap3A_283 = arith.constant 0 : index
      %swap3A_284 = tpu.vector_load %arg6[%swap3A_282, %swap3A_283] {strides = array<i32>} : memref<256x16xf32, #tpu.memory_space<vmem>>, vector<16xf32>,
      tpu.vector_store %arg6[%swap3A_282, %swap3A_283], %gather3A_279 {strides = array<i32>} : memref<256x16xf32, #tpu.memory_space<vmem>>, vector<16xf32>,
      %dma_wait3A_285 = arith.constant 0 : i32
      %dma_wait3A_286 = tpu.memref_slice %arg3[%dma_wait3A_285, %multiple_of3A_78] : memref<16x1000001xf32, #tpu.memory_space<hbm>> -> memref<16x128xf32, #tpu.memory_space<hbm>>
      %dma_wait3A_287 = arith.constant 0 : i32
      %dma_wait3A_288 = tpu.memref_slice %arg3[%dma_wait3A_287, %multiple_of3A_78] : memref<16x1000001xf32, #tpu.memory_space<hbm>> -> memref<16x128xf32, #tpu.memory_space<hbm>>
      tpu.wait_dma2 semaphore(%arg7 : memref<!tpu.dma_semaphore, #tpu.memory_space<semaphore_mem>>) src(%dma_wait3A_288 : memref<16x128xf32, #tpu.memory_space<hbm>>) dst(%arg14 : memref<16x128xf32, #tpu.memory_space<vmem>>)
      %slice3A_289 = vector.extract_strided_slice %get3A_11 {offsets = [6], sizes = [1], strides = [1]} : vector<16xi32> to vector<1xi32>
      %squeeze3A_290 = vector.extract %slice3A_289[0] : i32 from vector<1xi32>
      %and3A_291 = arith.constant 127 : i32
      %and3A_292 = arith.andi %squeeze3A_290, %and3A_291 : i32
      %broadcast_in_dim3A_293 = arith.constant 0 : i32
      %broadcast_in_dim3A_294 = vector.broadcast %broadcast_in_dim3A_293 : i32 to vector<16xi32>
      %add3A_295 = vector.broadcast %and3A_292 : i32 to vector<16xi32>
      %add3A_296 = arith.addi %broadcast_in_dim3A_294, %add3A_295 : vector<16xi32>
      %gather3A_297 = tpu.vector_load_idx %arg14[%iota3A, %add3A_296] : memref<16x128xf32, #tpu.memory_space<vmem>>[vector<16xi32>, vector<16xi32>], vector<16xf32>,
      %add3A_298 = arith.constant 6 : i32
      %add3A_299 = arith.addi %mul3A_10, %add3A_298 : i32
      %swap3A_300 = arith.index_cast %add3A_299 : i32 to index
      %swap3A_301 = arith.constant 0 : index
      %swap3A_302 = tpu.vector_load %arg6[%swap3A_300, %swap3A_301] {strides = array<i32>} : memref<256x16xf32, #tpu.memory_space<vmem>>, vector<16xf32>,
      tpu.vector_store %arg6[%swap3A_300, %swap3A_301], %gather3A_297 {strides = array<i32>} : memref<256x16xf32, #tpu.memory_space<vmem>>, vector<16xf32>,
      %dma_wait3A_303 = arith.constant 0 : i32
      %dma_wait3A_304 = tpu.memref_slice %arg3[%dma_wait3A_303, %multiple_of3A_89] : memref<16x1000001xf32, #tpu.memory_space<hbm>> -> memref<16x128xf32, #tpu.memory_space<hbm>>
      %dma_wait3A_305 = arith.constant 0 : i32
      %dma_wait3A_306 = tpu.memref_slice %arg3[%dma_wait3A_305, %multiple_of3A_89] : memref<16x1000001xf32, #tpu.memory_space<hbm>> -> memref<16x128xf32, #tpu.memory_space<hbm>>
      tpu.wait_dma2 semaphore(%arg7 : memref<!tpu.dma_semaphore, #tpu.memory_space<semaphore_mem>>) src(%dma_wait3A_306 : memref<16x128xf32, #tpu.memory_space<hbm>>) dst(%arg15 : memref<16x128xf32, #tpu.memory_space<vmem>>)
      %slice3A_307 = vector.extract_strided_slice %get3A_11 {offsets = [7], sizes = [1], strides = [1]} : vector<16xi32> to vector<1xi32>
      %squeeze3A_308 = vector.extract %slice3A_307[0] : i32 from vector<1xi32>
      %and3A_309 = arith.constant 127 : i32
      %and3A_310 = arith.andi %squeeze3A_308, %and3A_309 : i32
      %broadcast_in_dim3A_311 = arith.constant 0 : i32
      %broadcast_in_dim3A_312 = vector.broadcast %broadcast_in_dim3A_311 : i32 to vector<16xi32>
      %add3A_313 = vector.broadcast %and3A_310 : i32 to vector<16xi32>
      %add3A_314 = arith.addi %broadcast_in_dim3A_312, %add3A_313 : vector<16xi32>
      %gather3A_315 = tpu.vector_load_idx %arg15[%iota3A, %add3A_314] : memref<16x128xf32, #tpu.memory_space<vmem>>[vector<16xi32>, vector<16xi32>], vector<16xf32>,
      %add3A_316 = arith.constant 7 : i32
      %add3A_317 = arith.addi %mul3A_10, %add3A_316 : i32
      %swap3A_318 = arith.index_cast %add3A_317 : i32 to index
      %swap3A_319 = arith.constant 0 : index
      %swap3A_320 = tpu.vector_load %arg6[%swap3A_318, %swap3A_319] {strides = array<i32>} : memref<256x16xf32, #tpu.memory_space<vmem>>, vector<16xf32>,
      tpu.vector_store %arg6[%swap3A_318, %swap3A_319], %gather3A_315 {strides = array<i32>} : memref<256x16xf32, #tpu.memory_space<vmem>>, vector<16xf32>,
      %dma_wait3A_321 = arith.constant 0 : i32
      %dma_wait3A_322 = tpu.memref_slice %arg3[%dma_wait3A_321, %multiple_of3A_100] : memref<16x1000001xf32, #tpu.memory_space<hbm>> -> memref<16x128xf32, #tpu.memory_space<hbm>>
      %dma_wait3A_323 = arith.constant 0 : i32
      %dma_wait3A_324 = tpu.memref_slice %arg3[%dma_wait3A_323, %multiple_of3A_100] : memref<16x1000001xf32, #tpu.memory_space<hbm>> -> memref<16x128xf32, #tpu.memory_space<hbm>>
      tpu.wait_dma2 semaphore(%arg7 : memref<!tpu.dma_semaphore, #tpu.memory_space<semaphore_mem>>) src(%dma_wait3A_324 : memref<16x128xf32, #tpu.memory_space<hbm>>) dst(%arg16 : memref<16x128xf32, #tpu.memory_space<vmem>>)
      %slice3A_325 = vector.extract_strided_slice %get3A_11 {offsets = [8], sizes = [1], strides = [1]} : vector<16xi32> to vector<1xi32>
      %squeeze3A_326 = vector.extract %slice3A_325[0] : i32 from vector<1xi32>
      %and3A_327 = arith.constant 127 : i32
      %and3A_328 = arith.andi %squeeze3A_326, %and3A_327 : i32
      %broadcast_in_dim3A_329 = arith.constant 0 : i32
      %broadcast_in_dim3A_330 = vector.broadcast %broadcast_in_dim3A_329 : i32 to vector<16xi32>
      %add3A_331 = vector.broadcast %and3A_328 : i32 to vector<16xi32>
      %add3A_332 = arith.addi %broadcast_in_dim3A_330, %add3A_331 : vector<16xi32>
      %gather3A_333 = tpu.vector_load_idx %arg16[%iota3A, %add3A_332] : memref<16x128xf32, #tpu.memory_space<vmem>>[vector<16xi32>, vector<16xi32>], vector<16xf32>,
      %add3A_334 = arith.constant 8 : i32
      %add3A_335 = arith.addi %mul3A_10, %add3A_334 : i32
      %swap3A_336 = arith.index_cast %add3A_335 : i32 to index
      %swap3A_337 = arith.constant 0 : index
      %swap3A_338 = tpu.vector_load %arg6[%swap3A_336, %swap3A_337] {strides = array<i32>} : memref<256x16xf32, #tpu.memory_space<vmem>>, vector<16xf32>,
      tpu.vector_store %arg6[%swap3A_336, %swap3A_337], %gather3A_333 {strides = array<i32>} : memref<256x16xf32, #tpu.memory_space<vmem>>, vector<16xf32>,
      %dma_wait3A_339 = arith.constant 0 : i32
      %dma_wait3A_340 = tpu.memref_slice %arg3[%dma_wait3A_339, %multiple_of3A_111] : memref<16x1000001xf32, #tpu.memory_space<hbm>> -> memref<16x128xf32, #tpu.memory_space<hbm>>
      %dma_wait3A_341 = arith.constant 0 : i32
      %dma_wait3A_342 = tpu.memref_slice %arg3[%dma_wait3A_341, %multiple_of3A_111] : memref<16x1000001xf32, #tpu.memory_space<hbm>> -> memref<16x128xf32, #tpu.memory_space<hbm>>
      tpu.wait_dma2 semaphore(%arg7 : memref<!tpu.dma_semaphore, #tpu.memory_space<semaphore_mem>>) src(%dma_wait3A_342 : memref<16x128xf32, #tpu.memory_space<hbm>>) dst(%arg17 : memref<16x128xf32, #tpu.memory_space<vmem>>)
      %slice3A_343 = vector.extract_strided_slice %get3A_11 {offsets = [9], sizes = [1], strides = [1]} : vector<16xi32> to vector<1xi32>
      %squeeze3A_344 = vector.extract %slice3A_343[0] : i32 from vector<1xi32>
      %and3A_345 = arith.constant 127 : i32
      %and3A_346 = arith.andi %squeeze3A_344, %and3A_345 : i32
      %broadcast_in_dim3A_347 = arith.constant 0 : i32
      %broadcast_in_dim3A_348 = vector.broadcast %broadcast_in_dim3A_347 : i32 to vector<16xi32>
      %add3A_349 = vector.broadcast %and3A_346 : i32 to vector<16xi32>
      %add3A_350 = arith.addi %broadcast_in_dim3A_348, %add3A_349 : vector<16xi32>
      %gather3A_351 = tpu.vector_load_idx %arg17[%iota3A, %add3A_350] : memref<16x128xf32, #tpu.memory_space<vmem>>[vector<16xi32>, vector<16xi32>], vector<16xf32>,
      %add3A_352 = arith.constant 9 : i32
      %add3A_353 = arith.addi %mul3A_10, %add3A_352 : i32
      %swap3A_354 = arith.index_cast %add3A_353 : i32 to index
      %swap3A_355 = arith.constant 0 : index
      %swap3A_356 = tpu.vector_load %arg6[%swap3A_354, %swap3A_355] {strides = array<i32>} : memref<256x16xf32, #tpu.memory_space<vmem>>, vector<16xf32>,
      tpu.vector_store %arg6[%swap3A_354, %swap3A_355], %gather3A_351 {strides = array<i32>} : memref<256x16xf32, #tpu.memory_space<vmem>>, vector<16xf32>,
      %dma_wait3A_357 = arith.constant 0 : i32
      %dma_wait3A_358 = tpu.memref_slice %arg3[%dma_wait3A_357, %multiple_of3A_122] : memref<16x1000001xf32, #tpu.memory_space<hbm>> -> memref<16x128xf32, #tpu.memory_space<hbm>>
      %dma_wait3A_359 = arith.constant 0 : i32
      %dma_wait3A_360 = tpu.memref_slice %arg3[%dma_wait3A_359, %multiple_of3A_122] : memref<16x1000001xf32, #tpu.memory_space<hbm>> -> memref<16x128xf32, #tpu.memory_space<hbm>>
      tpu.wait_dma2 semaphore(%arg7 : memref<!tpu.dma_semaphore, #tpu.memory_space<semaphore_mem>>) src(%dma_wait3A_360 : memref<16x128xf32, #tpu.memory_space<hbm>>) dst(%arg18 : memref<16x128xf32, #tpu.memory_space<vmem>>)
      %slice3A_361 = vector.extract_strided_slice %get3A_11 {offsets = [10], sizes = [1], strides = [1]} : vector<16xi32> to vector<1xi32>
      %squeeze3A_362 = vector.extract %slice3A_361[0] : i32 from vector<1xi32>
      %and3A_363 = arith.constant 127 : i32
      %and3A_364 = arith.andi %squeeze3A_362, %and3A_363 : i32
      %broadcast_in_dim3A_365 = arith.constant 0 : i32
      %broadcast_in_dim3A_366 = vector.broadcast %broadcast_in_dim3A_365 : i32 to vector<16xi32>
      %add3A_367 = vector.broadcast %and3A_364 : i32 to vector<16xi32>
      %add3A_368 = arith.addi %broadcast_in_dim3A_366, %add3A_367 : vector<16xi32>
      %gather3A_369 = tpu.vector_load_idx %arg18[%iota3A, %add3A_368] : memref<16x128xf32, #tpu.memory_space<vmem>>[vector<16xi32>, vector<16xi32>], vector<16xf32>,
      %add3A_370 = arith.constant 10 : i32
      %add3A_371 = arith.addi %mul3A_10, %add3A_370 : i32
      %swap3A_372 = arith.index_cast %add3A_371 : i32 to index
      %swap3A_373 = arith.constant 0 : index
      %swap3A_374 = tpu.vector_load %arg6[%swap3A_372, %swap3A_373] {strides = array<i32>} : memref<256x16xf32, #tpu.memory_space<vmem>>, vector<16xf32>,
      tpu.vector_store %arg6[%swap3A_372, %swap3A_373], %gather3A_369 {strides = array<i32>} : memref<256x16xf32, #tpu.memory_space<vmem>>, vector<16xf32>,
      %dma_wait3A_375 = arith.constant 0 : i32
      %dma_wait3A_376 = tpu.memref_slice %arg3[%dma_wait3A_375, %multiple_of3A_133] : memref<16x1000001xf32, #tpu.memory_space<hbm>> -> memref<16x128xf32, #tpu.memory_space<hbm>>
      %dma_wait3A_377 = arith.constant 0 : i32
      %dma_wait3A_378 = tpu.memref_slice %arg3[%dma_wait3A_377, %multiple_of3A_133] : memref<16x1000001xf32, #tpu.memory_space<hbm>> -> memref<16x128xf32, #tpu.memory_space<hbm>>
      tpu.wait_dma2 semaphore(%arg7 : memref<!tpu.dma_semaphore, #tpu.memory_space<semaphore_mem>>) src(%dma_wait3A_378 : memref<16x128xf32, #tpu.memory_space<hbm>>) dst(%arg19 : memref<16x128xf32, #tpu.memory_space<vmem>>)
      %slice3A_379 = vector.extract_strided_slice %get3A_11 {offsets = [11], sizes = [1], strides = [1]} : vector<16xi32> to vector<1xi32>
      %squeeze3A_380 = vector.extract %slice3A_379[0] : i32 from vector<1xi32>
      %and3A_381 = arith.constant 127 : i32
      %and3A_382 = arith.andi %squeeze3A_380, %and3A_381 : i32
      %broadcast_in_dim3A_383 = arith.constant 0 : i32
      %broadcast_in_dim3A_384 = vector.broadcast %broadcast_in_dim3A_383 : i32 to vector<16xi32>
      %add3A_385 = vector.broadcast %and3A_382 : i32 to vector<16xi32>
      %add3A_386 = arith.addi %broadcast_in_dim3A_384, %add3A_385 : vector<16xi32>
      %gather3A_387 = tpu.vector_load_idx %arg19[%iota3A, %add3A_386] : memref<16x128xf32, #tpu.memory_space<vmem>>[vector<16xi32>, vector<16xi32>], vector<16xf32>,
      %add3A_388 = arith.constant 11 : i32
      %add3A_389 = arith.addi %mul3A_10, %add3A_388 : i32
      %swap3A_390 = arith.index_cast %add3A_389 : i32 to index
      %swap3A_391 = arith.constant 0 : index
      %swap3A_392 = tpu.vector_load %arg6[%swap3A_390, %swap3A_391] {strides = array<i32>} : memref<256x16xf32, #tpu.memory_space<vmem>>, vector<16xf32>,
      tpu.vector_store %arg6[%swap3A_390, %swap3A_391], %gather3A_387 {strides = array<i32>} : memref<256x16xf32, #tpu.memory_space<vmem>>, vector<16xf32>,
      %dma_wait3A_393 = arith.constant 0 : i32
      %dma_wait3A_394 = tpu.memref_slice %arg3[%dma_wait3A_393, %multiple_of3A_144] : memref<16x1000001xf32, #tpu.memory_space<hbm>> -> memref<16x128xf32, #tpu.memory_space<hbm>>
      %dma_wait3A_395 = arith.constant 0 : i32
      %dma_wait3A_396 = tpu.memref_slice %arg3[%dma_wait3A_395, %multiple_of3A_144] : memref<16x1000001xf32, #tpu.memory_space<hbm>> -> memref<16x128xf32, #tpu.memory_space<hbm>>
      tpu.wait_dma2 semaphore(%arg7 : memref<!tpu.dma_semaphore, #tpu.memory_space<semaphore_mem>>) src(%dma_wait3A_396 : memref<16x128xf32, #tpu.memory_space<hbm>>) dst(%arg20 : memref<16x128xf32, #tpu.memory_space<vmem>>)
      %slice3A_397 = vector.extract_strided_slice %get3A_11 {offsets = [12], sizes = [1], strides = [1]} : vector<16xi32> to vector<1xi32>
      %squeeze3A_398 = vector.extract %slice3A_397[0] : i32 from vector<1xi32>
      %and3A_399 = arith.constant 127 : i32
      %and3A_400 = arith.andi %squeeze3A_398, %and3A_399 : i32
      %broadcast_in_dim3A_401 = arith.constant 0 : i32
      %broadcast_in_dim3A_402 = vector.broadcast %broadcast_in_dim3A_401 : i32 to vector<16xi32>
      %add3A_403 = vector.broadcast %and3A_400 : i32 to vector<16xi32>
      %add3A_404 = arith.addi %broadcast_in_dim3A_402, %add3A_403 : vector<16xi32>
      %gather3A_405 = tpu.vector_load_idx %arg20[%iota3A, %add3A_404] : memref<16x128xf32, #tpu.memory_space<vmem>>[vector<16xi32>, vector<16xi32>], vector<16xf32>,
      %add3A_406 = arith.constant 12 : i32
      %add3A_407 = arith.addi %mul3A_10, %add3A_406 : i32
      %swap3A_408 = arith.index_cast %add3A_407 : i32 to index
      %swap3A_409 = arith.constant 0 : index
      %swap3A_410 = tpu.vector_load %arg6[%swap3A_408, %swap3A_409] {strides = array<i32>} : memref<256x16xf32, #tpu.memory_space<vmem>>, vector<16xf32>,
      tpu.vector_store %arg6[%swap3A_408, %swap3A_409], %gather3A_405 {strides = array<i32>} : memref<256x16xf32, #tpu.memory_space<vmem>>, vector<16xf32>,
      %dma_wait3A_411 = arith.constant 0 : i32
      %dma_wait3A_412 = tpu.memref_slice %arg3[%dma_wait3A_411, %multiple_of3A_155] : memref<16x1000001xf32, #tpu.memory_space<hbm>> -> memref<16x128xf32, #tpu.memory_space<hbm>>
      %dma_wait3A_413 = arith.constant 0 : i32
      %dma_wait3A_414 = tpu.memref_slice %arg3[%dma_wait3A_413, %multiple_of3A_155] : memref<16x1000001xf32, #tpu.memory_space<hbm>> -> memref<16x128xf32, #tpu.memory_space<hbm>>
      tpu.wait_dma2 semaphore(%arg7 : memref<!tpu.dma_semaphore, #tpu.memory_space<semaphore_mem>>) src(%dma_wait3A_414 : memref<16x128xf32, #tpu.memory_space<hbm>>) dst(%arg21 : memref<16x128xf32, #tpu.memory_space<vmem>>)
      %slice3A_415 = vector.extract_strided_slice %get3A_11 {offsets = [13], sizes = [1], strides = [1]} : vector<16xi32> to vector<1xi32>
      %squeeze3A_416 = vector.extract %slice3A_415[0] : i32 from vector<1xi32>
      %and3A_417 = arith.constant 127 : i32
      %and3A_418 = arith.andi %squeeze3A_416, %and3A_417 : i32
      %broadcast_in_dim3A_419 = arith.constant 0 : i32
      %broadcast_in_dim3A_420 = vector.broadcast %broadcast_in_dim3A_419 : i32 to vector<16xi32>
      %add3A_421 = vector.broadcast %and3A_418 : i32 to vector<16xi32>
      %add3A_422 = arith.addi %broadcast_in_dim3A_420, %add3A_421 : vector<16xi32>
      %gather3A_423 = tpu.vector_load_idx %arg21[%iota3A, %add3A_422] : memref<16x128xf32, #tpu.memory_space<vmem>>[vector<16xi32>, vector<16xi32>], vector<16xf32>,
      %add3A_424 = arith.constant 13 : i32
      %add3A_425 = arith.addi %mul3A_10, %add3A_424 : i32
      %swap3A_426 = arith.index_cast %add3A_425 : i32 to index
      %swap3A_427 = arith.constant 0 : index
      %swap3A_428 = tpu.vector_load %arg6[%swap3A_426, %swap3A_427] {strides = array<i32>} : memref<256x16xf32, #tpu.memory_space<vmem>>, vector<16xf32>,
      tpu.vector_store %arg6[%swap3A_426, %swap3A_427], %gather3A_423 {strides = array<i32>} : memref<256x16xf32, #tpu.memory_space<vmem>>, vector<16xf32>,
      %dma_wait3A_429 = arith.constant 0 : i32
      %dma_wait3A_430 = tpu.memref_slice %arg3[%dma_wait3A_429, %multiple_of3A_166] : memref<16x1000001xf32, #tpu.memory_space<hbm>> -> memref<16x128xf32, #tpu.memory_space<hbm>>
      %dma_wait3A_431 = arith.constant 0 : i32
      %dma_wait3A_432 = tpu.memref_slice %arg3[%dma_wait3A_431, %multiple_of3A_166] : memref<16x1000001xf32, #tpu.memory_space<hbm>> -> memref<16x128xf32, #tpu.memory_space<hbm>>
      tpu.wait_dma2 semaphore(%arg7 : memref<!tpu.dma_semaphore, #tpu.memory_space<semaphore_mem>>) src(%dma_wait3A_432 : memref<16x128xf32, #tpu.memory_space<hbm>>) dst(%arg22 : memref<16x128xf32, #tpu.memory_space<vmem>>)
      %slice3A_433 = vector.extract_strided_slice %get3A_11 {offsets = [14], sizes = [1], strides = [1]} : vector<16xi32> to vector<1xi32>
      %squeeze3A_434 = vector.extract %slice3A_433[0] : i32 from vector<1xi32>
      %and3A_435 = arith.constant 127 : i32
      %and3A_436 = arith.andi %squeeze3A_434, %and3A_435 : i32
      %broadcast_in_dim3A_437 = arith.constant 0 : i32
      %broadcast_in_dim3A_438 = vector.broadcast %broadcast_in_dim3A_437 : i32 to vector<16xi32>
      %add3A_439 = vector.broadcast %and3A_436 : i32 to vector<16xi32>
      %add3A_440 = arith.addi %broadcast_in_dim3A_438, %add3A_439 : vector<16xi32>
      %gather3A_441 = tpu.vector_load_idx %arg22[%iota3A, %add3A_440] : memref<16x128xf32, #tpu.memory_space<vmem>>[vector<16xi32>, vector<16xi32>], vector<16xf32>,
      %add3A_442 = arith.constant 14 : i32
      %add3A_443 = arith.addi %mul3A_10, %add3A_442 : i32
      %swap3A_444 = arith.index_cast %add3A_443 : i32 to index
      %swap3A_445 = arith.constant 0 : index
      %swap3A_446 = tpu.vector_load %arg6[%swap3A_444, %swap3A_445] {strides = array<i32>} : memref<256x16xf32, #tpu.memory_space<vmem>>, vector<16xf32>,
      tpu.vector_store %arg6[%swap3A_444, %swap3A_445], %gather3A_441 {strides = array<i32>} : memref<256x16xf32, #tpu.memory_space<vmem>>, vector<16xf32>,
      %dma_wait3A_447 = arith.constant 0 : i32
      %dma_wait3A_448 = tpu.memref_slice %arg3[%dma_wait3A_447, %multiple_of3A_177] : memref<16x1000001xf32, #tpu.memory_space<hbm>> -> memref<16x128xf32, #tpu.memory_space<hbm>>
      %dma_wait3A_449 = arith.constant 0 : i32
      %dma_wait3A_450 = tpu.memref_slice %arg3[%dma_wait3A_449, %multiple_of3A_177] : memref<16x1000001xf32, #tpu.memory_space<hbm>> -> memref<16x128xf32, #tpu.memory_space<hbm>>
      tpu.wait_dma2 semaphore(%arg7 : memref<!tpu.dma_semaphore, #tpu.memory_space<semaphore_mem>>) src(%dma_wait3A_450 : memref<16x128xf32, #tpu.memory_space<hbm>>) dst(%arg23 : memref<16x128xf32, #tpu.memory_space<vmem>>)
      %slice3A_451 = vector.extract_strided_slice %get3A_11 {offsets = [15], sizes = [1], strides = [1]} : vector<16xi32> to vector<1xi32>
      %squeeze3A_452 = vector.extract %slice3A_451[0] : i32 from vector<1xi32>
      %and3A_453 = arith.constant 127 : i32
      %and3A_454 = arith.andi %squeeze3A_452, %and3A_453 : i32
      %broadcast_in_dim3A_455 = arith.constant 0 : i32
      %broadcast_in_dim3A_456 = vector.broadcast %broadcast_in_dim3A_455 : i32 to vector<16xi32>
      %add3A_457 = vector.broadcast %and3A_454 : i32 to vector<16xi32>
      %add3A_458 = arith.addi %broadcast_in_dim3A_456, %add3A_457 : vector<16xi32>
      %gather3A_459 = tpu.vector_load_idx %arg23[%iota3A, %add3A_458] : memref<16x128xf32, #tpu.memory_space<vmem>>[vector<16xi32>, vector<16xi32>], vector<16xf32>,
      %add3A_460 = arith.constant 15 : i32
      %add3A_461 = arith.addi %mul3A_10, %add3A_460 : i32
      %swap3A_462 = arith.index_cast %add3A_461 : i32 to index
      %swap3A_463 = arith.constant 0 : index
      %swap3A_464 = tpu.vector_load %arg6[%swap3A_462, %swap3A_463] {strides = array<i32>} : memref<256x16xf32, #tpu.memory_space<vmem>>, vector<16xf32>,
      tpu.vector_store %arg6[%swap3A_462, %swap3A_463], %gather3A_459 {strides = array<i32>} : memref<256x16xf32, #tpu.memory_space<vmem>>, vector<16xf32>,
    }
    %scan3A_7 = arith.constant 16 : i32
    "tpu.region"() ({
      %run_scoped3A = tpu.sem_alloc : memref<!tpu.dma_semaphore, #tpu.memory_space<semaphore_mem>>
      %dma_start3A = arith.constant 0 : i32
      %dma_start3A_8 = tpu.memref_slice %arg4[%mul3A_2, %dma_start3A] : memref<8192x16xf32, #tpu.memory_space<hbm>> -> memref<256x16xf32, #tpu.memory_space<hbm>>
      %dma_start3A_9 = arith.constant 0 : i32
      %dma_start3A_10 = tpu.memref_slice %arg4[%mul3A_2, %dma_start3A_9] : memref<8192x16xf32, #tpu.memory_space<hbm>> -> memref<256x16xf32, #tpu.memory_space<hbm>>
      tpu.enqueue_dma source(%arg6 : memref<256x16xf32, #tpu.memory_space<vmem>>) target(%dma_start3A_10 : memref<256x16xf32, #tpu.memory_space<hbm>>) target_semaphore(%run_scoped3A : memref<!tpu.dma_semaphore, #tpu.memory_space<semaphore_mem>>)
      %dma_wait3A = arith.constant 0 : i32
      %dma_wait3A_11 = tpu.memref_slice %arg4[%mul3A_2, %dma_wait3A] : memref<8192x16xf32, #tpu.memory_space<hbm>> -> memref<256x16xf32, #tpu.memory_space<hbm>>
      %dma_wait3A_12 = arith.constant 0 : i32
      %dma_wait3A_13 = tpu.memref_slice %arg4[%mul3A_2, %dma_wait3A_12] : memref<8192x16xf32, #tpu.memory_space<hbm>> -> memref<256x16xf32, #tpu.memory_space<hbm>>
      tpu.wait_dma2 semaphore(%run_scoped3A : memref<!tpu.dma_semaphore, #tpu.memory_space<semaphore_mem>>) src(%arg6 : memref<256x16xf32, #tpu.memory_space<vmem>>) dst(%dma_wait3A_13 : memref<256x16xf32, #tpu.memory_space<hbm>>)
      tpu.yield
    }) : () -> ()
    return
  }
}

#map = affine_map<(d0, d1) -> (0)>
#map1 = affine_map<(d0, d1) -> (0, 0)>
module attributes {stable_mosaic.version = 14 : i64} {
  func.func @_gather_body(%arg0: i32, %arg1: i32, %arg2: memref<8192xi32, #tpu.memory_space<hbm>>, %arg3: memref<16x1000001xf32, #tpu.memory_space<hbm>>, %arg4: memref<8192x16xf32, #tpu.memory_space<hbm>>, %arg5: memref<256xi32, #tpu.memory_space<vmem>>, %arg6: memref<256x16xf32, #tpu.memory_space<vmem>>, %arg7: memref<!tpu.dma_semaphore, #tpu.memory_space<semaphore_mem>>, %arg8: memref<16x128xf32, #tpu.memory_space<vmem>>, %arg9: memref<16x128xf32, #tpu.memory_space<vmem>>, %arg10: memref<16x128xf32, #tpu.memory_space<vmem>>, %arg11: memref<16x128xf32, #tpu.memory_space<vmem>>, %arg12: memref<16x128xf32, #tpu.memory_space<vmem>>, %arg13: memref<16x128xf32, #tpu.memory_space<vmem>>, %arg14: memref<16x128xf32, #tpu.memory_space<vmem>>, %arg15: memref<16x128xf32, #tpu.memory_space<vmem>>, %arg16: memref<16x128xf32, #tpu.memory_space<vmem>>, %arg17: memref<16x128xf32, #tpu.memory_space<vmem>>, %arg18: memref<16x128xf32, #tpu.memory_space<vmem>>, %arg19: memref<16x128xf32, #tpu.memory_space<vmem>>, %arg20: memref<16x128xf32, #tpu.memory_space<vmem>>, %arg21: memref<16x128xf32, #tpu.memory_space<vmem>>, %arg22: memref<16x128xf32, #tpu.memory_space<vmem>>, %arg23: memref<16x128xf32, #tpu.memory_space<vmem>>) attributes {dimension_semantics = [#tpu.dimension_semantics<core_parallel>, #tpu.dimension_semantics<subcore_parallel>], iteration_bounds = array<i64: 2, 16>, scalar_prefetch = 0 : i64, scratch_operands = 19 : i64, tpu.core_type = #tpu.core_type<sc_vector_subcore>, window_params = [{transform_indices = #map}, {transform_indices = #map1}, {transform_indices = #map1}]} {
    %mul3A = arith.constant 2 : i32
    %mul3A_0 = arith.muli %arg1, %mul3A : i32
    %add3A = arith.addi %mul3A_0, %arg0 : i32
    %mul3A_1 = arith.constant 256 : i32
    %mul3A_2 = arith.muli %add3A, %mul3A_1 : i32
    "tpu.region"() ({
      %run_scoped3A = tpu.sem_alloc : memref<!tpu.dma_semaphore, #tpu.memory_space<semaphore_mem>>
      %dma_start3A = tpu.memref_slice %arg2[%mul3A_2] : memref<8192xi32, #tpu.memory_space<hbm>> -> memref<256xi32, #tpu.memory_space<hbm>>
      %dma_start3A_8 = tpu.memref_slice %arg2[%mul3A_2] : memref<8192xi32, #tpu.memory_space<hbm>> -> memref<256xi32, #tpu.memory_space<hbm>>
      tpu.enqueue_dma source(%dma_start3A_8 : memref<256xi32, #tpu.memory_space<hbm>>) target(%arg5 : memref<256xi32, #tpu.memory_space<vmem>>) target_semaphore(%run_scoped3A : memref<!tpu.dma_semaphore, #tpu.memory_space<semaphore_mem>>)
      %dma_wait3A = tpu.memref_slice %arg2[%mul3A_2] : memref<8192xi32, #tpu.memory_space<hbm>> -> memref<256xi32, #tpu.memory_space<hbm>>
      %dma_wait3A_9 = tpu.memref_slice %arg2[%mul3A_2] : memref<8192xi32, #tpu.memory_space<hbm>> -> memref<256xi32, #tpu.memory_space<hbm>>
      tpu.wait_dma2 semaphore(%run_scoped3A : memref<!tpu.dma_semaphore, #tpu.memory_space<semaphore_mem>>) src(%dma_wait3A_9 : memref<256xi32, #tpu.memory_space<hbm>>) dst(%arg5 : memref<256xi32, #tpu.memory_space<vmem>>)
      tpu.yield
    }) : () -> ()
    %iota3A = tpu.iota {dimensions = array<i32: 0>} : vector<16xi32>
    %scan3A = arith.constant 0 : i32
    %scan3A_3 = arith.constant 0 : i32
    %scan3A_4 = arith.constant 16 : i32
    %scan3A_5 = arith.addi %scan3A_3, %scan3A_4 : i32
    %scan3A_6 = arith.constant 1 : i32
    scf.for %scan3A_8 = %scan3A_3 to %scan3A_5 step %scan3A_6  : i32 {
      %mul3A_9 = arith.constant 16 : i32
      %mul3A_10 = arith.muli %scan3A_8, %mul3A_9 : i32
      %get3A = arith.index_cast %mul3A_10 : i32 to index
      %get3A_11 = tpu.vector_load %arg5[%get3A] {strides = array<i32>} : memref<256xi32, #tpu.memory_space<vmem>>, vector<16xi32>,
      %slice3A = vector.extract_strided_slice %get3A_11 {offsets = [0], sizes = [1], strides = [1]} : vector<16xi32> to vector<1xi32>
      %squeeze3A = vector.extract %slice3A[0] : i32 from vector<1xi32>
      %shift_right_logical3A = arith.constant 7 : i32
      %shift_right_logical3A_12 = arith.shrui %squeeze3A, %shift_right_logical3A : i32
      %shift_left3A = arith.constant 7 : i32
      %shift_left3A_13 = arith.shli %shift_right_logical3A_12, %shift_left3A : i32
      %multiple_of3A = tpu.assume_multiple %shift_left3A_13, 128 : i32
      %dma_start3A = arith.constant 0 : i32
      %dma_start3A_14 = tpu.memref_slice %arg3[%dma_start3A, %multiple_of3A] : memref<16x1000001xf32, #tpu.memory_space<hbm>> -> memref<16x128xf32, #tpu.memory_space<hbm>>
      %dma_start3A_15 = arith.constant 0 : i32
      %dma_start3A_16 = tpu.memref_slice %arg3[%dma_start3A_15, %multiple_of3A] : memref<16x1000001xf32, #tpu.memory_space<hbm>> -> memref<16x128xf32, #tpu.memory_space<hbm>>
      tpu.enqueue_dma source(%dma_start3A_16 : memref<16x128xf32, #tpu.memory_space<hbm>>) target(%arg8 : memref<16x128xf32, #tpu.memory_space<vmem>>) target_semaphore(%arg7 : memref<!tpu.dma_semaphore, #tpu.memory_space<semaphore_mem>>)
      %slice3A_17 = vector.extract_strided_slice %get3A_11 {offsets = [1], sizes = [1], strides = [1]} : vector<16xi32> to vector<1xi32>
      %squeeze3A_18 = vector.extract %slice3A_17[0] : i32 from vector<1xi32>
      %shift_right_logical3A_19 = arith.constant 7 : i32
      %shift_right_logical3A_20 = arith.shrui %squeeze3A_18, %shift_right_logical3A_19 : i32
      %shift_left3A_21 = arith.constant 7 : i32
      %shift_left3A_22 = arith.shli %shift_right_logical3A_20, %shift_left3A_21 : i32
      %multiple_of3A_23 = tpu.assume_multiple %shift_left3A_22, 128 : i32
      %dma_start3A_24 = arith.constant 0 : i32
      %dma_start3A_25 = tpu.memref_slice %arg3[%dma_start3A_24, %multiple_of3A_23] : memref<16x1000001xf32, #tpu.memory_space<hbm>> -> memref<16x128xf32, #tpu.memory_space<hbm>>
      %dma_start3A_26 = arith.constant 0 : i32
      %dma_start3A_27 = tpu.memref_slice %arg3[%dma_start3A_26, %multiple_of3A_23] : memref<16x1000001xf32, #tpu.memory_space<hbm>> -> memref<16x128xf32, #tpu.memory_space<hbm>>
      tpu.enqueue_dma source(%dma_start3A_27 : memref<16x128xf32, #tpu.memory_space<hbm>>) target(%arg9 : memref<16x128xf32, #tpu.memory_space<vmem>>) target_semaphore(%arg7 : memref<!tpu.dma_semaphore, #tpu.memory_space<semaphore_mem>>)
      %slice3A_28 = vector.extract_strided_slice %get3A_11 {offsets = [2], sizes = [1], strides = [1]} : vector<16xi32> to vector<1xi32>
      %squeeze3A_29 = vector.extract %slice3A_28[0] : i32 from vector<1xi32>
      %shift_right_logical3A_30 = arith.constant 7 : i32
      %shift_right_logical3A_31 = arith.shrui %squeeze3A_29, %shift_right_logical3A_30 : i32
      %shift_left3A_32 = arith.constant 7 : i32
      %shift_left3A_33 = arith.shli %shift_right_logical3A_31, %shift_left3A_32 : i32
      %multiple_of3A_34 = tpu.assume_multiple %shift_left3A_33, 128 : i32
      %dma_start3A_35 = arith.constant 0 : i32
      %dma_start3A_36 = tpu.memref_slice %arg3[%dma_start3A_35, %multiple_of3A_34] : memref<16x1000001xf32, #tpu.memory_space<hbm>> -> memref<16x128xf32, #tpu.memory_space<hbm>>
      %dma_start3A_37 = arith.constant 0 : i32
      %dma_start3A_38 = tpu.memref_slice %arg3[%dma_start3A_37, %multiple_of3A_34] : memref<16x1000001xf32, #tpu.memory_space<hbm>> -> memref<16x128xf32, #tpu.memory_space<hbm>>
      tpu.enqueue_dma source(%dma_start3A_38 : memref<16x128xf32, #tpu.memory_space<hbm>>) target(%arg10 : memref<16x128xf32, #tpu.memory_space<vmem>>) target_semaphore(%arg7 : memref<!tpu.dma_semaphore, #tpu.memory_space<semaphore_mem>>)
      %slice3A_39 = vector.extract_strided_slice %get3A_11 {offsets = [3], sizes = [1], strides = [1]} : vector<16xi32> to vector<1xi32>
      %squeeze3A_40 = vector.extract %slice3A_39[0] : i32 from vector<1xi32>
      %shift_right_logical3A_41 = arith.constant 7 : i32
      %shift_right_logical3A_42 = arith.shrui %squeeze3A_40, %shift_right_logical3A_41 : i32
      %shift_left3A_43 = arith.constant 7 : i32
      %shift_left3A_44 = arith.shli %shift_right_logical3A_42, %shift_left3A_43 : i32
      %multiple_of3A_45 = tpu.assume_multiple %shift_left3A_44, 128 : i32
      %dma_start3A_46 = arith.constant 0 : i32
      %dma_start3A_47 = tpu.memref_slice %arg3[%dma_start3A_46, %multiple_of3A_45] : memref<16x1000001xf32, #tpu.memory_space<hbm>> -> memref<16x128xf32, #tpu.memory_space<hbm>>
      %dma_start3A_48 = arith.constant 0 : i32
      %dma_start3A_49 = tpu.memref_slice %arg3[%dma_start3A_48, %multiple_of3A_45] : memref<16x1000001xf32, #tpu.memory_space<hbm>> -> memref<16x128xf32, #tpu.memory_space<hbm>>
      tpu.enqueue_dma source(%dma_start3A_49 : memref<16x128xf32, #tpu.memory_space<hbm>>) target(%arg11 : memref<16x128xf32, #tpu.memory_space<vmem>>) target_semaphore(%arg7 : memref<!tpu.dma_semaphore, #tpu.memory_space<semaphore_mem>>)
      %slice3A_50 = vector.extract_strided_slice %get3A_11 {offsets = [4], sizes = [1], strides = [1]} : vector<16xi32> to vector<1xi32>
      %squeeze3A_51 = vector.extract %slice3A_50[0] : i32 from vector<1xi32>
      %shift_right_logical3A_52 = arith.constant 7 : i32
      %shift_right_logical3A_53 = arith.shrui %squeeze3A_51, %shift_right_logical3A_52 : i32
      %shift_left3A_54 = arith.constant 7 : i32
      %shift_left3A_55 = arith.shli %shift_right_logical3A_53, %shift_left3A_54 : i32
      %multiple_of3A_56 = tpu.assume_multiple %shift_left3A_55, 128 : i32
      %dma_start3A_57 = arith.constant 0 : i32
      %dma_start3A_58 = tpu.memref_slice %arg3[%dma_start3A_57, %multiple_of3A_56] : memref<16x1000001xf32, #tpu.memory_space<hbm>> -> memref<16x128xf32, #tpu.memory_space<hbm>>
      %dma_start3A_59 = arith.constant 0 : i32
      %dma_start3A_60 = tpu.memref_slice %arg3[%dma_start3A_59, %multiple_of3A_56] : memref<16x1000001xf32, #tpu.memory_space<hbm>> -> memref<16x128xf32, #tpu.memory_space<hbm>>
      tpu.enqueue_dma source(%dma_start3A_60 : memref<16x128xf32, #tpu.memory_space<hbm>>) target(%arg12 : memref<16x128xf32, #tpu.memory_space<vmem>>) target_semaphore(%arg7 : memref<!tpu.dma_semaphore, #tpu.memory_space<semaphore_mem>>)
      %slice3A_61 = vector.extract_strided_slice %get3A_11 {offsets = [5], sizes = [1], strides = [1]} : vector<16xi32> to vector<1xi32>
      %squeeze3A_62 = vector.extract %slice3A_61[0] : i32 from vector<1xi32>
      %shift_right_logical3A_63 = arith.constant 7 : i32
      %shift_right_logical3A_64 = arith.shrui %squeeze3A_62, %shift_right_logical3A_63 : i32
      %shift_left3A_65 = arith.constant 7 : i32
      %shift_left3A_66 = arith.shli %shift_right_logical3A_64, %shift_left3A_65 : i32
      %multiple_of3A_67 = tpu.assume_multiple %shift_left3A_66, 128 : i32
      %dma_start3A_68 = arith.constant 0 : i32
      %dma_start3A_69 = tpu.memref_slice %arg3[%dma_start3A_68, %multiple_of3A_67] : memref<16x1000001xf32, #tpu.memory_space<hbm>> -> memref<16x128xf32, #tpu.memory_space<hbm>>
      %dma_start3A_70 = arith.constant 0 : i32
      %dma_start3A_71 = tpu.memref_slice %arg3[%dma_start3A_70, %multiple_of3A_67] : memref<16x1000001xf32, #tpu.memory_space<hbm>> -> memref<16x128xf32, #tpu.memory_space<hbm>>
      tpu.enqueue_dma source(%dma_start3A_71 : memref<16x128xf32, #tpu.memory_space<hbm>>) target(%arg13 : memref<16x128xf32, #tpu.memory_space<vmem>>) target_semaphore(%arg7 : memref<!tpu.dma_semaphore, #tpu.memory_space<semaphore_mem>>)
      %slice3A_72 = vector.extract_strided_slice %get3A_11 {offsets = [6], sizes = [1], strides = [1]} : vector<16xi32> to vector<1xi32>
      %squeeze3A_73 = vector.extract %slice3A_72[0] : i32 from vector<1xi32>
      %shift_right_logical3A_74 = arith.constant 7 : i32
      %shift_right_logical3A_75 = arith.shrui %squeeze3A_73, %shift_right_logical3A_74 : i32
      %shift_left3A_76 = arith.constant 7 : i32
      %shift_left3A_77 = arith.shli %shift_right_logical3A_75, %shift_left3A_76 : i32
      %multiple_of3A_78 = tpu.assume_multiple %shift_left3A_77, 128 : i32
      %dma_start3A_79 = arith.constant 0 : i32
      %dma_start3A_80 = tpu.memref_slice %arg3[%dma_start3A_79, %multiple_of3A_78] : memref<16x1000001xf32, #tpu.memory_space<hbm>> -> memref<16x128xf32, #tpu.memory_space<hbm>>
      %dma_start3A_81 = arith.constant 0 : i32
      %dma_start3A_82 = tpu.memref_slice %arg3[%dma_start3A_81, %multiple_of3A_78] : memref<16x1000001xf32, #tpu.memory_space<hbm>> -> memref<16x128xf32, #tpu.memory_space<hbm>>
      tpu.enqueue_dma source(%dma_start3A_82 : memref<16x128xf32, #tpu.memory_space<hbm>>) target(%arg14 : memref<16x128xf32, #tpu.memory_space<vmem>>) target_semaphore(%arg7 : memref<!tpu.dma_semaphore, #tpu.memory_space<semaphore_mem>>)
      %slice3A_83 = vector.extract_strided_slice %get3A_11 {offsets = [7], sizes = [1], strides = [1]} : vector<16xi32> to vector<1xi32>
      %squeeze3A_84 = vector.extract %slice3A_83[0] : i32 from vector<1xi32>
      %shift_right_logical3A_85 = arith.constant 7 : i32
      %shift_right_logical3A_86 = arith.shrui %squeeze3A_84, %shift_right_logical3A_85 : i32
      %shift_left3A_87 = arith.constant 7 : i32
      %shift_left3A_88 = arith.shli %shift_right_logical3A_86, %shift_left3A_87 : i32
      %multiple_of3A_89 = tpu.assume_multiple %shift_left3A_88, 128 : i32
      %dma_start3A_90 = arith.constant 0 : i32
      %dma_start3A_91 = tpu.memref_slice %arg3[%dma_start3A_90, %multiple_of3A_89] : memref<16x1000001xf32, #tpu.memory_space<hbm>> -> memref<16x128xf32, #tpu.memory_space<hbm>>
      %dma_start3A_92 = arith.constant 0 : i32
      %dma_start3A_93 = tpu.memref_slice %arg3[%dma_start3A_92, %multiple_of3A_89] : memref<16x1000001xf32, #tpu.memory_space<hbm>> -> memref<16x128xf32, #tpu.memory_space<hbm>>
      tpu.enqueue_dma source(%dma_start3A_93 : memref<16x128xf32, #tpu.memory_space<hbm>>) target(%arg15 : memref<16x128xf32, #tpu.memory_space<vmem>>) target_semaphore(%arg7 : memref<!tpu.dma_semaphore, #tpu.memory_space<semaphore_mem>>)
      %slice3A_94 = vector.extract_strided_slice %get3A_11 {offsets = [8], sizes = [1], strides = [1]} : vector<16xi32> to vector<1xi32>
      %squeeze3A_95 = vector.extract %slice3A_94[0] : i32 from vector<1xi32>
      %shift_right_logical3A_96 = arith.constant 7 : i32
      %shift_right_logical3A_97 = arith.shrui %squeeze3A_95, %shift_right_logical3A_96 : i32
      %shift_left3A_98 = arith.constant 7 : i32
      %shift_left3A_99 = arith.shli %shift_right_logical3A_97, %shift_left3A_98 : i32
      %multiple_of3A_100 = tpu.assume_multiple %shift_left3A_99, 128 : i32
      %dma_start3A_101 = arith.constant 0 : i32
      %dma_start3A_102 = tpu.memref_slice %arg3[%dma_start3A_101, %multiple_of3A_100] : memref<16x1000001xf32, #tpu.memory_space<hbm>> -> memref<16x128xf32, #tpu.memory_space<hbm>>
      %dma_start3A_103 = arith.constant 0 : i32
      %dma_start3A_104 = tpu.memref_slice %arg3[%dma_start3A_103, %multiple_of3A_100] : memref<16x1000001xf32, #tpu.memory_space<hbm>> -> memref<16x128xf32, #tpu.memory_space<hbm>>
      tpu.enqueue_dma source(%dma_start3A_104 : memref<16x128xf32, #tpu.memory_space<hbm>>) target(%arg16 : memref<16x128xf32, #tpu.memory_space<vmem>>) target_semaphore(%arg7 : memref<!tpu.dma_semaphore, #tpu.memory_space<semaphore_mem>>)
      %slice3A_105 = vector.extract_strided_slice %get3A_11 {offsets = [9], sizes = [1], strides = [1]} : vector<16xi32> to vector<1xi32>
      %squeeze3A_106 = vector.extract %slice3A_105[0] : i32 from vector<1xi32>
      %shift_right_logical3A_107 = arith.constant 7 : i32
      %shift_right_logical3A_108 = arith.shrui %squeeze3A_106, %shift_right_logical3A_107 : i32
      %shift_left3A_109 = arith.constant 7 : i32
      %shift_left3A_110 = arith.shli %shift_right_logical3A_108, %shift_left3A_109 : i32
      %multiple_of3A_111 = tpu.assume_multiple %shift_left3A_110, 128 : i32
      %dma_start3A_112 = arith.constant 0 : i32
      %dma_start3A_113 = tpu.memref_slice %arg3[%dma_start3A_112, %multiple_of3A_111] : memref<16x1000001xf32, #tpu.memory_space<hbm>> -> memref<16x128xf32, #tpu.memory_space<hbm>>
      %dma_start3A_114 = arith.constant 0 : i32
      %dma_start3A_115 = tpu.memref_slice %arg3[%dma_start3A_114, %multiple_of3A_111] : memref<16x1000001xf32, #tpu.memory_space<hbm>> -> memref<16x128xf32, #tpu.memory_space<hbm>>
      tpu.enqueue_dma source(%dma_start3A_115 : memref<16x128xf32, #tpu.memory_space<hbm>>) target(%arg17 : memref<16x128xf32, #tpu.memory_space<vmem>>) target_semaphore(%arg7 : memref<!tpu.dma_semaphore, #tpu.memory_space<semaphore_mem>>)
      %slice3A_116 = vector.extract_strided_slice %get3A_11 {offsets = [10], sizes = [1], strides = [1]} : vector<16xi32> to vector<1xi32>
      %squeeze3A_117 = vector.extract %slice3A_116[0] : i32 from vector<1xi32>
      %shift_right_logical3A_118 = arith.constant 7 : i32
      %shift_right_logical3A_119 = arith.shrui %squeeze3A_117, %shift_right_logical3A_118 : i32
      %shift_left3A_120 = arith.constant 7 : i32
      %shift_left3A_121 = arith.shli %shift_right_logical3A_119, %shift_left3A_120 : i32
      %multiple_of3A_122 = tpu.assume_multiple %shift_left3A_121, 128 : i32
      %dma_start3A_123 = arith.constant 0 : i32
      %dma_start3A_124 = tpu.memref_slice %arg3[%dma_start3A_123, %multiple_of3A_122] : memref<16x1000001xf32, #tpu.memory_space<hbm>> -> memref<16x128xf32, #tpu.memory_space<hbm>>
      %dma_start3A_125 = arith.constant 0 : i32
      %dma_start3A_126 = tpu.memref_slice %arg3[%dma_start3A_125, %multiple_of3A_122] : memref<16x1000001xf32, #tpu.memory_space<hbm>> -> memref<16x128xf32, #tpu.memory_space<hbm>>
      tpu.enqueue_dma source(%dma_start3A_126 : memref<16x128xf32, #tpu.memory_space<hbm>>) target(%arg18 : memref<16x128xf32, #tpu.memory_space<vmem>>) target_semaphore(%arg7 : memref<!tpu.dma_semaphore, #tpu.memory_space<semaphore_mem>>)
      %slice3A_127 = vector.extract_strided_slice %get3A_11 {offsets = [11], sizes = [1], strides = [1]} : vector<16xi32> to vector<1xi32>
      %squeeze3A_128 = vector.extract %slice3A_127[0] : i32 from vector<1xi32>
      %shift_right_logical3A_129 = arith.constant 7 : i32
      %shift_right_logical3A_130 = arith.shrui %squeeze3A_128, %shift_right_logical3A_129 : i32
      %shift_left3A_131 = arith.constant 7 : i32
      %shift_left3A_132 = arith.shli %shift_right_logical3A_130, %shift_left3A_131 : i32
      %multiple_of3A_133 = tpu.assume_multiple %shift_left3A_132, 128 : i32
      %dma_start3A_134 = arith.constant 0 : i32
      %dma_start3A_135 = tpu.memref_slice %arg3[%dma_start3A_134, %multiple_of3A_133] : memref<16x1000001xf32, #tpu.memory_space<hbm>> -> memref<16x128xf32, #tpu.memory_space<hbm>>
      %dma_start3A_136 = arith.constant 0 : i32
      %dma_start3A_137 = tpu.memref_slice %arg3[%dma_start3A_136, %multiple_of3A_133] : memref<16x1000001xf32, #tpu.memory_space<hbm>> -> memref<16x128xf32, #tpu.memory_space<hbm>>
      tpu.enqueue_dma source(%dma_start3A_137 : memref<16x128xf32, #tpu.memory_space<hbm>>) target(%arg19 : memref<16x128xf32, #tpu.memory_space<vmem>>) target_semaphore(%arg7 : memref<!tpu.dma_semaphore, #tpu.memory_space<semaphore_mem>>)
      %slice3A_138 = vector.extract_strided_slice %get3A_11 {offsets = [12], sizes = [1], strides = [1]} : vector<16xi32> to vector<1xi32>
      %squeeze3A_139 = vector.extract %slice3A_138[0] : i32 from vector<1xi32>
      %shift_right_logical3A_140 = arith.constant 7 : i32
      %shift_right_logical3A_141 = arith.shrui %squeeze3A_139, %shift_right_logical3A_140 : i32
      %shift_left3A_142 = arith.constant 7 : i32
      %shift_left3A_143 = arith.shli %shift_right_logical3A_141, %shift_left3A_142 : i32
      %multiple_of3A_144 = tpu.assume_multiple %shift_left3A_143, 128 : i32
      %dma_start3A_145 = arith.constant 0 : i32
      %dma_start3A_146 = tpu.memref_slice %arg3[%dma_start3A_145, %multiple_of3A_144] : memref<16x1000001xf32, #tpu.memory_space<hbm>> -> memref<16x128xf32, #tpu.memory_space<hbm>>
      %dma_start3A_147 = arith.constant 0 : i32
      %dma_start3A_148 = tpu.memref_slice %arg3[%dma_start3A_147, %multiple_of3A_144] : memref<16x1000001xf32, #tpu.memory_space<hbm>> -> memref<16x128xf32, #tpu.memory_space<hbm>>
      tpu.enqueue_dma source(%dma_start3A_148 : memref<16x128xf32, #tpu.memory_space<hbm>>) target(%arg20 : memref<16x128xf32, #tpu.memory_space<vmem>>) target_semaphore(%arg7 : memref<!tpu.dma_semaphore, #tpu.memory_space<semaphore_mem>>)
      %slice3A_149 = vector.extract_strided_slice %get3A_11 {offsets = [13], sizes = [1], strides = [1]} : vector<16xi32> to vector<1xi32>
      %squeeze3A_150 = vector.extract %slice3A_149[0] : i32 from vector<1xi32>
      %shift_right_logical3A_151 = arith.constant 7 : i32
      %shift_right_logical3A_152 = arith.shrui %squeeze3A_150, %shift_right_logical3A_151 : i32
      %shift_left3A_153 = arith.constant 7 : i32
      %shift_left3A_154 = arith.shli %shift_right_logical3A_152, %shift_left3A_153 : i32
      %multiple_of3A_155 = tpu.assume_multiple %shift_left3A_154, 128 : i32
      %dma_start3A_156 = arith.constant 0 : i32
      %dma_start3A_157 = tpu.memref_slice %arg3[%dma_start3A_156, %multiple_of3A_155] : memref<16x1000001xf32, #tpu.memory_space<hbm>> -> memref<16x128xf32, #tpu.memory_space<hbm>>
      %dma_start3A_158 = arith.constant 0 : i32
      %dma_start3A_159 = tpu.memref_slice %arg3[%dma_start3A_158, %multiple_of3A_155] : memref<16x1000001xf32, #tpu.memory_space<hbm>> -> memref<16x128xf32, #tpu.memory_space<hbm>>
      tpu.enqueue_dma source(%dma_start3A_159 : memref<16x128xf32, #tpu.memory_space<hbm>>) target(%arg21 : memref<16x128xf32, #tpu.memory_space<vmem>>) target_semaphore(%arg7 : memref<!tpu.dma_semaphore, #tpu.memory_space<semaphore_mem>>)
      %slice3A_160 = vector.extract_strided_slice %get3A_11 {offsets = [14], sizes = [1], strides = [1]} : vector<16xi32> to vector<1xi32>
      %squeeze3A_161 = vector.extract %slice3A_160[0] : i32 from vector<1xi32>
      %shift_right_logical3A_162 = arith.constant 7 : i32
      %shift_right_logical3A_163 = arith.shrui %squeeze3A_161, %shift_right_logical3A_162 : i32
      %shift_left3A_164 = arith.constant 7 : i32
      %shift_left3A_165 = arith.shli %shift_right_logical3A_163, %shift_left3A_164 : i32
      %multiple_of3A_166 = tpu.assume_multiple %shift_left3A_165, 128 : i32
      %dma_start3A_167 = arith.constant 0 : i32
      %dma_start3A_168 = tpu.memref_slice %arg3[%dma_start3A_167, %multiple_of3A_166] : memref<16x1000001xf32, #tpu.memory_space<hbm>> -> memref<16x128xf32, #tpu.memory_space<hbm>>
      %dma_start3A_169 = arith.constant 0 : i32
      %dma_start3A_170 = tpu.memref_slice %arg3[%dma_start3A_169, %multiple_of3A_166] : memref<16x1000001xf32, #tpu.memory_space<hbm>> -> memref<16x128xf32, #tpu.memory_space<hbm>>
      tpu.enqueue_dma source(%dma_start3A_170 : memref<16x128xf32, #tpu.memory_space<hbm>>) target(%arg22 : memref<16x128xf32, #tpu.memory_space<vmem>>) target_semaphore(%arg7 : memref<!tpu.dma_semaphore, #tpu.memory_space<semaphore_mem>>)
      %slice3A_171 = vector.extract_strided_slice %get3A_11 {offsets = [15], sizes = [1], strides = [1]} : vector<16xi32> to vector<1xi32>
      %squeeze3A_172 = vector.extract %slice3A_171[0] : i32 from vector<1xi32>
      %shift_right_logical3A_173 = arith.constant 7 : i32
      %shift_right_logical3A_174 = arith.shrui %squeeze3A_172, %shift_right_logical3A_173 : i32
      %shift_left3A_175 = arith.constant 7 : i32
      %shift_left3A_176 = arith.shli %shift_right_logical3A_174, %shift_left3A_175 : i32
      %multiple_of3A_177 = tpu.assume_multiple %shift_left3A_176, 128 : i32
      %dma_start3A_178 = arith.constant 0 : i32
      %dma_start3A_179 = tpu.memref_slice %arg3[%dma_start3A_178, %multiple_of3A_177] : memref<16x1000001xf32, #tpu.memory_space<hbm>> -> memref<16x128xf32, #tpu.memory_space<hbm>>
      %dma_start3A_180 = arith.constant 0 : i32
      %dma_start3A_181 = tpu.memref_slice %arg3[%dma_start3A_180, %multiple_of3A_177] : memref<16x1000001xf32, #tpu.memory_space<hbm>> -> memref<16x128xf32, #tpu.memory_space<hbm>>
      tpu.enqueue_dma source(%dma_start3A_181 : memref<16x128xf32, #tpu.memory_space<hbm>>) target(%arg23 : memref<16x128xf32, #tpu.memory_space<vmem>>) target_semaphore(%arg7 : memref<!tpu.dma_semaphore, #tpu.memory_space<semaphore_mem>>)
      %dma_wait3A = arith.constant 0 : i32
      %dma_wait3A_182 = tpu.memref_slice %arg3[%dma_wait3A, %multiple_of3A] : memref<16x1000001xf32, #tpu.memory_space<hbm>> -> memref<16x128xf32, #tpu.memory_space<hbm>>
      %dma_wait3A_183 = arith.constant 0 : i32
      %dma_wait3A_184 = tpu.memref_slice %arg3[%dma_wait3A_183, %multiple_of3A] : memref<16x1000001xf32, #tpu.memory_space<hbm>> -> memref<16x128xf32, #tpu.memory_space<hbm>>
      tpu.wait_dma2 semaphore(%arg7 : memref<!tpu.dma_semaphore, #tpu.memory_space<semaphore_mem>>) src(%dma_wait3A_184 : memref<16x128xf32, #tpu.memory_space<hbm>>) dst(%arg8 : memref<16x128xf32, #tpu.memory_space<vmem>>)
      %slice3A_185 = vector.extract_strided_slice %get3A_11 {offsets = [0], sizes = [1], strides = [1]} : vector<16xi32> to vector<1xi32>
      %squeeze3A_186 = vector.extract %slice3A_185[0] : i32 from vector<1xi32>
      %and3A = arith.constant 127 : i32
      %and3A_187 = arith.andi %squeeze3A_186, %and3A : i32
      %broadcast_in_dim3A = arith.constant 0 : i32
      %broadcast_in_dim3A_188 = vector.broadcast %broadcast_in_dim3A : i32 to vector<16xi32>
      %add3A_189 = vector.broadcast %and3A_187 : i32 to vector<16xi32>
      %add3A_190 = arith.addi %broadcast_in_dim3A_188, %add3A_189 : vector<16xi32>
      %gather3A = tpu.vector_load_idx %arg8[%iota3A, %add3A_190] : memref<16x128xf32, #tpu.memory_space<vmem>>[vector<16xi32>, vector<16xi32>], vector<16xf32>,
      %add3A_191 = arith.constant 0 : i32
      %add3A_192 = arith.addi %mul3A_10, %add3A_191 : i32
      %swap3A = arith.index_cast %add3A_192 : i32 to index
      %swap3A_193 = arith.constant 0 : index
      %swap3A_194 = tpu.vector_load %arg6[%swap3A, %swap3A_193] {strides = array<i32>} : memref<256x16xf32, #tpu.memory_space<vmem>>, vector<16xf32>,
      tpu.vector_store %arg6[%swap3A, %swap3A_193], %gather3A {strides = array<i32>} : memref<256x16xf32, #tpu.memory_space<vmem>>, vector<16xf32>,
      %dma_wait3A_195 = arith.constant 0 : i32
      %dma_wait3A_196 = tpu.memref_slice %arg3[%dma_wait3A_195, %multiple_of3A_23] : memref<16x1000001xf32, #tpu.memory_space<hbm>> -> memref<16x128xf32, #tpu.memory_space<hbm>>
      %dma_wait3A_197 = arith.constant 0 : i32
      %dma_wait3A_198 = tpu.memref_slice %arg3[%dma_wait3A_197, %multiple_of3A_23] : memref<16x1000001xf32, #tpu.memory_space<hbm>> -> memref<16x128xf32, #tpu.memory_space<hbm>>
      tpu.wait_dma2 semaphore(%arg7 : memref<!tpu.dma_semaphore, #tpu.memory_space<semaphore_mem>>) src(%dma_wait3A_198 : memref<16x128xf32, #tpu.memory_space<hbm>>) dst(%arg9 : memref<16x128xf32, #tpu.memory_space<vmem>>)
      %slice3A_199 = vector.extract_strided_slice %get3A_11 {offsets = [1], sizes = [1], strides = [1]} : vector<16xi32> to vector<1xi32>
      %squeeze3A_200 = vector.extract %slice3A_199[0] : i32 from vector<1xi32>
      %and3A_201 = arith.constant 127 : i32
      %and3A_202 = arith.andi %squeeze3A_200, %and3A_201 : i32
      %broadcast_in_dim3A_203 = arith.constant 0 : i32
      %broadcast_in_dim3A_204 = vector.broadcast %broadcast_in_dim3A_203 : i32 to vector<16xi32>
      %add3A_205 = vector.broadcast %and3A_202 : i32 to vector<16xi32>
      %add3A_206 = arith.addi %broadcast_in_dim3A_204, %add3A_205 : vector<16xi32>
      %gather3A_207 = tpu.vector_load_idx %arg9[%iota3A, %add3A_206] : memref<16x128xf32, #tpu.memory_space<vmem>>[vector<16xi32>, vector<16xi32>], vector<16xf32>,
      %add3A_208 = arith.constant 1 : i32
      %add3A_209 = arith.addi %mul3A_10, %add3A_208 : i32
      %swap3A_210 = arith.index_cast %add3A_209 : i32 to index
      %swap3A_211 = arith.constant 0 : index
      %swap3A_212 = tpu.vector_load %arg6[%swap3A_210, %swap3A_211] {strides = array<i32>} : memref<256x16xf32, #tpu.memory_space<vmem>>, vector<16xf32>,
      tpu.vector_store %arg6[%swap3A_210, %swap3A_211], %gather3A_207 {strides = array<i32>} : memref<256x16xf32, #tpu.memory_space<vmem>>, vector<16xf32>,
      %dma_wait3A_213 = arith.constant 0 : i32
      %dma_wait3A_214 = tpu.memref_slice %arg3[%dma_wait3A_213, %multiple_of3A_34] : memref<16x1000001xf32, #tpu.memory_space<hbm>> -> memref<16x128xf32, #tpu.memory_space<hbm>>
      %dma_wait3A_215 = arith.constant 0 : i32
      %dma_wait3A_216 = tpu.memref_slice %arg3[%dma_wait3A_215, %multiple_of3A_34] : memref<16x1000001xf32, #tpu.memory_space<hbm>> -> memref<16x128xf32, #tpu.memory_space<hbm>>
      tpu.wait_dma2 semaphore(%arg7 : memref<!tpu.dma_semaphore, #tpu.memory_space<semaphore_mem>>) src(%dma_wait3A_216 : memref<16x128xf32, #tpu.memory_space<hbm>>) dst(%arg10 : memref<16x128xf32, #tpu.memory_space<vmem>>)
      %slice3A_217 = vector.extract_strided_slice %get3A_11 {offsets = [2], sizes = [1], strides = [1]} : vector<16xi32> to vector<1xi32>
      %squeeze3A_218 = vector.extract %slice3A_217[0] : i32 from vector<1xi32>
      %and3A_219 = arith.constant 127 : i32
      %and3A_220 = arith.andi %squeeze3A_218, %and3A_219 : i32
      %broadcast_in_dim3A_221 = arith.constant 0 : i32
      %broadcast_in_dim3A_222 = vector.broadcast %broadcast_in_dim3A_221 : i32 to vector<16xi32>
      %add3A_223 = vector.broadcast %and3A_220 : i32 to vector<16xi32>
      %add3A_224 = arith.addi %broadcast_in_dim3A_222, %add3A_223 : vector<16xi32>
      %gather3A_225 = tpu.vector_load_idx %arg10[%iota3A, %add3A_224] : memref<16x128xf32, #tpu.memory_space<vmem>>[vector<16xi32>, vector<16xi32>], vector<16xf32>,
      %add3A_226 = arith.constant 2 : i32
      %add3A_227 = arith.addi %mul3A_10, %add3A_226 : i32
      %swap3A_228 = arith.index_cast %add3A_227 : i32 to index
      %swap3A_229 = arith.constant 0 : index
      %swap3A_230 = tpu.vector_load %arg6[%swap3A_228, %swap3A_229] {strides = array<i32>} : memref<256x16xf32, #tpu.memory_space<vmem>>, vector<16xf32>,
      tpu.vector_store %arg6[%swap3A_228, %swap3A_229], %gather3A_225 {strides = array<i32>} : memref<256x16xf32, #tpu.memory_space<vmem>>, vector<16xf32>,
      %dma_wait3A_231 = arith.constant 0 : i32
      %dma_wait3A_232 = tpu.memref_slice %arg3[%dma_wait3A_231, %multiple_of3A_45] : memref<16x1000001xf32, #tpu.memory_space<hbm>> -> memref<16x128xf32, #tpu.memory_space<hbm>>
      %dma_wait3A_233 = arith.constant 0 : i32
      %dma_wait3A_234 = tpu.memref_slice %arg3[%dma_wait3A_233, %multiple_of3A_45] : memref<16x1000001xf32, #tpu.memory_space<hbm>> -> memref<16x128xf32, #tpu.memory_space<hbm>>
      tpu.wait_dma2 semaphore(%arg7 : memref<!tpu.dma_semaphore, #tpu.memory_space<semaphore_mem>>) src(%dma_wait3A_234 : memref<16x128xf32, #tpu.memory_space<hbm>>) dst(%arg11 : memref<16x128xf32, #tpu.memory_space<vmem>>)
      %slice3A_235 = vector.extract_strided_slice %get3A_11 {offsets = [3], sizes = [1], strides = [1]} : vector<16xi32> to vector<1xi32>
      %squeeze3A_236 = vector.extract %slice3A_235[0] : i32 from vector<1xi32>
      %and3A_237 = arith.constant 127 : i32
      %and3A_238 = arith.andi %squeeze3A_236, %and3A_237 : i32
      %broadcast_in_dim3A_239 = arith.constant 0 : i32
      %broadcast_in_dim3A_240 = vector.broadcast %broadcast_in_dim3A_239 : i32 to vector<16xi32>
      %add3A_241 = vector.broadcast %and3A_238 : i32 to vector<16xi32>
      %add3A_242 = arith.addi %broadcast_in_dim3A_240, %add3A_241 : vector<16xi32>
      %gather3A_243 = tpu.vector_load_idx %arg11[%iota3A, %add3A_242] : memref<16x128xf32, #tpu.memory_space<vmem>>[vector<16xi32>, vector<16xi32>], vector<16xf32>,
      %add3A_244 = arith.constant 3 : i32
      %add3A_245 = arith.addi %mul3A_10, %add3A_244 : i32
      %swap3A_246 = arith.index_cast %add3A_245 : i32 to index
      %swap3A_247 = arith.constant 0 : index
      %swap3A_248 = tpu.vector_load %arg6[%swap3A_246, %swap3A_247] {strides = array<i32>} : memref<256x16xf32, #tpu.memory_space<vmem>>, vector<16xf32>,
      tpu.vector_store %arg6[%swap3A_246, %swap3A_247], %gather3A_243 {strides = array<i32>} : memref<256x16xf32, #tpu.memory_space<vmem>>, vector<16xf32>,
      %dma_wait3A_249 = arith.constant 0 : i32
      %dma_wait3A_250 = tpu.memref_slice %arg3[%dma_wait3A_249, %multiple_of3A_56] : memref<16x1000001xf32, #tpu.memory_space<hbm>> -> memref<16x128xf32, #tpu.memory_space<hbm>>
      %dma_wait3A_251 = arith.constant 0 : i32
      %dma_wait3A_252 = tpu.memref_slice %arg3[%dma_wait3A_251, %multiple_of3A_56] : memref<16x1000001xf32, #tpu.memory_space<hbm>> -> memref<16x128xf32, #tpu.memory_space<hbm>>
      tpu.wait_dma2 semaphore(%arg7 : memref<!tpu.dma_semaphore, #tpu.memory_space<semaphore_mem>>) src(%dma_wait3A_252 : memref<16x128xf32, #tpu.memory_space<hbm>>) dst(%arg12 : memref<16x128xf32, #tpu.memory_space<vmem>>)
      %slice3A_253 = vector.extract_strided_slice %get3A_11 {offsets = [4], sizes = [1], strides = [1]} : vector<16xi32> to vector<1xi32>
      %squeeze3A_254 = vector.extract %slice3A_253[0] : i32 from vector<1xi32>
      %and3A_255 = arith.constant 127 : i32
      %and3A_256 = arith.andi %squeeze3A_254, %and3A_255 : i32
      %broadcast_in_dim3A_257 = arith.constant 0 : i32
      %broadcast_in_dim3A_258 = vector.broadcast %broadcast_in_dim3A_257 : i32 to vector<16xi32>
      %add3A_259 = vector.broadcast %and3A_256 : i32 to vector<16xi32>
      %add3A_260 = arith.addi %broadcast_in_dim3A_258, %add3A_259 : vector<16xi32>
      %gather3A_261 = tpu.vector_load_idx %arg12[%iota3A, %add3A_260] : memref<16x128xf32, #tpu.memory_space<vmem>>[vector<16xi32>, vector<16xi32>], vector<16xf32>,
      %add3A_262 = arith.constant 4 : i32
      %add3A_263 = arith.addi %mul3A_10, %add3A_262 : i32
      %swap3A_264 = arith.index_cast %add3A_263 : i32 to index
      %swap3A_265 = arith.constant 0 : index
      %swap3A_266 = tpu.vector_load %arg6[%swap3A_264, %swap3A_265] {strides = array<i32>} : memref<256x16xf32, #tpu.memory_space<vmem>>, vector<16xf32>,
      tpu.vector_store %arg6[%swap3A_264, %swap3A_265], %gather3A_261 {strides = array<i32>} : memref<256x16xf32, #tpu.memory_space<vmem>>, vector<16xf32>,
      %dma_wait3A_267 = arith.constant 0 : i32
      %dma_wait3A_268 = tpu.memref_slice %arg3[%dma_wait3A_267, %multiple_of3A_67] : memref<16x1000001xf32, #tpu.memory_space<hbm>> -> memref<16x128xf32, #tpu.memory_space<hbm>>
      %dma_wait3A_269 = arith.constant 0 : i32
      %dma_wait3A_270 = tpu.memref_slice %arg3[%dma_wait3A_269, %multiple_of3A_67] : memref<16x1000001xf32, #tpu.memory_space<hbm>> -> memref<16x128xf32, #tpu.memory_space<hbm>>
      tpu.wait_dma2 semaphore(%arg7 : memref<!tpu.dma_semaphore, #tpu.memory_space<semaphore_mem>>) src(%dma_wait3A_270 : memref<16x128xf32, #tpu.memory_space<hbm>>) dst(%arg13 : memref<16x128xf32, #tpu.memory_space<vmem>>)
      %slice3A_271 = vector.extract_strided_slice %get3A_11 {offsets = [5], sizes = [1], strides = [1]} : vector<16xi32> to vector<1xi32>
      %squeeze3A_272 = vector.extract %slice3A_271[0] : i32 from vector<1xi32>
      %and3A_273 = arith.constant 127 : i32
      %and3A_274 = arith.andi %squeeze3A_272, %and3A_273 : i32
      %broadcast_in_dim3A_275 = arith.constant 0 : i32
      %broadcast_in_dim3A_276 = vector.broadcast %broadcast_in_dim3A_275 : i32 to vector<16xi32>
      %add3A_277 = vector.broadcast %and3A_274 : i32 to vector<16xi32>
      %add3A_278 = arith.addi %broadcast_in_dim3A_276, %add3A_277 : vector<16xi32>
      %gather3A_279 = tpu.vector_load_idx %arg13[%iota3A, %add3A_278] : memref<16x128xf32, #tpu.memory_space<vmem>>[vector<16xi32>, vector<16xi32>], vector<16xf32>,
      %add3A_280 = arith.constant 5 : i32
      %add3A_281 = arith.addi %mul3A_10, %add3A_280 : i32
      %swap3A_282 = arith.index_cast %add3A_281 : i32 to index
      %swap3A_283 = arith.constant 0 : index
      %swap3A_284 = tpu.vector_load %arg6[%swap3A_282, %swap3A_283] {strides = array<i32>} : memref<256x16xf32, #tpu.memory_space<vmem>>, vector<16xf32>,
      tpu.vector_store %arg6[%swap3A_282, %swap3A_283], %gather3A_279 {strides = array<i32>} : memref<256x16xf32, #tpu.memory_space<vmem>>, vector<16xf32>,
      %dma_wait3A_285 = arith.constant 0 : i32
      %dma_wait3A_286 = tpu.memref_slice %arg3[%dma_wait3A_285, %multiple_of3A_78] : memref<16x1000001xf32, #tpu.memory_space<hbm>> -> memref<16x128xf32, #tpu.memory_space<hbm>>
      %dma_wait3A_287 = arith.constant 0 : i32
      %dma_wait3A_288 = tpu.memref_slice %arg3[%dma_wait3A_287, %multiple_of3A_78] : memref<16x1000001xf32, #tpu.memory_space<hbm>> -> memref<16x128xf32, #tpu.memory_space<hbm>>
      tpu.wait_dma2 semaphore(%arg7 : memref<!tpu.dma_semaphore, #tpu.memory_space<semaphore_mem>>) src(%dma_wait3A_288 : memref<16x128xf32, #tpu.memory_space<hbm>>) dst(%arg14 : memref<16x128xf32, #tpu.memory_space<vmem>>)
      %slice3A_289 = vector.extract_strided_slice %get3A_11 {offsets = [6], sizes = [1], strides = [1]} : vector<16xi32> to vector<1xi32>
      %squeeze3A_290 = vector.extract %slice3A_289[0] : i32 from vector<1xi32>
      %and3A_291 = arith.constant 127 : i32
      %and3A_292 = arith.andi %squeeze3A_290, %and3A_291 : i32
      %broadcast_in_dim3A_293 = arith.constant 0 : i32
      %broadcast_in_dim3A_294 = vector.broadcast %broadcast_in_dim3A_293 : i32 to vector<16xi32>
      %add3A_295 = vector.broadcast %and3A_292 : i32 to vector<16xi32>
      %add3A_296 = arith.addi %broadcast_in_dim3A_294, %add3A_295 : vector<16xi32>
      %gather3A_297 = tpu.vector_load_idx %arg14[%iota3A, %add3A_296] : memref<16x128xf32, #tpu.memory_space<vmem>>[vector<16xi32>, vector<16xi32>], vector<16xf32>,
      %add3A_298 = arith.constant 6 : i32
      %add3A_299 = arith.addi %mul3A_10, %add3A_298 : i32
      %swap3A_300 = arith.index_cast %add3A_299 : i32 to index
      %swap3A_301 = arith.constant 0 : index
      %swap3A_302 = tpu.vector_load %arg6[%swap3A_300, %swap3A_301] {strides = array<i32>} : memref<256x16xf32, #tpu.memory_space<vmem>>, vector<16xf32>,
      tpu.vector_store %arg6[%swap3A_300, %swap3A_301], %gather3A_297 {strides = array<i32>} : memref<256x16xf32, #tpu.memory_space<vmem>>, vector<16xf32>,
      %dma_wait3A_303 = arith.constant 0 : i32
      %dma_wait3A_304 = tpu.memref_slice %arg3[%dma_wait3A_303, %multiple_of3A_89] : memref<16x1000001xf32, #tpu.memory_space<hbm>> -> memref<16x128xf32, #tpu.memory_space<hbm>>
      %dma_wait3A_305 = arith.constant 0 : i32
      %dma_wait3A_306 = tpu.memref_slice %arg3[%dma_wait3A_305, %multiple_of3A_89] : memref<16x1000001xf32, #tpu.memory_space<hbm>> -> memref<16x128xf32, #tpu.memory_space<hbm>>
      tpu.wait_dma2 semaphore(%arg7 : memref<!tpu.dma_semaphore, #tpu.memory_space<semaphore_mem>>) src(%dma_wait3A_306 : memref<16x128xf32, #tpu.memory_space<hbm>>) dst(%arg15 : memref<16x128xf32, #tpu.memory_space<vmem>>)
      %slice3A_307 = vector.extract_strided_slice %get3A_11 {offsets = [7], sizes = [1], strides = [1]} : vector<16xi32> to vector<1xi32>
      %squeeze3A_308 = vector.extract %slice3A_307[0] : i32 from vector<1xi32>
      %and3A_309 = arith.constant 127 : i32
      %and3A_310 = arith.andi %squeeze3A_308, %and3A_309 : i32
      %broadcast_in_dim3A_311 = arith.constant 0 : i32
      %broadcast_in_dim3A_312 = vector.broadcast %broadcast_in_dim3A_311 : i32 to vector<16xi32>
      %add3A_313 = vector.broadcast %and3A_310 : i32 to vector<16xi32>
      %add3A_314 = arith.addi %broadcast_in_dim3A_312, %add3A_313 : vector<16xi32>
      %gather3A_315 = tpu.vector_load_idx %arg15[%iota3A, %add3A_314] : memref<16x128xf32, #tpu.memory_space<vmem>>[vector<16xi32>, vector<16xi32>], vector<16xf32>,
      %add3A_316 = arith.constant 7 : i32
      %add3A_317 = arith.addi %mul3A_10, %add3A_316 : i32
      %swap3A_318 = arith.index_cast %add3A_317 : i32 to index
      %swap3A_319 = arith.constant 0 : index
      %swap3A_320 = tpu.vector_load %arg6[%swap3A_318, %swap3A_319] {strides = array<i32>} : memref<256x16xf32, #tpu.memory_space<vmem>>, vector<16xf32>,
      tpu.vector_store %arg6[%swap3A_318, %swap3A_319], %gather3A_315 {strides = array<i32>} : memref<256x16xf32, #tpu.memory_space<vmem>>, vector<16xf32>,
      %dma_wait3A_321 = arith.constant 0 : i32
      %dma_wait3A_322 = tpu.memref_slice %arg3[%dma_wait3A_321, %multiple_of3A_100] : memref<16x1000001xf32, #tpu.memory_space<hbm>> -> memref<16x128xf32, #tpu.memory_space<hbm>>
      %dma_wait3A_323 = arith.constant 0 : i32
      %dma_wait3A_324 = tpu.memref_slice %arg3[%dma_wait3A_323, %multiple_of3A_100] : memref<16x1000001xf32, #tpu.memory_space<hbm>> -> memref<16x128xf32, #tpu.memory_space<hbm>>
      tpu.wait_dma2 semaphore(%arg7 : memref<!tpu.dma_semaphore, #tpu.memory_space<semaphore_mem>>) src(%dma_wait3A_324 : memref<16x128xf32, #tpu.memory_space<hbm>>) dst(%arg16 : memref<16x128xf32, #tpu.memory_space<vmem>>)
      %slice3A_325 = vector.extract_strided_slice %get3A_11 {offsets = [8], sizes = [1], strides = [1]} : vector<16xi32> to vector<1xi32>
      %squeeze3A_326 = vector.extract %slice3A_325[0] : i32 from vector<1xi32>
      %and3A_327 = arith.constant 127 : i32
      %and3A_328 = arith.andi %squeeze3A_326, %and3A_327 : i32
      %broadcast_in_dim3A_329 = arith.constant 0 : i32
      %broadcast_in_dim3A_330 = vector.broadcast %broadcast_in_dim3A_329 : i32 to vector<16xi32>
      %add3A_331 = vector.broadcast %and3A_328 : i32 to vector<16xi32>
      %add3A_332 = arith.addi %broadcast_in_dim3A_330, %add3A_331 : vector<16xi32>
      %gather3A_333 = tpu.vector_load_idx %arg16[%iota3A, %add3A_332] : memref<16x128xf32, #tpu.memory_space<vmem>>[vector<16xi32>, vector<16xi32>], vector<16xf32>,
      %add3A_334 = arith.constant 8 : i32
      %add3A_335 = arith.addi %mul3A_10, %add3A_334 : i32
      %swap3A_336 = arith.index_cast %add3A_335 : i32 to index
      %swap3A_337 = arith.constant 0 : index
      %swap3A_338 = tpu.vector_load %arg6[%swap3A_336, %swap3A_337] {strides = array<i32>} : memref<256x16xf32, #tpu.memory_space<vmem>>, vector<16xf32>,
      tpu.vector_store %arg6[%swap3A_336, %swap3A_337], %gather3A_333 {strides = array<i32>} : memref<256x16xf32, #tpu.memory_space<vmem>>, vector<16xf32>,
      %dma_wait3A_339 = arith.constant 0 : i32
      %dma_wait3A_340 = tpu.memref_slice %arg3[%dma_wait3A_339, %multiple_of3A_111] : memref<16x1000001xf32, #tpu.memory_space<hbm>> -> memref<16x128xf32, #tpu.memory_space<hbm>>
      %dma_wait3A_341 = arith.constant 0 : i32
      %dma_wait3A_342 = tpu.memref_slice %arg3[%dma_wait3A_341, %multiple_of3A_111] : memref<16x1000001xf32, #tpu.memory_space<hbm>> -> memref<16x128xf32, #tpu.memory_space<hbm>>
      tpu.wait_dma2 semaphore(%arg7 : memref<!tpu.dma_semaphore, #tpu.memory_space<semaphore_mem>>) src(%dma_wait3A_342 : memref<16x128xf32, #tpu.memory_space<hbm>>) dst(%arg17 : memref<16x128xf32, #tpu.memory_space<vmem>>)
      %slice3A_343 = vector.extract_strided_slice %get3A_11 {offsets = [9], sizes = [1], strides = [1]} : vector<16xi32> to vector<1xi32>
      %squeeze3A_344 = vector.extract %slice3A_343[0] : i32 from vector<1xi32>
      %and3A_345 = arith.constant 127 : i32
      %and3A_346 = arith.andi %squeeze3A_344, %and3A_345 : i32
      %broadcast_in_dim3A_347 = arith.constant 0 : i32
      %broadcast_in_dim3A_348 = vector.broadcast %broadcast_in_dim3A_347 : i32 to vector<16xi32>
      %add3A_349 = vector.broadcast %and3A_346 : i32 to vector<16xi32>
      %add3A_350 = arith.addi %broadcast_in_dim3A_348, %add3A_349 : vector<16xi32>
      %gather3A_351 = tpu.vector_load_idx %arg17[%iota3A, %add3A_350] : memref<16x128xf32, #tpu.memory_space<vmem>>[vector<16xi32>, vector<16xi32>], vector<16xf32>,
      %add3A_352 = arith.constant 9 : i32
      %add3A_353 = arith.addi %mul3A_10, %add3A_352 : i32
      %swap3A_354 = arith.index_cast %add3A_353 : i32 to index
      %swap3A_355 = arith.constant 0 : index
      %swap3A_356 = tpu.vector_load %arg6[%swap3A_354, %swap3A_355] {strides = array<i32>} : memref<256x16xf32, #tpu.memory_space<vmem>>, vector<16xf32>,
      tpu.vector_store %arg6[%swap3A_354, %swap3A_355], %gather3A_351 {strides = array<i32>} : memref<256x16xf32, #tpu.memory_space<vmem>>, vector<16xf32>,
      %dma_wait3A_357 = arith.constant 0 : i32
      %dma_wait3A_358 = tpu.memref_slice %arg3[%dma_wait3A_357, %multiple_of3A_122] : memref<16x1000001xf32, #tpu.memory_space<hbm>> -> memref<16x128xf32, #tpu.memory_space<hbm>>
      %dma_wait3A_359 = arith.constant 0 : i32
      %dma_wait3A_360 = tpu.memref_slice %arg3[%dma_wait3A_359, %multiple_of3A_122] : memref<16x1000001xf32, #tpu.memory_space<hbm>> -> memref<16x128xf32, #tpu.memory_space<hbm>>
      tpu.wait_dma2 semaphore(%arg7 : memref<!tpu.dma_semaphore, #tpu.memory_space<semaphore_mem>>) src(%dma_wait3A_360 : memref<16x128xf32, #tpu.memory_space<hbm>>) dst(%arg18 : memref<16x128xf32, #tpu.memory_space<vmem>>)
      %slice3A_361 = vector.extract_strided_slice %get3A_11 {offsets = [10], sizes = [1], strides = [1]} : vector<16xi32> to vector<1xi32>
      %squeeze3A_362 = vector.extract %slice3A_361[0] : i32 from vector<1xi32>
      %and3A_363 = arith.constant 127 : i32
      %and3A_364 = arith.andi %squeeze3A_362, %and3A_363 : i32
      %broadcast_in_dim3A_365 = arith.constant 0 : i32
      %broadcast_in_dim3A_366 = vector.broadcast %broadcast_in_dim3A_365 : i32 to vector<16xi32>
      %add3A_367 = vector.broadcast %and3A_364 : i32 to vector<16xi32>
      %add3A_368 = arith.addi %broadcast_in_dim3A_366, %add3A_367 : vector<16xi32>
      %gather3A_369 = tpu.vector_load_idx %arg18[%iota3A, %add3A_368] : memref<16x128xf32, #tpu.memory_space<vmem>>[vector<16xi32>, vector<16xi32>], vector<16xf32>,
      %add3A_370 = arith.constant 10 : i32
      %add3A_371 = arith.addi %mul3A_10, %add3A_370 : i32
      %swap3A_372 = arith.index_cast %add3A_371 : i32 to index
      %swap3A_373 = arith.constant 0 : index
      %swap3A_374 = tpu.vector_load %arg6[%swap3A_372, %swap3A_373] {strides = array<i32>} : memref<256x16xf32, #tpu.memory_space<vmem>>, vector<16xf32>,
      tpu.vector_store %arg6[%swap3A_372, %swap3A_373], %gather3A_369 {strides = array<i32>} : memref<256x16xf32, #tpu.memory_space<vmem>>, vector<16xf32>,
      %dma_wait3A_375 = arith.constant 0 : i32
      %dma_wait3A_376 = tpu.memref_slice %arg3[%dma_wait3A_375, %multiple_of3A_133] : memref<16x1000001xf32, #tpu.memory_space<hbm>> -> memref<16x128xf32, #tpu.memory_space<hbm>>
      %dma_wait3A_377 = arith.constant 0 : i32
      %dma_wait3A_378 = tpu.memref_slice %arg3[%dma_wait3A_377, %multiple_of3A_133] : memref<16x1000001xf32, #tpu.memory_space<hbm>> -> memref<16x128xf32, #tpu.memory_space<hbm>>
      tpu.wait_dma2 semaphore(%arg7 : memref<!tpu.dma_semaphore, #tpu.memory_space<semaphore_mem>>) src(%dma_wait3A_378 : memref<16x128xf32, #tpu.memory_space<hbm>>) dst(%arg19 : memref<16x128xf32, #tpu.memory_space<vmem>>)
      %slice3A_379 = vector.extract_strided_slice %get3A_11 {offsets = [11], sizes = [1], strides = [1]} : vector<16xi32> to vector<1xi32>
      %squeeze3A_380 = vector.extract %slice3A_379[0] : i32 from vector<1xi32>
      %and3A_381 = arith.constant 127 : i32
      %and3A_382 = arith.andi %squeeze3A_380, %and3A_381 : i32
      %broadcast_in_dim3A_383 = arith.constant 0 : i32
      %broadcast_in_dim3A_384 = vector.broadcast %broadcast_in_dim3A_383 : i32 to vector<16xi32>
      %add3A_385 = vector.broadcast %and3A_382 : i32 to vector<16xi32>
      %add3A_386 = arith.addi %broadcast_in_dim3A_384, %add3A_385 : vector<16xi32>
      %gather3A_387 = tpu.vector_load_idx %arg19[%iota3A, %add3A_386] : memref<16x128xf32, #tpu.memory_space<vmem>>[vector<16xi32>, vector<16xi32>], vector<16xf32>,
      %add3A_388 = arith.constant 11 : i32
      %add3A_389 = arith.addi %mul3A_10, %add3A_388 : i32
      %swap3A_390 = arith.index_cast %add3A_389 : i32 to index
      %swap3A_391 = arith.constant 0 : index
      %swap3A_392 = tpu.vector_load %arg6[%swap3A_390, %swap3A_391] {strides = array<i32>} : memref<256x16xf32, #tpu.memory_space<vmem>>, vector<16xf32>,
      tpu.vector_store %arg6[%swap3A_390, %swap3A_391], %gather3A_387 {strides = array<i32>} : memref<256x16xf32, #tpu.memory_space<vmem>>, vector<16xf32>,
      %dma_wait3A_393 = arith.constant 0 : i32
      %dma_wait3A_394 = tpu.memref_slice %arg3[%dma_wait3A_393, %multiple_of3A_144] : memref<16x1000001xf32, #tpu.memory_space<hbm>> -> memref<16x128xf32, #tpu.memory_space<hbm>>
      %dma_wait3A_395 = arith.constant 0 : i32
      %dma_wait3A_396 = tpu.memref_slice %arg3[%dma_wait3A_395, %multiple_of3A_144] : memref<16x1000001xf32, #tpu.memory_space<hbm>> -> memref<16x128xf32, #tpu.memory_space<hbm>>
      tpu.wait_dma2 semaphore(%arg7 : memref<!tpu.dma_semaphore, #tpu.memory_space<semaphore_mem>>) src(%dma_wait3A_396 : memref<16x128xf32, #tpu.memory_space<hbm>>) dst(%arg20 : memref<16x128xf32, #tpu.memory_space<vmem>>)
      %slice3A_397 = vector.extract_strided_slice %get3A_11 {offsets = [12], sizes = [1], strides = [1]} : vector<16xi32> to vector<1xi32>
      %squeeze3A_398 = vector.extract %slice3A_397[0] : i32 from vector<1xi32>
      %and3A_399 = arith.constant 127 : i32
      %and3A_400 = arith.andi %squeeze3A_398, %and3A_399 : i32
      %broadcast_in_dim3A_401 = arith.constant 0 : i32
      %broadcast_in_dim3A_402 = vector.broadcast %broadcast_in_dim3A_401 : i32 to vector<16xi32>
      %add3A_403 = vector.broadcast %and3A_400 : i32 to vector<16xi32>
      %add3A_404 = arith.addi %broadcast_in_dim3A_402, %add3A_403 : vector<16xi32>
      %gather3A_405 = tpu.vector_load_idx %arg20[%iota3A, %add3A_404] : memref<16x128xf32, #tpu.memory_space<vmem>>[vector<16xi32>, vector<16xi32>], vector<16xf32>,
      %add3A_406 = arith.constant 12 : i32
      %add3A_407 = arith.addi %mul3A_10, %add3A_406 : i32
      %swap3A_408 = arith.index_cast %add3A_407 : i32 to index
      %swap3A_409 = arith.constant 0 : index
      %swap3A_410 = tpu.vector_load %arg6[%swap3A_408, %swap3A_409] {strides = array<i32>} : memref<256x16xf32, #tpu.memory_space<vmem>>, vector<16xf32>,
      tpu.vector_store %arg6[%swap3A_408, %swap3A_409], %gather3A_405 {strides = array<i32>} : memref<256x16xf32, #tpu.memory_space<vmem>>, vector<16xf32>,
      %dma_wait3A_411 = arith.constant 0 : i32
      %dma_wait3A_412 = tpu.memref_slice %arg3[%dma_wait3A_411, %multiple_of3A_155] : memref<16x1000001xf32, #tpu.memory_space<hbm>> -> memref<16x128xf32, #tpu.memory_space<hbm>>
      %dma_wait3A_413 = arith.constant 0 : i32
      %dma_wait3A_414 = tpu.memref_slice %arg3[%dma_wait3A_413, %multiple_of3A_155] : memref<16x1000001xf32, #tpu.memory_space<hbm>> -> memref<16x128xf32, #tpu.memory_space<hbm>>
      tpu.wait_dma2 semaphore(%arg7 : memref<!tpu.dma_semaphore, #tpu.memory_space<semaphore_mem>>) src(%dma_wait3A_414 : memref<16x128xf32, #tpu.memory_space<hbm>>) dst(%arg21 : memref<16x128xf32, #tpu.memory_space<vmem>>)
      %slice3A_415 = vector.extract_strided_slice %get3A_11 {offsets = [13], sizes = [1], strides = [1]} : vector<16xi32> to vector<1xi32>
      %squeeze3A_416 = vector.extract %slice3A_415[0] : i32 from vector<1xi32>
      %and3A_417 = arith.constant 127 : i32
      %and3A_418 = arith.andi %squeeze3A_416, %and3A_417 : i32
      %broadcast_in_dim3A_419 = arith.constant 0 : i32
      %broadcast_in_dim3A_420 = vector.broadcast %broadcast_in_dim3A_419 : i32 to vector<16xi32>
      %add3A_421 = vector.broadcast %and3A_418 : i32 to vector<16xi32>
      %add3A_422 = arith.addi %broadcast_in_dim3A_420, %add3A_421 : vector<16xi32>
      %gather3A_423 = tpu.vector_load_idx %arg21[%iota3A, %add3A_422] : memref<16x128xf32, #tpu.memory_space<vmem>>[vector<16xi32>, vector<16xi32>], vector<16xf32>,
      %add3A_424 = arith.constant 13 : i32
      %add3A_425 = arith.addi %mul3A_10, %add3A_424 : i32
      %swap3A_426 = arith.index_cast %add3A_425 : i32 to index
      %swap3A_427 = arith.constant 0 : index
      %swap3A_428 = tpu.vector_load %arg6[%swap3A_426, %swap3A_427] {strides = array<i32>} : memref<256x16xf32, #tpu.memory_space<vmem>>, vector<16xf32>,
      tpu.vector_store %arg6[%swap3A_426, %swap3A_427], %gather3A_423 {strides = array<i32>} : memref<256x16xf32, #tpu.memory_space<vmem>>, vector<16xf32>,
      %dma_wait3A_429 = arith.constant 0 : i32
      %dma_wait3A_430 = tpu.memref_slice %arg3[%dma_wait3A_429, %multiple_of3A_166] : memref<16x1000001xf32, #tpu.memory_space<hbm>> -> memref<16x128xf32, #tpu.memory_space<hbm>>
      %dma_wait3A_431 = arith.constant 0 : i32
      %dma_wait3A_432 = tpu.memref_slice %arg3[%dma_wait3A_431, %multiple_of3A_166] : memref<16x1000001xf32, #tpu.memory_space<hbm>> -> memref<16x128xf32, #tpu.memory_space<hbm>>
      tpu.wait_dma2 semaphore(%arg7 : memref<!tpu.dma_semaphore, #tpu.memory_space<semaphore_mem>>) src(%dma_wait3A_432 : memref<16x128xf32, #tpu.memory_space<hbm>>) dst(%arg22 : memref<16x128xf32, #tpu.memory_space<vmem>>)
      %slice3A_433 = vector.extract_strided_slice %get3A_11 {offsets = [14], sizes = [1], strides = [1]} : vector<16xi32> to vector<1xi32>
      %squeeze3A_434 = vector.extract %slice3A_433[0] : i32 from vector<1xi32>
      %and3A_435 = arith.constant 127 : i32
      %and3A_436 = arith.andi %squeeze3A_434, %and3A_435 : i32
      %broadcast_in_dim3A_437 = arith.constant 0 : i32
      %broadcast_in_dim3A_438 = vector.broadcast %broadcast_in_dim3A_437 : i32 to vector<16xi32>
      %add3A_439 = vector.broadcast %and3A_436 : i32 to vector<16xi32>
      %add3A_440 = arith.addi %broadcast_in_dim3A_438, %add3A_439 : vector<16xi32>
      %gather3A_441 = tpu.vector_load_idx %arg22[%iota3A, %add3A_440] : memref<16x128xf32, #tpu.memory_space<vmem>>[vector<16xi32>, vector<16xi32>], vector<16xf32>,
      %add3A_442 = arith.constant 14 : i32
      %add3A_443 = arith.addi %mul3A_10, %add3A_442 : i32
      %swap3A_444 = arith.index_cast %add3A_443 : i32 to index
      %swap3A_445 = arith.constant 0 : index
      %swap3A_446 = tpu.vector_load %arg6[%swap3A_444, %swap3A_445] {strides = array<i32>} : memref<256x16xf32, #tpu.memory_space<vmem>>, vector<16xf32>,
      tpu.vector_store %arg6[%swap3A_444, %swap3A_445], %gather3A_441 {strides = array<i32>} : memref<256x16xf32, #tpu.memory_space<vmem>>, vector<16xf32>,
      %dma_wait3A_447 = arith.constant 0 : i32
      %dma_wait3A_448 = tpu.memref_slice %arg3[%dma_wait3A_447, %multiple_of3A_177] : memref<16x1000001xf32, #tpu.memory_space<hbm>> -> memref<16x128xf32, #tpu.memory_space<hbm>>
      %dma_wait3A_449 = arith.constant 0 : i32
      %dma_wait3A_450 = tpu.memref_slice %arg3[%dma_wait3A_449, %multiple_of3A_177] : memref<16x1000001xf32, #tpu.memory_space<hbm>> -> memref<16x128xf32, #tpu.memory_space<hbm>>
      tpu.wait_dma2 semaphore(%arg7 : memref<!tpu.dma_semaphore, #tpu.memory_space<semaphore_mem>>) src(%dma_wait3A_450 : memref<16x128xf32, #tpu.memory_space<hbm>>) dst(%arg23 : memref<16x128xf32, #tpu.memory_space<vmem>>)
      %slice3A_451 = vector.extract_strided_slice %get3A_11 {offsets = [15], sizes = [1], strides = [1]} : vector<16xi32> to vector<1xi32>
      %squeeze3A_452 = vector.extract %slice3A_451[0] : i32 from vector<1xi32>
      %and3A_453 = arith.constant 127 : i32
      %and3A_454 = arith.andi %squeeze3A_452, %and3A_453 : i32
      %broadcast_in_dim3A_455 = arith.constant 0 : i32
      %broadcast_in_dim3A_456 = vector.broadcast %broadcast_in_dim3A_455 : i32 to vector<16xi32>
      %add3A_457 = vector.broadcast %and3A_454 : i32 to vector<16xi32>
      %add3A_458 = arith.addi %broadcast_in_dim3A_456, %add3A_457 : vector<16xi32>
      %gather3A_459 = tpu.vector_load_idx %arg23[%iota3A, %add3A_458] : memref<16x128xf32, #tpu.memory_space<vmem>>[vector<16xi32>, vector<16xi32>], vector<16xf32>,
      %add3A_460 = arith.constant 15 : i32
      %add3A_461 = arith.addi %mul3A_10, %add3A_460 : i32
      %swap3A_462 = arith.index_cast %add3A_461 : i32 to index
      %swap3A_463 = arith.constant 0 : index
      %swap3A_464 = tpu.vector_load %arg6[%swap3A_462, %swap3A_463] {strides = array<i32>} : memref<256x16xf32, #tpu.memory_space<vmem>>, vector<16xf32>,
      tpu.vector_store %arg6[%swap3A_462, %swap3A_463], %gather3A_459 {strides = array<i32>} : memref<256x16xf32, #tpu.memory_space<vmem>>, vector<16xf32>,
    }
    %scan3A_7 = arith.constant 16 : i32
    "tpu.region"() ({
      %run_scoped3A = tpu.sem_alloc : memref<!tpu.dma_semaphore, #tpu.memory_space<semaphore_mem>>
      %dma_start3A = arith.constant 0 : i32
      %dma_start3A_8 = tpu.memref_slice %arg4[%mul3A_2, %dma_start3A] : memref<8192x16xf32, #tpu.memory_space<hbm>> -> memref<256x16xf32, #tpu.memory_space<hbm>>
      %dma_start3A_9 = arith.constant 0 : i32
      %dma_start3A_10 = tpu.memref_slice %arg4[%mul3A_2, %dma_start3A_9] : memref<8192x16xf32, #tpu.memory_space<hbm>> -> memref<256x16xf32, #tpu.memory_space<hbm>>
      tpu.enqueue_dma source(%arg6 : memref<256x16xf32, #tpu.memory_space<vmem>>) target(%dma_start3A_10 : memref<256x16xf32, #tpu.memory_space<hbm>>) target_semaphore(%run_scoped3A : memref<!tpu.dma_semaphore, #tpu.memory_space<semaphore_mem>>)
      %dma_wait3A = arith.constant 0 : i32
      %dma_wait3A_11 = tpu.memref_slice %arg4[%mul3A_2, %dma_wait3A] : memref<8192x16xf32, #tpu.memory_space<hbm>> -> memref<256x16xf32, #tpu.memory_space<hbm>>
      %dma_wait3A_12 = arith.constant 0 : i32
      %dma_wait3A_13 = tpu.memref_slice %arg4[%mul3A_2, %dma_wait3A_12] : memref<8192x16xf32, #tpu.memory_space<hbm>> -> memref<256x16xf32, #tpu.memory_space<hbm>>
      tpu.wait_dma2 semaphore(%run_scoped3A : memref<!tpu.dma_semaphore, #tpu.memory_space<semaphore_mem>>) src(%arg6 : memref<256x16xf32, #tpu.memory_space<vmem>>) dst(%dma_wait3A_13 : memref<256x16xf32, #tpu.memory_space<hbm>>)
      tpu.yield
    }) : () -> ()
    return
  }
}

module attributes {stable_mosaic.version = 14 : i64} {
  func.func @_mlp_body(%arg0: i32, %arg1: memref<4096x16xf32, #tpu.memory_space<vmem>>, %arg2: memref<16x64xf32, #tpu.memory_space<vmem>>, %arg3: memref<1x64xf32, #tpu.memory_space<vmem>>, %arg4: memref<64x1xf32, #tpu.memory_space<vmem>>, %arg5: memref<1x1xf32, #tpu.memory_space<vmem>>, %arg6: memref<4096x1xf32, #tpu.memory_space<vmem>>) attributes {dimension_semantics = [#tpu.dimension_semantics<arbitrary>], iteration_bounds = array<i64: 2>, scalar_prefetch = 0 : i64, scratch_operands = 0 : i64, tpu.core_type = #tpu.core_type<tc>, window_params = [{transform_indices = @transform_0, window_bounds = array<i64: 4096, 16>}, {pipeline_mode = #tpu.pipeline_mode<synchronous>, transform_indices = @transform_1, window_bounds = array<i64: 16, 64>}, {pipeline_mode = #tpu.pipeline_mode<synchronous>, transform_indices = @transform_2, window_bounds = array<i64: 1, 64>}, {pipeline_mode = #tpu.pipeline_mode<synchronous>, transform_indices = @transform_3, window_bounds = array<i64: 64, 1>}, {pipeline_mode = #tpu.pipeline_mode<synchronous>, transform_indices = @transform_4, window_bounds = array<i64: 1, 1>}, {transform_indices = @transform_5, window_bounds = array<i64: 4096, 1>}]} {
    %get3A = arith.constant 0 : index
    %get3A_0 = arith.constant 0 : index
    %get3A_1 = vector.load %arg1[%get3A, %get3A_0] : memref<4096x16xf32, #tpu.memory_space<vmem>>, vector<4096x16xf32>
    %get3A_2 = arith.constant 0 : index
    %get3A_3 = arith.constant 0 : index
    %get3A_4 = vector.load %arg2[%get3A_2, %get3A_3] : memref<16x64xf32, #tpu.memory_space<vmem>>, vector<16x64xf32>
    %dot_general3A = arith.constant dense<0.000000e+00> : vector<4096x64xf32>
    %dot_general3A_5 = tpu.matmul %get3A_1, %get3A_4, %dot_general3A {dimension_numbers = #tpu.dot_dimension_numbers<[1], [0], [0], [1], [0, 0, 1, 1], [], []>, transpose_lhs_hint = false} : vector<4096x16xf32>, vector<16x64xf32>, vector<4096x64xf32> -> vector<4096x64xf32>
    %get3A_6 = arith.constant 0 : index
    %get3A_7 = arith.constant 0 : index
    %get3A_8 = vector.load %arg3[%get3A_6, %get3A_7] : memref<1x64xf32, #tpu.memory_space<vmem>>, vector<1x64xf32>
    %add3A = vector.broadcast %get3A_8 : vector<1x64xf32> to vector<4096x64xf32>
    %add3A_9 = arith.addf %dot_general3A_5, %add3A : vector<4096x64xf32>
    %max3A = arith.constant 0.000000e+00 : f32
    %max3A_10 = vector.broadcast %max3A : f32 to vector<4096x64xf32>
    %max3A_11 = arith.maximumf %add3A_9, %max3A_10 : vector<4096x64xf32>
    %get3A_12 = arith.constant 0 : index
    %get3A_13 = arith.constant 0 : index
    %get3A_14 = vector.load %arg4[%get3A_12, %get3A_13] : memref<64x1xf32, #tpu.memory_space<vmem>>, vector<64x1xf32>
    %dot_general3A_15 = arith.constant dense<0.000000e+00> : vector<4096x1xf32>
    %dot_general3A_16 = tpu.matmul %max3A_11, %get3A_14, %dot_general3A_15 {dimension_numbers = #tpu.dot_dimension_numbers<[1], [0], [0], [1], [0, 0, 1, 1], [], []>, transpose_lhs_hint = false} : vector<4096x64xf32>, vector<64x1xf32>, vector<4096x1xf32> -> vector<4096x1xf32>
    %get3A_17 = arith.constant 0 : index
    %get3A_18 = arith.constant 0 : index
    %get3A_19 = vector.load %arg5[%get3A_17, %get3A_18] : memref<1x1xf32, #tpu.memory_space<vmem>>, vector<1x1xf32>
    %add3A_20 = vector.broadcast %get3A_19 : vector<1x1xf32> to vector<4096x1xf32>
    %add3A_21 = arith.addf %dot_general3A_16, %add3A_20 : vector<4096x1xf32>
    %swap3A = arith.constant 0 : index
    %swap3A_22 = arith.constant 0 : index
    %swap3A_23 = vector.load %arg6[%swap3A, %swap3A_22] : memref<4096x1xf32, #tpu.memory_space<vmem>>, vector<4096x1xf32>
    tpu.vector_store %arg6[%swap3A, %swap3A_22], %add3A_21 {strides = array<i32>} : memref<4096x1xf32, #tpu.memory_space<vmem>>, vector<4096x1xf32>,
    return
  }
  func.func @transform_0(%arg0: i32) -> (i32, i32) {
    %c0_i32 = arith.constant 0 : i32
    %c0_i32_0 = arith.constant 0 : i32
    return %arg0, %c0_i32 : i32, i32
  }
  func.func @transform_1(%arg0: i32) -> (i32, i32) {
    %c0_i32 = arith.constant 0 : i32
    %c0_i32_0 = arith.constant 0 : i32
    %c0_i32_1 = arith.constant 0 : i32
    return %c0_i32, %c0_i32_0 : i32, i32
  }
  func.func @transform_2(%arg0: i32) -> (i32, i32) {
    %c0_i32 = arith.constant 0 : i32
    %c0_i32_0 = arith.constant 0 : i32
    %c0_i32_1 = arith.constant 0 : i32
    return %c0_i32, %c0_i32_0 : i32, i32
  }
  func.func @transform_3(%arg0: i32) -> (i32, i32) {
    %c0_i32 = arith.constant 0 : i32
    %c0_i32_0 = arith.constant 0 : i32
    %c0_i32_1 = arith.constant 0 : i32
    return %c0_i32, %c0_i32_0 : i32, i32
  }
  func.func @transform_4(%arg0: i32) -> (i32, i32) {
    %c0_i32 = arith.constant 0 : i32
    %c0_i32_0 = arith.constant 0 : i32
    %c0_i32_1 = arith.constant 0 : i32
    return %c0_i32, %c0_i32_0 : i32, i32
  }
  func.func @transform_5(%arg0: i32) -> (i32, i32) {
    %c0_i32 = arith.constant 0 : i32
    %c0_i32_0 = arith.constant 0 : i32
    return %arg0, %c0_i32 : i32, i32
  }
}

</mosaic_0001>

<sc_bundles>
// kernel: kernel.6.cloned.1.call-start
scs
__scs_entry_jumppad:
0x0: {  	(pc) =	sbr.rel $0x88, $3  }
0x1: {  	(tag) =	ssettag $0x0;
	lr =	simm.s32 $0x1  }
0x2: {  	[smem:$0x3F9B] =	sst lr;
	_ =	strace $0xD0000000  }
0x3: {  	_ = 	snop  }
0x4: {  	_ = 	snop  }
0x5: {  	_ = 	snop  }
0x6: {  	_ = 	snop  }
0x7: {  	_ = 	snop  }
__scs_overlays_trampoline_lowered:
0x8: {  	[smem:$0x3FAA] =	sst s0  }
0x9: {  	[smem:$0x3FAB] =	sst s1  }
0xa: {  	[smem:$0x3FAC] =	sst s2  }
0xb: {  	[smem:$0x3FAD] =	sst s3  }
0xc: {  	[smem:$0x3FAE] =	sst s4  }
0xd: {  	[smem:$0x3FAF] =	sst s5  }
0xe: {  	[smem:$0x3FB0] =	sst s6  }
0xf: {  	[smem:$0x3FB1] =	sst s7  }
0x10: {  	[smem:$0x3FB2] =	sst s8  }
0x11: {  	[smem:$0x3FB3] =	sst s9;
	s0 =	simm.s32 @!p0 $0x0  }
0x12: {  	s1 =	sld [smem:$0x3F99];
	s0 =	simm.s32 @p0 $0x1  }
0x13: {  	[smem:$0x3FB4] =	sst s0;
	s0 =	simm.s32 @!p1 $0x0  }
0x14: {  	s2 =	sld [smem:$0x3F98];
	s0 =	simm.s32 @p1 $0x1  }
0x15: {  	[smem:$0x3FB5] =	sst s0;
	s0 =	simm.s32 @!p2 $0x0  }
0x16: {  	s3 =	sld [smem:$0x3FDB];
	s0 =	simm.s32 @p2 $0x1  }
0x17: {  	s4 =	simm.s32 $0x1BF5;
	[smem:$0x3FB7] =	sst s0  }
0x18: {  	s0 =	sld [smem:$0x3F9A];
	_ =	swait.ge [sflag:s4], $0x0  }
0x19: {  	s7 =	sld [smem:$0x3F9B]  }
0x1a: {  	s8 =	sadd.s32 $0xFFFFE003, lr  }
0x1b: {  	s9 =	sadd.s32 $0xFFFFFEF7, lr;
	s5 =	simm.s32 $0xFFFFFFFF;
	p2 =	slt.u32 s8, $0xFFFFF086  }
0x1c: {  	p1 =	slt.u32 s9, $0xF7A;
	s5 =	simm.s32 @!p2 $0x0  }
0x1d: {  	s5 =	simm.s32 @p1 $0x1;
	p0 =	seq.s32 s7, s2  }
0x1e: {  	s7 =	smul.u32 @!p0 $0xF7A, s2;
	p2 =	seq.s32 @!p0 s5, $0x0  }
0x1f: {  	s9 =	smul.u32 $0xF7A, s1;
	s8 =	simm.s32 @!p0 $0x1BF5;
	p2 =	por !p2, p0  }
0x20: {  	[sflag:s8] =	ssyncset.s32 @!p0 $0xFFFFF086;
	s6 =	sadd.s32 @!p0 s3, s7;
	s7 =	simm.s32 @!p0 $0x108  }
0x21: {  	s3 =	sadd.s32 s3, s9;
	s6 =	sadd.s32 @!p0 $0x88, s6;
	s7 =	simm.s32 @p2 $0x1082  }
0x22: {  	[simem:s7], [sflag:s8] =	dma.local @!p0 [hbm:s6], $0xF7A  }
0x23: {  	s9 =	sor.u32 $0xD0000000, s2;
	s6 =	simm.s32 $0x108;
	_ =	swait.ge @!p0 [sflag:s8], $0x0  }
0x24: {  	s3 =	sadd.s32 $0x88, s3;
	s6 =	simm.s32 @!p1 $0x1082;
	[sflag:s4] =	ssyncset.s32 $0xFFFFF086  }
0x25: {  	[simem:s6], [sflag:s4] =	dma.local [hbm:s3], $0xF7A  }
0x26: {  	[smem:$0x3F9B] =	sst s1;
	(tag) =	ssettag s2;
	_ =	strace s9  }
0x27: {  	s1 =	sld [smem:$0x3FAB]  }
0x28: {  	s2 =	sld [smem:$0x3FAC]  }
0x29: {  	s4 =	sld [smem:$0x3FAE]  }
0x2a: {  	p0 =	seq.s32 s5, $0x0;
	s5 =	sld [smem:$0x3FAF]  }
0x2b: {  	s6 =	sld [smem:$0x3FB0]  }
0x2c: {  	s7 =	sld [smem:$0x3FB1]  }
0x2d: {  	s3 =	simm.s32 $0x108;
	s8 =	sld [smem:$0x3FB2]  }
0x2e: {  	s3 =	simm.s32 @!p0 $0x1082;
	s9 =	sld [smem:$0x3FB3]  }
0x2f: {  	lr =	sadd.s32 s0, s3;
	s0 =	sld [smem:$0x3FAA]  }
0x30: {  	s3 =	sld [smem:$0x3FAD]  }
0x31: {  	[smem:$0x3FB6] =	sst s10  }
0x32: {  	s10 =	sld [smem:$0x3FB4];
	_ =	sdelay $0x3  }
0x33: {  	p0 =	seq.s32 s10, $0x1;
	s10 =	sld [smem:$0x3FB6];
	_ =	sdelay $0x3  }
0x34: {  	[smem:$0x3FB6] =	sst s10  }
0x35: {  	s10 =	sld [smem:$0x3FB5];
	_ =	sdelay $0x3  }
0x36: {  	p1 =	seq.s32 s10, $0x1;
	s10 =	sld [smem:$0x3FB6];
	_ =	sdelay $0x3  }
0x37: {  	[smem:$0x3FB6] =	sst s10  }
0x38: {  	s10 =	sld [smem:$0x3FB7]  }
0x39: {  	_ = 	snop;
	(pc) =	sbr.ind lr, $3  }
0x3a: {  	_ = 	snop  }
0x3b: {  	_ = 	snop  }
0x3c: {  	p2 =	seq.s32 s10, $0x1;
	s10 =	sld [smem:$0x3FB6]  }
0x3d: {  	_ =	shalt  }
0x3e: {  	_ =	shalt  }
0x3f: {  	_ =	shalt  }
0x40: {  	_ =	shalt  }
0x41: {  	_ =	shalt  }
0x42: {  	_ =	shalt  }
0x43: {  	_ =	shalt  }
0x44: {  	_ =	shalt  }
0x45: {  	_ =	shalt  }
0x46: {  	_ =	shalt  }
0x47: {  	_ =	shalt  }
0x48: {  	_ =	shalt  }
0x49: {  	_ =	shalt  }
0x4a: {  	_ =	shalt  }
0x4b: {  	_ =	shalt  }
0x4c: {  	_ =	shalt  }
0x4d: {  	_ =	shalt  }
0x4e: {  	_ =	shalt  }
0x4f: {  	_ =	shalt  }
0x50: {  	_ =	shalt  }
0x51: {  	_ =	shalt  }
0x52: {  	_ =	shalt  }
0x53: {  	_ =	shalt  }
0x54: {  	_ =	shalt  }
0x55: {  	_ =	shalt  }
0x56: {  	_ =	shalt  }
0x57: {  	_ =	shalt  }
0x58: {  	_ =	shalt  }
0x59: {  	_ =	shalt  }
0x5a: {  	_ =	shalt  }
0x5b: {  	_ =	shalt  }
0x5c: {  	_ =	shalt  }
0x5d: {  	_ =	shalt  }
0x5e: {  	_ =	shalt  }
0x5f: {  	_ =	shalt  }
0x60: {  	_ =	shalt  }
0x61: {  	_ =	shalt  }
0x62: {  	_ =	shalt  }
0x63: {  	_ =	shalt  }
0x64: {  	_ =	shalt  }
0x65: {  	_ =	shalt  }
0x66: {  	_ =	shalt  }
0x67: {  	_ =	shalt  }
0x68: {  	_ =	shalt  }
0x69: {  	_ =	shalt  }
0x6a: {  	_ =	shalt  }
0x6b: {  	_ =	shalt  }
0x6c: {  	_ =	shalt  }
0x6d: {  	_ =	shalt  }
0x6e: {  	_ =	shalt  }
0x6f: {  	_ =	shalt  }
0x70: {  	_ =	shalt  }
0x71: {  	_ =	shalt  }
0x72: {  	_ =	shalt  }
0x73: {  	_ =	shalt  }
0x74: {  	_ =	shalt  }
0x75: {  	_ =	shalt  }
0x76: {  	_ =	shalt  }
0x77: {  	_ =	shalt  }
0x78: {  	_ =	shalt  }
0x79: {  	_ =	shalt  }
0x7a: {  	_ =	shalt  }
0x7b: {  	_ =	shalt  }
0x7c: {  	_ =	shalt  }
0x7d: {  	_ =	shalt  }
0x7e: {  	_ =	shalt  }
0x7f: {  	_ =	shalt  }
0x80: {  	_ =	shalt  }
0x81: {  	_ =	shalt  }
0x82: {  	_ =	shalt  }
0x83: {  	_ =	shalt  }
0x84: {  	_ =	shalt  }
0x85: {  	_ =	shalt  }
0x86: {  	_ =	shalt  }
0x87: {  	_ =	shalt  }
.Lfunc_end0:
.L_simem_size_0:
called_computation_lowered:
.L_overlay_start_0:
0x88: {  	s2 =	sld [smem:$0x3FD9]  }
0x89: {  	s3 =	sld [smem:$0x3FFE];
	_ =	sdelay $0x1  }
0x8a: {  	s1 =	srdreg.scid  }
0x8b: {  	s0 =	sand.u32 $0x1, s1  }
0x8c: {  	s17 =	sshll.u32 s0, $0xA;
	s2 =	sadd.s32 s3, s2  }
0x8d: {  	s2 =	sadd.s32 s2, s17  }
0x8e: {  	[smem:$0x3FC2] =	sst s2  }
0x8f: {  	_ = 	snop  }
0x90: {  	s2 =	sld [smem:$0x3FC8];
	(tm) =	ssettm $0x1  }
0x91: {  	s18 =	sld [smem:$0x3FFB];
	_ =	sdelay $0x3  }
0x92: {  	_ =	strace s18  }
0x93: {  	s3 =	sld [smem:$0x3FFC];
	_ =	sdelay $0x3  }
0x94: {  	_ =	strace s3  }
0x95: {  	s3 =	sld [smem:$0x3FFD];
	_ =	sdelay $0x3  }
0x96: {  	_ =	strace s3  }
0x97: {  	_ =	strace $0x8FFFFFFF  }
0x98: {  	s19 =	sld [smem:$0x3FDB];
	_ =	sdelay $0x1  }
0x99: {  	s4 =	simm.s32 $_scs_section_size  }
0x9a: {  	s5 =	simm.s32 $_size__tile_overlayer_lowered;
	s6 =	simm.s32 $_tile_overlayer_lowered  }
0x9b: {  	s22 =	simm.s32 $0x1BFF;
	s21 =	sshll.u32 s6, $0x1;
	s3 =	sadd.s32 s4, s19  }
0x9c: {  	s7 =	simm.s32 $0x0;
	s20 =	sshll.u32 s5, $0x1;
	s5 =	sadd.s32 s21, s3  }
0x9d: {  	[timem:s7], [sflag:s22] =	dma.local [hbm:s5], s20  }
0x9e: {  	_ =	swait.ge [sflag:s22], s20  }
0x9f: {  	s4 =	ssub.s32 $0x0, s20;
	[sflag:s22] =	ssyncset.done $0x0  }
0xa0: {  	[sflag:s22] =	ssyncadd.s32 s4;
	_ =	sdelay $0x1  }
0xa1: {  	s23 =	simm.s32 $0x1B8B  }
0xa2: {  	_ =	swait.ge [sflag:s23], $0x1  }
0xa3: {  	[sflag:s23] =	ssyncset.done $0x0  }
0xa4: {  	s25 =	simm.s32 $0x1B8E;
	s24 =	sld [smem:$0x3FFE];
	[sflag:s23] =	ssyncadd.s32 $0xFFFFFFFF  }
0xa5: {  	s26 =	simm.s32 $execute0_lowered;
	[smem:$0x3FD2] =	sst s25  }
0xa6: {  	s5 =	sshll.u32 s26, $0x1;
	_ =	strace $0x80000046;
	[dreg:$0x1] =	wrdreg $0xFFFFFFFF  }
0xa7: {  	s28 =	simm.s32 $_size_execute0_lowered;
	s3 =	sadd.s32 s3, s5;
	[dreg:$0x0] =	wrdreg $0x0  }
0xa8: {  	s5 =	sshll.u32 s28, $0x1;
	[dreg:$0x2] =	wrdreg s3  }
0xa9: {  	[dreg:$0x3] =	wrdreg s5  }
0xaa: {  	[dreg:$0x4] =	wrdreg $0xC0  }
0xab: {  	_ =	task [dreg:s7], $0x5FFFF  }
0xac: {  	[dreg:$0x1] =	wrdreg $0xFFFFFFFF  }
0xad: {  	[dreg:$0x0] =	wrdreg $0x60  }
0xae: {  	[dreg:$0x2] =	wrdreg s24  }
0xaf: {  	[dreg:$0x3] =	wrdreg s2  }
0xb0: {  	[dreg:$0x4] =	wrdreg $0x9  }
0xb1: {  	_ =	task.clear_ibuf [dreg:s7], $0x5FFFF;
	_ =	strace $0x90000046  }
0xb2: {  	s29 =	simm.s32 $0x9;
	_ =	strace $0x80000048  }
0xb3: {  	_ =	swait.ge [sflag:s29], $0x1  }
0xb4: {  	[sflag:s29] =	ssyncadd.s32 $0xFFFFFFFF  }
0xb5: {  	_ =	strace $0x90000048  }
0xb6: {  	_ =	sfence  }
0xb7: {  	s30 =	sld [smem:$0x0];
	_ =	sdelay $0x2  }
0xb8: {  	s31 =	sshll.u32 s1, $0xD;
	s1 =	sshrl.u32 s1, $0x2  }
0xb9: {  	s3 =	sand.u32 $0x4000, s31;
	s1 =	sadd.s32 s1, s30  }
0xba: {  	s0 =	sor.u32 s3, s0;
	s1 =	sshll.u32 s1, $0x11  }
0xbb: {  	s0 =	sor.u32 s1, s0  }
0xbc: {  	s0 =	sadd.s32 $0x8F2B, s0  }
0xbd: {  	[sflag:s0] =	ssyncadd.remote.s32 $0x1  }
0xbe: {  	_ =	sfence.sel $0xFFFF  }
0xbf: {  	[dreg:$0x0] =	wrdreg $0xFFFFFFFF;
	(pc) =	sbr.abs _section_cstart, $3  }
0xc0: {  	[dreg:$0x1] =	wrdreg $0xFFFFFFFF  }
0xc1: {  	_ =	task.clear_ibuf [dreg:s7], $0x2FFFF;
	_ =	strace $0x9FFFFFFF  }
0xc2: {  	(tm) =	ssettm $0x7FFFFFFF  }
0xc3: {  	_ =	shalt  }
tec
execute0_lowered:
.L_overlay_start_1:
0x0: {  	(tag) =	ssettag $0x1  }
0x1: {  	s0 =	rddreg [dreg:$0x0]  }
0x2: {  	s2 =	rddreg [dreg:$0x1]  }
0x3: {  	s1 =	srdreg.scid;
	s3 =	stileid.u32;
	s6 =	simm.s32 $0x0  }
0x4: {  	s8 =	simm.s32 $0x400;
	s9 =	simm.s32 $0x7A1400;
	s1 =	sand.u32 $0x1, s1  }
0x5: {  	s3 =	sshll.u32 s3, $0x9;
	s4 =	sshll.u32 s1, $0x8;
	s1 =	ssub.s32 $0x2, s1  }
0x6: {  	[smem:$0x7FF] =	sst s6;
	s3 =	sor.u32 s4, s3;
	s5 =	sshrl.u32 s1, $0x1  }
0x7: {  	_ =	strace $0x80000047;
	s4 =	sshrl.u32 s3, $0x3;
	s1 =	ssub.s32 s1, s5  }
0x8: {  	s3 =	sshll.u32 s3, $0x4;
	s4 =	sadd.s32 s4, s0;
	s31 =	smax.u32 s1, $0x1  }
0x9: {  	s0 =	sadd.s32 s3, s0;
	s30 =	sadd.s32 $0x1400, s4;
	[dreg:$0x6] =	wrdreg s31  }
0xa: {  	v0 =	vlaneseq.u32;
	s26 =	simm.s32 $0x1;
	s0 =	sadd.s32 $0x1800, s0;
	[dreg:$0x4] =	wrdreg s30  }
0xb: {  	v0 =	vmul.u32 $0x80, v0;
	s1 =	simm.s32 $0x2;
	s3 =	simm.s32 $0x0;
	[dreg:$0x5] =	wrdreg s0  }
.LBB2_1:
0xc: {  	[dreg:$0x7] =	wrdreg s3  }
0xd: {  	s0 =	rddreg [dreg:$0x4]  }
0xe: {  	[tilespmem:s6], [sflag:$0x2] =	stream.linear.gather [hbm4b:s0+s6], $0x100, $0x38;
	[tilespmem:$0x10100] =	vst v63  }
0xf: {  	_ =	swait.ge [sflag:s1], $0x100  }
0x10: {  	[sflag:s1] =	ssyncset.done $0x0  }
0x11: {  	s23 =	simm.s32 $0x0;
	[sflag:s1] =	ssyncadd.s32 $0xFFFFFF00  }
0x12: {  	v1 =	vld [tilespmem:s23+$0x0];
	_ =	sdelay $0x4  }
0x13: {  	(v2sf) =	vpush v1, $0x0  }
0x14: {  	(v2sf) =	vpush v1, $0x1  }
0x15: {  	(v2sf) =	vpush v1, $0x2;
	_ =	sdelay $0x1  }
0x16: {  	(v2sf) =	vpush v1, $0x3;
	_ =	sdelay $0x1  }
0x17: {  	(v2sf) =	vpush v1, $0x4  }
0x18: {  	(v2sf) =	vpush v1, $0x5;
	_ =	sdelay $0x1  }
0x19: {  	(v2sf) =	vpush v1, $0x6;
	_ =	sdelay $0x1  }
0x1a: {  	(v2sf) =	vpush v1, $0x7;
	_ =	sdelay $0x1  }
0x1b: {  	s17 =	simm.s32 $0x8100;
	(v2sf) =	vpush v1, $0x8  }
0x1c: {  	s18 =	simm.s32 $0x8900;
	s19 =	simm.s32 $0x9100;
	s20 =	simm.s32 $0x9900  }
0x1d: {  	s21 =	simm.s32 $0xA100;
	s22 =	simm.s32 $0xA900;
	s13 =	spop (v2sf)  }
0x1e: {  	s23 =	simm.s32 $0xB100;
	s24 =	sand.u32 $0xFFFFF80, s13;
	s30 =	spop (v2sf)  }
0x1f: {  	(v2sf) =	vpush v1, $0x9;
	s25 =	sadd.s32 s2, s24;
	s28 =	sand.u32 $0xFFFFF80, s30;
	s4 =	spop (v2sf)  }
0x20: {  	[tilespmem:s17], [sflag:$0x1] =	stream.strided.gather [hbm4b:s25+s8], $0x800, s9, s8, $0x38;
	[tilespmem:$0x10100] =	vst v63  }
0x21: {  	(v2sf) =	vpush v1, $0xA;
	s29 =	sadd.s32 s2, s28;
	s0 =	sand.u32 $0xFFFFF80, s4;
	s31 =	spop (v2sf)  }
0x22: {  	[tilespmem:s18], [sflag:$0x1] =	stream.strided.gather [hbm4b:s29+s8], $0x800, s9, s8, $0x38;
	[tilespmem:$0x10100] =	vst v63  }
0x23: {  	(v2sf) =	vpush v1, $0xB;
	s3 =	sadd.s32 s2, s0;
	s5 =	sand.u32 $0xFFFFF80, s31;
	s29 =	spop (v2sf)  }
0x24: {  	s6 =	sadd.s32 s2, s5;
	s7 =	sand.u32 $0xFFFFF80, s29;
	s12 =	spop (v2sf)  }
0x25: {  	[tilespmem:s19], [sflag:$0x1] =	stream.strided.gather [hbm4b:s3+s8], $0x800, s9, s8, $0x38;
	[tilespmem:$0x10100] =	vst v63  }
0x26: {  	(v2sf) =	vpush v1, $0xC;
	s10 =	sadd.s32 s2, s7;
	s11 =	sand.u32 $0xFFFFF80, s12;
	s28 =	spop (v2sf)  }
0x27: {  	[tilespmem:s20], [sflag:$0x1] =	stream.strided.gather [hbm4b:s6+s8], $0x800, s9, s8, $0x38;
	[tilespmem:$0x10100] =	vst v63  }
0x28: {  	(v2sf) =	vpush v1, $0xD;
	s14 =	sadd.s32 s2, s11;
	s15 =	sand.u32 $0xFFFFF80, s28;
	s11 =	spop (v2sf)  }
0x29: {  	[tilespmem:s21], [sflag:$0x1] =	stream.strided.gather [hbm4b:s10+s8], $0x800, s9, s8, $0x38;
	[tilespmem:$0x10100] =	vst v63  }
0x2a: {  	(v2sf) =	vpush v1, $0xE;
	s16 =	sadd.s32 s2, s15;
	s24 =	sand.u32 $0xFFFFF80, s11;
	s10 =	spop (v2sf)  }
0x2b: {  	[tilespmem:s22], [sflag:$0x1] =	stream.strided.gather [hbm4b:s14+s8], $0x800, s9, s8, $0x38;
	[tilespmem:$0x10100] =	vst v63  }
0x2c: {  	s25 =	sadd.s32 s2, s24;
	s24 =	simm.s32 $0xB900;
	s0 =	sand.u32 $0xFFFFF80, s10  }
0x2d: {  	[tilespmem:s23], [sflag:$0x1] =	stream.strided.gather [hbm4b:s16+s8], $0x800, s9, s8, $0x38;
	[tilespmem:$0x10100] =	vst v63  }
0x2e: {  	(v2sf) =	vpush v1, $0xF;
	s3 =	sadd.s32 s2, s0;
	s7 =	spop (v2sf);
	s16 =	simm.s32 $0xC900  }
0x2f: {  	[tilespmem:s24], [sflag:$0x1] =	stream.strided.gather [hbm4b:s25+s8], $0x800, s9, s8, $0x38;
	[tilespmem:$0x10100] =	vst v63  }
0x30: {  	s5 =	sand.u32 $0xFFFFF80, s7;
	s6 =	spop (v2sf);
	s25 =	simm.s32 $0xC100  }
0x31: {  	[tilespmem:s25], [sflag:$0x1] =	stream.strided.gather [hbm4b:s3+s8], $0x800, s9, s8, $0x38;
	[tilespmem:$0x10100] =	vst v63  }
0x32: {  	s14 =	sadd.s32 s2, s5;
	s15 =	sand.u32 $0xFFFFF80, s6;
	s5 =	spop (v2sf)  }
0x33: {  	[tilespmem:s16], [sflag:$0x1] =	stream.strided.gather [hbm4b:s14+s8], $0x800, s9, s8, $0x38;
	[tilespmem:$0x10100] =	vst v63  }
0x34: {  	s1 =	simm.s32 $0xE100;
	s3 =	sadd.s32 s2, s15;
	s14 =	sand.u32 $0xFFFFF80, s5  }
0x35: {  	s15 =	simm.s32 $0xD100;
	s16 =	spop (v2sf);
	s0 =	sadd.s32 s2, s14  }
0x36: {  	[tilespmem:s15], [sflag:$0x1] =	stream.strided.gather [hbm4b:s3+s8], $0x800, s9, s8, $0x38;
	[tilespmem:$0x10100] =	vst v63  }
0x37: {  	s14 =	sand.u32 $0xFFFFF80, s16;
	s3 =	spop (v2sf);
	s15 =	simm.s32 $0xD900  }
0x38: {  	[tilespmem:s15], [sflag:$0x1] =	stream.strided.gather [hbm4b:s0+s8], $0x800, s9, s8, $0x38;
	[tilespmem:$0x10100] =	vst v63  }
0x39: {  	s14 =	sadd.s32 s2, s14;
	s0 =	sand.u32 $0xFFFFF80, s3;
	s15 =	spop (v2sf)  }
0x3a: {  	[tilespmem:s1], [sflag:$0x1] =	stream.strided.gather [hbm4b:s14+s8], $0x800, s9, s8, $0x38;
	[tilespmem:$0x10100] =	vst v63  }
0x3b: {  	s0 =	sadd.s32 s2, s0;
	s1 =	sand.u32 $0xFFFFF80, s15;
	s14 =	simm.s32 $0xE900  }
0x3c: {  	[tilespmem:s14], [sflag:$0x1] =	stream.strided.gather [hbm4b:s0+s8], $0x800, s9, s8, $0x38;
	[tilespmem:$0x10100] =	vst v63  }
0x3d: {  	s14 =	spop (v2sf);
	s0 =	sadd.s32 s2, s1;
	s1 =	simm.s32 $0xF100  }
0x3e: {  	[tilespmem:s1], [sflag:$0x1] =	stream.strided.gather [hbm4b:s0+s8], $0x800, s9, s8, $0x38;
	[tilespmem:$0x10100] =	vst v63  }
0x3f: {  	s0 =	sand.u32 $0x7F, s13;
	s13 =	sand.u32 $0xFFFFF80, s14  }
0x40: {  	v1 =	vor.u32 s0, v0;
	s0 =	sadd.s32 s2, s13;
	s13 =	simm.s32 $0xF900  }
0x41: {  	[tilespmem:s13], [sflag:$0x1] =	stream.strided.gather [hbm4b:s0+s8], $0x800, s9, s8, $0x38;
	[tilespmem:$0x10100] =	vst v63  }
0x42: {  	_ =	swait.ge [sflag:s26], $0x800  }
0x43: {  	[sflag:s26] =	ssyncset.done $0x0  }
0x44: {  	[sflag:s26] =	ssyncadd.s32 $0xFFFFF800  }
0x45: {  	v1 =	vld.idx.msk [tilespmem:v1+s17+$0x0], $0xffff;
	_ =	sdelay $0x2  }
0x46: {  	s17 =	sand.u32 $0x7F, s30  }
0x47: {  	s30 =	simm.s32 $0x500;
	v2 =	vor.u32 s17, v0  }
0x48: {  	[tilespmem:s30+$0xFFFFFC00] =	vst v1  }
0x49: {  	_ =	swait.ge [sflag:s26], $0x800  }
0x4a: {  	[sflag:s26] =	ssyncset.done $0x0  }
0x4b: {  	[sflag:s26] =	ssyncadd.s32 $0xFFFFF800  }
0x4c: {  	v1 =	vld.idx.msk [tilespmem:v2+s18+$0x0], $0xffff;
	_ =	sdelay $0x2  }
0x4d: {  	s18 =	sand.u32 $0x7F, s4  }
0x4e: {  	v2 =	vor.u32 s18, v0  }
0x4f: {  	[tilespmem:s30+$0xFFFFFC80] =	vst v1  }
0x50: {  	_ =	swait.ge [sflag:s26], $0x800  }
0x51: {  	[sflag:s26] =	ssyncset.done $0x0  }
0x52: {  	[sflag:s26] =	ssyncadd.s32 $0xFFFFF800  }
0x53: {  	v1 =	vld.idx.msk [tilespmem:v2+s19+$0x0], $0xffff;
	_ =	sdelay $0x2  }
0x54: {  	s19 =	sand.u32 $0x7F, s31  }
0x55: {  	v2 =	vor.u32 s19, v0  }
0x56: {  	[tilespmem:s30+$0xFFFFFD00] =	vst v1  }
0x57: {  	_ =	swait.ge [sflag:s26], $0x800  }
0x58: {  	[sflag:s26] =	ssyncset.done $0x0  }
0x59: {  	[sflag:s26] =	ssyncadd.s32 $0xFFFFF800  }
0x5a: {  	v1 =	vld.idx.msk [tilespmem:v2+s20+$0x0], $0xffff;
	_ =	sdelay $0x2  }
0x5b: {  	s20 =	sand.u32 $0x7F, s29  }
0x5c: {  	v2 =	vor.u32 s20, v0  }
0x5d: {  	[tilespmem:s30+$0xFFFFFD80] =	vst v1  }
0x5e: {  	_ =	swait.ge [sflag:s26], $0x800  }
0x5f: {  	[sflag:s26] =	ssyncset.done $0x0  }
0x60: {  	[sflag:s26] =	ssyncadd.s32 $0xFFFFF800  }
0x61: {  	v1 =	vld.idx.msk [tilespmem:v2+s21+$0x0], $0xffff;
	_ =	sdelay $0x2  }
0x62: {  	s21 =	sand.u32 $0x7F, s12  }
0x63: {  	v2 =	vor.u32 s21, v0  }
0x64: {  	[tilespmem:s30+$0xFFFFFE00] =	vst v1  }
0x65: {  	_ =	swait.ge [sflag:s26], $0x800  }
0x66: {  	[sflag:s26] =	ssyncset.done $0x0  }
0x67: {  	[sflag:s26] =	ssyncadd.s32 $0xFFFFF800  }
0x68: {  	v1 =	vld.idx.msk [tilespmem:v2+s22+$0x0], $0xffff;
	_ =	sdelay $0x2  }
0x69: {  	s29 =	sand.u32 $0x7F, s28  }
0x6a: {  	v2 =	vor.u32 s29, v0  }
0x6b: {  	[tilespmem:s30+$0xFFFFFE80] =	vst v1  }
0x6c: {  	_ =	swait.ge [sflag:s26], $0x800  }
0x6d: {  	[sflag:s26] =	ssyncset.done $0x0  }
0x6e: {  	[sflag:s26] =	ssyncadd.s32 $0xFFFFF800  }
0x6f: {  	v1 =	vld.idx.msk [tilespmem:v2+s23+$0x0], $0xffff;
	_ =	sdelay $0x2  }
0x70: {  	s4 =	sand.u32 $0x7F, s11  }
0x71: {  	v2 =	vor.u32 s4, v0  }
0x72: {  	[tilespmem:s30+$0xFFFFFF00] =	vst v1  }
0x73: {  	_ =	swait.ge [sflag:s26], $0x800  }
0x74: {  	[sflag:s26] =	ssyncset.done $0x0  }
0x75: {  	[sflag:s26] =	ssyncadd.s32 $0xFFFFF800  }
0x76: {  	v1 =	vld.idx.msk [tilespmem:v2+s24+$0x0], $0xffff;
	_ =	sdelay $0x2  }
0x77: {  	s11 =	sand.u32 $0x7F, s10  }
0x78: {  	v2 =	vor.u32 s11, v0  }
0x79: {  	[tilespmem:s30+$0xFFFFFF80] =	vst v1  }
0x7a: {  	_ =	swait.ge [sflag:s26], $0x800  }
0x7b: {  	[sflag:s26] =	ssyncset.done $0x0  }
0x7c: {  	[sflag:s26] =	ssyncadd.s32 $0xFFFFF800  }
0x7d: {  	v1 =	vld.idx.msk [tilespmem:v2+s25+$0x0], $0xffff;
	_ =	sdelay $0x2  }
0x7e: {  	s12 =	sand.u32 $0x7F, s7  }
0x7f: {  	v2 =	vor.u32 s12, v0  }
0x80: {  	[tilespmem:s30+$0x0] =	vst v1  }
0x81: {  	_ =	swait.ge [sflag:s26], $0x800  }
0x82: {  	[sflag:s26] =	ssyncset.done $0x0  }
0x83: {  	s17 =	simm.s32 $0xC900;
	[sflag:s26] =	ssyncadd.s32 $0xFFFFF800  }
0x84: {  	v1 =	vld.idx.msk [tilespmem:v2+s17+$0x0], $0xffff;
	_ =	sdelay $0x2  }
0x85: {  	s18 =	sand.u32 $0x7F, s6  }
0x86: {  	v2 =	vor.u32 s18, v0  }
0x87: {  	[tilespmem:s30+$0x80] =	vst v1  }
0x88: {  	_ =	swait.ge [sflag:s26], $0x800  }
0x89: {  	[sflag:s26] =	ssyncset.done $0x0  }
0x8a: {  	s19 =	simm.s32 $0xD100;
	[sflag:s26] =	ssyncadd.s32 $0xFFFFF800  }
0x8b: {  	v1 =	vld.idx.msk [tilespmem:v2+s19+$0x0], $0xffff;
	_ =	sdelay $0x2  }
0x8c: {  	s20 =	sand.u32 $0x7F, s5  }
0x8d: {  	v2 =	vor.u32 s20, v0  }
0x8e: {  	[tilespmem:s30+$0x100] =	vst v1  }
0x8f: {  	_ =	swait.ge [sflag:s26], $0x800  }
0x90: {  	[sflag:s26] =	ssyncset.done $0x0  }
0x91: {  	s21 =	simm.s32 $0xD900;
	[sflag:s26] =	ssyncadd.s32 $0xFFFFF800  }
0x92: {  	v1 =	vld.idx.msk [tilespmem:v2+s21+$0x0], $0xffff;
	_ =	sdelay $0x2  }
0x93: {  	s22 =	sand.u32 $0x7F, s16  }
0x94: {  	v2 =	vor.u32 s22, v0  }
0x95: {  	[tilespmem:s30+$0x180] =	vst v1  }
0x96: {  	_ =	swait.ge [sflag:s26], $0x800  }
0x97: {  	[sflag:s26] =	ssyncset.done $0x0  }
0x98: {  	s23 =	simm.s32 $0xE100;
	[sflag:s26] =	ssyncadd.s32 $0xFFFFF800  }
0x99: {  	v1 =	vld.idx.msk [tilespmem:v2+s23+$0x0], $0xffff;
	_ =	sdelay $0x2  }
0x9a: {  	s24 =	sand.u32 $0x7F, s3  }
0x9b: {  	v2 =	vor.u32 s24, v0  }
0x9c: {  	[tilespmem:s30+$0x200] =	vst v1  }
0x9d: {  	_ =	swait.ge [sflag:s26], $0x800  }
0x9e: {  	[sflag:s26] =	ssyncset.done $0x0  }
0x9f: {  	s25 =	simm.s32 $0xE900;
	[sflag:s26] =	ssyncadd.s32 $0xFFFFF800  }
0xa0: {  	v1 =	vld.idx.msk [tilespmem:v2+s25+$0x0], $0xffff;
	_ =	sdelay $0x2  }
0xa1: {  	s28 =	sand.u32 $0x7F, s15  }
0xa2: {  	v2 =	vor.u32 s28, v0  }
0xa3: {  	[tilespmem:s30+$0x280] =	vst v1  }
0xa4: {  	_ =	swait.ge [sflag:s26], $0x800  }
0xa5: {  	[sflag:s26] =	ssyncset.done $0x0  }
0xa6: {  	[sflag:s26] =	ssyncadd.s32 $0xFFFFF800  }
0xa7: {  	v1 =	vld.idx.msk [tilespmem:v2+s1+$0x0], $0xffff;
	_ =	sdelay $0x2  }
0xa8: {  	s29 =	sand.u32 $0x7F, s14  }
0xa9: {  	v2 =	vor.u32 s29, v0  }
0xaa: {  	[tilespmem:s30+$0x300] =	vst v1  }
0xab: {  	_ =	swait.ge [sflag:s26], $0x800  }
0xac: {  	[sflag:s26] =	ssyncset.done $0x0  }
0xad: {  	[sflag:s26] =	ssyncadd.s32 $0xFFFFF800  }
0xae: {  	s31 =	simm.s32 $0x40;
	s1 =	simm.s32 $0x80;
	v1 =	vld.idx.msk [tilespmem:v2+s13+$0x0], $0xffff  }
.LBB2_2:
0xaf: {  	_ =	sdelay $0x3  }
0xb0: {  	s3 =	sshra.s32 s31, $0x2;
	[tilespmem:s30+$0x380] =	vst v1  }
0xb1: {  	v1 =	vld [tilespmem:s3+$0x0];
	_ =	sdelay $0x4  }
0xb2: {  	(v2sf) =	vpush v1, $0x0  }
0xb3: {  	(v2sf) =	vpush v1, $0x1  }
0xb4: {  	(v2sf) =	vpush v1, $0x2;
	_ =	sdelay $0x1  }
0xb5: {  	(v2sf) =	vpush v1, $0x3;
	_ =	sdelay $0x1  }
0xb6: {  	(v2sf) =	vpush v1, $0x4;
	_ =	sdelay $0x1  }
0xb7: {  	(v2sf) =	vpush v1, $0x5;
	_ =	sdelay $0x2  }
0xb8: {  	(v2sf) =	vpush v1, $0x6  }
0xb9: {  	s31 =	smov.u32 s1  }
0xba: {  	s0 =	sadd.s32 $0x40, s1;
	p0 =	sne.s32 s1, $0x3C0;
	s24 =	simm.s32 $0x8100;
	(v2sf) =	vpush v1, $0x7  }
0xbb: {  	s25 =	simm.s32 $0x8900;
	s12 =	simm.s32 $0x9900;
	s18 =	simm.s32 $0xA900  }
0xbc: {  	s21 =	simm.s32 $0xB100;
	[dreg:$0x3] =	wrdreg s0;
	(v2sf) =	vpush v1, $0x8;
	s13 =	spop (v2sf)  }
0xbd: {  	s0 =	simm.s32 $0x9100;
	s14 =	sand.u32 $0xFFFFF80, s13;
	s4 =	spop (v2sf)  }
0xbe: {  	(v2sf) =	vpush v1, $0x9;
	s5 =	sadd.s32 s2, s14;
	s6 =	sand.u32 $0xFFFFF80, s4;
	s3 =	spop (v2sf)  }
0xbf: {  	[tilespmem:s24], [sflag:$0x1] =	stream.strided.gather [hbm4b:s5+s8], $0x800, s9, s8, $0x38;
	[tilespmem:$0x10100] =	vst v63  }
0xc0: {  	(v2sf) =	vpush v1, $0xA;
	s6 =	sadd.s32 s2, s6;
	s7 =	sand.u32 $0xFFFFF80, s3;
	s5 =	spop (v2sf)  }
0xc1: {  	[tilespmem:s25], [sflag:$0x1] =	stream.strided.gather [hbm4b:s6+s8], $0x800, s9, s8, $0x38;
	[tilespmem:$0x10100] =	vst v63  }
0xc2: {  	s1 =	sand.u32 $0x7F, s13;
	s7 =	sadd.s32 s2, s7;
	s6 =	spop (v2sf)  }
0xc3: {  	(v2sf) =	vpush v1, $0xB;
	[tilespmem:s0], [sflag:$0x1] =	stream.strided.gather [hbm4b:s7+s8], $0x800, s9, s8, $0x38;
	[tilespmem:$0x10100] =	vst v63  }
0xc4: {  	s13 =	simm.s32 $0xA100;
	s10 =	sand.u32 $0xFFFFF80, s5;
	s7 =	spop (v2sf)  }
0xc5: {  	(v2sf) =	vpush v1, $0xC;
	s10 =	sadd.s32 s2, s10;
	s11 =	sand.u32 $0xFFFFF80, s6;
	s15 =	sand.u32 $0xFFFFF80, s7  }
0xc6: {  	[tilespmem:s12], [sflag:$0x1] =	stream.strided.gather [hbm4b:s10+s8], $0x800, s9, s8, $0x38;
	[tilespmem:$0x10100] =	vst v63  }
0xc7: {  	(v2sf) =	vpush v1, $0xD;
	s11 =	sadd.s32 s2, s11;
	s10 =	spop (v2sf);
	s16 =	sadd.s32 s2, s15  }
0xc8: {  	[tilespmem:s13], [sflag:$0x1] =	stream.strided.gather [hbm4b:s11+s8], $0x800, s9, s8, $0x38;
	[tilespmem:$0x10100] =	vst v63  }
0xc9: {  	s15 =	simm.s32 $0xB900;
	s17 =	sand.u32 $0xFFFFF80, s10;
	s28 =	spop (v2sf)  }
0xca: {  	(v2sf) =	vpush v1, $0xE;
	[tilespmem:s18], [sflag:$0x1] =	stream.strided.gather [hbm4b:s16+s8], $0x800, s9, s8, $0x38;
	[tilespmem:$0x10100] =	vst v63  }
0xcb: {  	s19 =	sadd.s32 s2, s17;
	s20 =	sand.u32 $0xFFFFF80, s28;
	s29 =	spop (v2sf)  }
0xcc: {  	(v2sf) =	vpush v1, $0xF;
	[tilespmem:s21], [sflag:$0x1] =	stream.strided.gather [hbm4b:s19+s8], $0x800, s9, s8, $0x38;
	[tilespmem:$0x10100] =	vst v63  }
0xcd: {  	s22 =	sadd.s32 s2, s20;
	s23 =	sand.u32 $0xFFFFF80, s29;
	s14 =	spop (v2sf)  }
0xce: {  	[tilespmem:s15], [sflag:$0x1] =	stream.strided.gather [hbm4b:s22+s8], $0x800, s9, s8, $0x38;
	[tilespmem:$0x10100] =	vst v63  }
0xcf: {  	s16 =	sadd.s32 s2, s23;
	s18 =	simm.s32 $0xC100;
	s15 =	spop (v2sf)  }
0xd0: {  	s21 =	simm.s32 $0xC900;
	s17 =	sand.u32 $0xFFFFF80, s14;
	s20 =	sand.u32 $0xFFFFF80, s15  }
0xd1: {  	[tilespmem:s18], [sflag:$0x1] =	stream.strided.gather [hbm4b:s16+s8], $0x800, s9, s8, $0x38;
	[tilespmem:$0x10100] =	vst v63  }
0xd2: {  	s19 =	sadd.s32 s2, s17;
	s16 =	spop (v2sf);
	s22 =	sadd.s32 s2, s20  }
0xd3: {  	[tilespmem:s21], [sflag:$0x1] =	stream.strided.gather [hbm4b:s19+s8], $0x800, s9, s8, $0x38;
	[tilespmem:$0x10100] =	vst v63  }
0xd4: {  	s18 =	simm.s32 $0xD100;
	s23 =	sand.u32 $0xFFFFF80, s16;
	s17 =	spop (v2sf)  }
0xd5: {  	[tilespmem:s18], [sflag:$0x1] =	stream.strided.gather [hbm4b:s22+s8], $0x800, s9, s8, $0x38;
	[tilespmem:$0x10100] =	vst v63  }
0xd6: {  	s19 =	sadd.s32 s2, s23;
	s20 =	sand.u32 $0xFFFFF80, s17;
	s18 =	spop (v2sf)  }
0xd7: {  	s21 =	simm.s32 $0xD900;
	s22 =	sadd.s32 s2, s20;
	s23 =	sand.u32 $0xFFFFF80, s18  }
0xd8: {  	[tilespmem:s21], [sflag:$0x1] =	stream.strided.gather [hbm4b:s19+s8], $0x800, s9, s8, $0x38;
	[tilespmem:$0x10100] =	vst v63  }
0xd9: {  	s20 =	simm.s32 $0xE100;
	s19 =	spop (v2sf);
	s21 =	sadd.s32 s2, s23  }
0xda: {  	[tilespmem:s20], [sflag:$0x1] =	stream.strided.gather [hbm4b:s22+s8], $0x800, s9, s8, $0x38;
	[tilespmem:$0x10100] =	vst v63  }
0xdb: {  	s23 =	simm.s32 $0xE900;
	s22 =	sand.u32 $0xFFFFF80, s19;
	s20 =	spop (v2sf)  }
0xdc: {  	[tilespmem:s23], [sflag:$0x1] =	stream.strided.gather [hbm4b:s21+s8], $0x800, s9, s8, $0x38;
	[tilespmem:$0x10100] =	vst v63  }
0xdd: {  	s13 =	sadd.s32 s2, s22;
	s22 =	sand.u32 $0xFFFFF80, s20;
	s23 =	simm.s32 $0xF100  }
0xde: {  	[tilespmem:s23], [sflag:$0x1] =	stream.strided.gather [hbm4b:s13+s8], $0x800, s9, s8, $0x38;
	[tilespmem:$0x10100] =	vst v63  }
0xdf: {  	v1 =	vor.u32 s1, v0;
	s11 =	simm.s32 $0xF900;
	s13 =	sadd.s32 s2, s22  }
0xe0: {  	[tilespmem:s11], [sflag:$0x1] =	stream.strided.gather [hbm4b:s13+s8], $0x800, s9, s8, $0x38;
	[tilespmem:$0x10100] =	vst v63  }
0xe1: {  	_ =	swait.ge [sflag:s26], $0x800  }
0xe2: {  	[sflag:s26] =	ssyncset.done $0x0  }
0xe3: {  	[sflag:s26] =	ssyncadd.s32 $0xFFFFF800  }
0xe4: {  	v1 =	vld.idx.msk [tilespmem:v1+s24+$0x0], $0xffff;
	_ =	sdelay $0x2  }
0xe5: {  	s21 =	sand.u32 $0x7F, s4  }
0xe6: {  	s30 =	sadd.s32 $0x800, s30;
	v2 =	vor.u32 s21, v0  }
0xe7: {  	[tilespmem:s30+$0xFFFFFC00] =	vst v1  }
0xe8: {  	_ =	swait.ge [sflag:s26], $0x800  }
0xe9: {  	[sflag:s26] =	ssyncset.done $0x0  }
0xea: {  	[sflag:s26] =	ssyncadd.s32 $0xFFFFF800  }
0xeb: {  	v1 =	vld.idx.msk [tilespmem:v2+s25+$0x0], $0xffff;
	_ =	sdelay $0x2  }
0xec: {  	s22 =	sand.u32 $0x7F, s3  }
0xed: {  	v2 =	vor.u32 s22, v0  }
0xee: {  	[tilespmem:s30+$0xFFFFFC80] =	vst v1  }
0xef: {  	_ =	swait.ge [sflag:s26], $0x800  }
0xf0: {  	[sflag:s26] =	ssyncset.done $0x0  }
0xf1: {  	[sflag:s26] =	ssyncadd.s32 $0xFFFFF800  }
0xf2: {  	v1 =	vld.idx.msk [tilespmem:v2+s0+$0x0], $0xffff;
	_ =	sdelay $0x2  }
0xf3: {  	s23 =	sand.u32 $0x7F, s5  }
0xf4: {  	v2 =	vor.u32 s23, v0  }
0xf5: {  	[tilespmem:s30+$0xFFFFFD00] =	vst v1  }
0xf6: {  	_ =	swait.ge [sflag:s26], $0x800  }
0xf7: {  	[sflag:s26] =	ssyncset.done $0x0  }
0xf8: {  	s5 =	sand.u32 $0x7F, s15;
	s15 =	simm.s32 $0x9900;
	[sflag:s26] =	ssyncadd.s32 $0xFFFFF800  }
0xf9: {  	v1 =	vld.idx.msk [tilespmem:v2+s15+$0x0], $0xffff;
	_ =	sdelay $0x2  }
0xfa: {  	s12 =	sand.u32 $0x7F, s6  }
0xfb: {  	v2 =	vor.u32 s12, v0  }
0xfc: {  	[tilespmem:s30+$0xFFFFFD80] =	vst v1  }
0xfd: {  	_ =	swait.ge [sflag:s26], $0x800  }
0xfe: {  	[sflag:s26] =	ssyncset.done $0x0  }
0xff: {  	s4 =	sand.u32 $0x7F, s16;
	s16 =	simm.s32 $0xA100;
	[sflag:s26] =	ssyncadd.s32 $0xFFFFF800  }
0x100: {  	v1 =	vld.idx.msk [tilespmem:v2+s16+$0x0], $0xffff;
	_ =	sdelay $0x2  }
0x101: {  	s11 =	sand.u32 $0x7F, s7  }
0x102: {  	v2 =	vor.u32 s11, v0  }
0x103: {  	[tilespmem:s30+$0xFFFFFE00] =	vst v1  }
0x104: {  	_ =	swait.ge [sflag:s26], $0x800  }
0x105: {  	[sflag:s26] =	ssyncset.done $0x0  }
0x106: {  	s24 =	sand.u32 $0x7F, s17;
	s17 =	simm.s32 $0xA900;
	[sflag:s26] =	ssyncadd.s32 $0xFFFFF800  }
0x107: {  	v1 =	vld.idx.msk [tilespmem:v2+s17+$0x0], $0xffff;
	_ =	sdelay $0x2  }
0x108: {  	s10 =	sand.u32 $0x7F, s10  }
0x109: {  	v2 =	vor.u32 s10, v0  }
0x10a: {  	[tilespmem:s30+$0xFFFFFE80] =	vst v1  }
0x10b: {  	_ =	swait.ge [sflag:s26], $0x800  }
0x10c: {  	[sflag:s26] =	ssyncset.done $0x0  }
0x10d: {  	s3 =	sand.u32 $0x7F, s18;
	s18 =	simm.s32 $0xB100;
	[sflag:s26] =	ssyncadd.s32 $0xFFFFF800  }
0x10e: {  	v1 =	vld.idx.msk [tilespmem:v2+s18+$0x0], $0xffff;
	_ =	sdelay $0x2  }
0x10f: {  	s7 =	sand.u32 $0x7F, s28  }
0x110: {  	v2 =	vor.u32 s7, v0  }
0x111: {  	[tilespmem:s30+$0xFFFFFF00] =	vst v1  }
0x112: {  	_ =	swait.ge [sflag:s26], $0x800  }
0x113: {  	[sflag:s26] =	ssyncset.done $0x0  }
0x114: {  	s1 =	sand.u32 $0x7F, s19;
	s19 =	simm.s32 $0xB900;
	[sflag:s26] =	ssyncadd.s32 $0xFFFFF800  }
0x115: {  	v1 =	vld.idx.msk [tilespmem:v2+s19+$0x0], $0xffff;
	_ =	sdelay $0x2  }
0x116: {  	s29 =	sand.u32 $0x7F, s29  }
0x117: {  	v2 =	vor.u32 s29, v0  }
0x118: {  	[tilespmem:s30+$0xFFFFFF80] =	vst v1  }
0x119: {  	_ =	swait.ge [sflag:s26], $0x800  }
0x11a: {  	s6 =	sand.u32 $0x7F, s14;
	[sflag:s26] =	ssyncset.done $0x0  }
0x11b: {  	s14 =	sand.u32 $0x7F, s20;
	s20 =	simm.s32 $0xC100;
	[sflag:s26] =	ssyncadd.s32 $0xFFFFF800  }
0x11c: {  	v1 =	vld.idx.msk [tilespmem:v2+s20+$0x0], $0xffff;
	_ =	sdelay $0x3  }
0x11d: {  	v2 =	vor.u32 s6, v0  }
0x11e: {  	[tilespmem:s30+$0x0] =	vst v1  }
0x11f: {  	_ =	swait.ge [sflag:s26], $0x800  }
0x120: {  	[sflag:s26] =	ssyncset.done $0x0  }
0x121: {  	s21 =	simm.s32 $0xC900;
	[sflag:s26] =	ssyncadd.s32 $0xFFFFF800  }
0x122: {  	v1 =	vld.idx.msk [tilespmem:v2+s21+$0x0], $0xffff;
	_ =	sdelay $0x3  }
0x123: {  	v2 =	vor.u32 s5, v0  }
0x124: {  	[tilespmem:s30+$0x80] =	vst v1  }
0x125: {  	_ =	swait.ge [sflag:s26], $0x800  }
0x126: {  	[sflag:s26] =	ssyncset.done $0x0  }
0x127: {  	s22 =	simm.s32 $0xD100;
	[sflag:s26] =	ssyncadd.s32 $0xFFFFF800  }
0x128: {  	v1 =	vld.idx.msk [tilespmem:v2+s22+$0x0], $0xffff;
	_ =	sdelay $0x3  }
0x129: {  	v2 =	vor.u32 s4, v0  }
0x12a: {  	[tilespmem:s30+$0x100] =	vst v1  }
0x12b: {  	_ =	swait.ge [sflag:s26], $0x800  }
0x12c: {  	[sflag:s26] =	ssyncset.done $0x0  }
0x12d: {  	s23 =	simm.s32 $0xD900;
	[sflag:s26] =	ssyncadd.s32 $0xFFFFF800  }
0x12e: {  	v1 =	vld.idx.msk [tilespmem:v2+s23+$0x0], $0xffff;
	_ =	sdelay $0x3  }
0x12f: {  	v2 =	vor.u32 s24, v0  }
0x130: {  	[tilespmem:s30+$0x180] =	vst v1  }
0x131: {  	_ =	swait.ge [sflag:s26], $0x800  }
0x132: {  	[sflag:s26] =	ssyncset.done $0x0  }
0x133: {  	s24 =	simm.s32 $0xE100;
	[sflag:s26] =	ssyncadd.s32 $0xFFFFF800  }
0x134: {  	v1 =	vld.idx.msk [tilespmem:v2+s24+$0x0], $0xffff;
	_ =	sdelay $0x3  }
0x135: {  	v2 =	vor.u32 s3, v0  }
0x136: {  	[tilespmem:s30+$0x200] =	vst v1  }
0x137: {  	_ =	swait.ge [sflag:s26], $0x800  }
0x138: {  	[sflag:s26] =	ssyncset.done $0x0  }
0x139: {  	s25 =	simm.s32 $0xE900;
	[sflag:s26] =	ssyncadd.s32 $0xFFFFF800  }
0x13a: {  	v1 =	vld.idx.msk [tilespmem:v2+s25+$0x0], $0xffff;
	_ =	sdelay $0x3  }
0x13b: {  	v2 =	vor.u32 s1, v0  }
0x13c: {  	[tilespmem:s30+$0x280] =	vst v1  }
0x13d: {  	_ =	swait.ge [sflag:s26], $0x800  }
0x13e: {  	[sflag:s26] =	ssyncset.done $0x0  }
0x13f: {  	s28 =	simm.s32 $0xF100;
	[sflag:s26] =	ssyncadd.s32 $0xFFFFF800  }
0x140: {  	v1 =	vld.idx.msk [tilespmem:v2+s28+$0x0], $0xffff;
	_ =	sdelay $0x3  }
0x141: {  	v2 =	vor.u32 s14, v0  }
.Ltmp0:
0x142: {  	[tilespmem:s30+$0x300] =	vst v1;
	(pc) =	sbr.rel @p0 .LBB2_2-.Ltmp0, $4  }
0x143: {  	_ =	swait.ge [sflag:s26], $0x800  }
0x144: {  	[sflag:s26] =	ssyncset.done $0x0  }
0x145: {  	s29 =	simm.s32 $0xF900;
	[sflag:s26] =	ssyncadd.s32 $0xFFFFF800  }
0x146: {  	s1 =	rddreg [dreg:$0x3];
	v1 =	vld.idx.msk [tilespmem:v2+s29+$0x0], $0xffff  }
0x147: {  	_ =	sdelay $0x3  }
0x148: {  	s0 =	sshra.s32 s31, $0x2;
	[tilespmem:s30+$0x380] =	vst v1  }
0x149: {  	v1 =	vld [tilespmem:s0+$0x0];
	_ =	sdelay $0x4  }
0x14a: {  	(v2sf) =	vpush v1, $0x0  }
0x14b: {  	(v2sf) =	vpush v1, $0x1  }
0x14c: {  	(v2sf) =	vpush v1, $0x2;
	_ =	sdelay $0x1  }
0x14d: {  	(v2sf) =	vpush v1, $0x3  }
0x14e: {  	(v2sf) =	vpush v1, $0x4;
	_ =	sdelay $0x1  }
0x14f: {  	(v2sf) =	vpush v1, $0x5;
	_ =	sdelay $0x1  }
0x150: {  	(v2sf) =	vpush v1, $0x6;
	_ =	sdelay $0x3  }
0x151: {  	(v2sf) =	vpush v1, $0x7  }
0x152: {  	s17 =	simm.s32 $0x8100  }
0x153: {  	s19 =	simm.s32 $0x8900;
	s20 =	simm.s32 $0x9100;
	(v2sf) =	vpush v1, $0x8;
	s13 =	spop (v2sf)  }
0x154: {  	s21 =	simm.s32 $0x9900;
	s6 =	sand.u32 $0xFFFFF80, s13;
	s4 =	spop (v2sf)  }
0x155: {  	s22 =	simm.s32 $0xA100;
	(v2sf) =	vpush v1, $0x9;
	s1 =	sadd.s32 s2, s6;
	s6 =	spop (v2sf)  }
0x156: {  	[tilespmem:s17], [sflag:$0x1] =	stream.strided.gather [hbm4b:s1+s8], $0x800, s9, s8, $0x38;
	[tilespmem:$0x10100] =	vst v63  }
0x157: {  	s23 =	simm.s32 $0xA900;
	s3 =	sand.u32 $0xFFFFF80, s4;
	s1 =	spop (v2sf)  }
0x158: {  	(v2sf) =	vpush v1, $0xA;
	s3 =	sadd.s32 s2, s3;
	s5 =	sand.u32 $0xFFFFF80, s6;
	s31 =	spop (v2sf)  }
0x159: {  	[tilespmem:s19], [sflag:$0x1] =	stream.strided.gather [hbm4b:s3+s8], $0x800, s9, s8, $0x38;
	[tilespmem:$0x10100] =	vst v63  }
0x15a: {  	(v2sf) =	vpush v1, $0xB;
	s7 =	sadd.s32 s2, s5;
	s10 =	sand.u32 $0xFFFFF80, s1;
	s12 =	spop (v2sf)  }
0x15b: {  	(v2sf) =	vpush v1, $0xC;
	[tilespmem:s20], [sflag:$0x1] =	stream.strided.gather [hbm4b:s7+s8], $0x800, s9, s8, $0x38;
	[tilespmem:$0x10100] =	vst v63  }
0x15c: {  	s11 =	sadd.s32 s2, s10;
	s14 =	sand.u32 $0xFFFFF80, s31;
	s29 =	spop (v2sf)  }
0x15d: {  	(v2sf) =	vpush v1, $0xD;
	[tilespmem:s21], [sflag:$0x1] =	stream.strided.gather [hbm4b:s11+s8], $0x800, s9, s8, $0x38;
	[tilespmem:$0x10100] =	vst v63  }
0x15e: {  	s15 =	sadd.s32 s2, s14;
	s16 =	sand.u32 $0xFFFFF80, s12;
	s24 =	sand.u32 $0xFFFFF80, s29  }
0x15f: {  	[tilespmem:s22], [sflag:$0x1] =	stream.strided.gather [hbm4b:s15+s8], $0x800, s9, s8, $0x38;
	[tilespmem:$0x10100] =	vst v63  }
0x160: {  	s18 =	sadd.s32 s2, s16;
	s28 =	spop (v2sf);
	s25 =	sadd.s32 s2, s24  }
0x161: {  	(v2sf) =	vpush v1, $0xE;
	[tilespmem:s23], [sflag:$0x1] =	stream.strided.gather [hbm4b:s18+s8], $0x800, s9, s8, $0x38;
	[tilespmem:$0x10100] =	vst v63  }
0x162: {  	s0 =	sand.u32 $0xFFFFF80, s28;
	s24 =	simm.s32 $0xB100;
	s11 =	spop (v2sf)  }
0x163: {  	[tilespmem:s24], [sflag:$0x1] =	stream.strided.gather [hbm4b:s25+s8], $0x800, s9, s8, $0x38;
	[tilespmem:$0x10100] =	vst v63  }
0x164: {  	s7 =	sadd.s32 s2, s0;
	s14 =	sand.u32 $0xFFFFF80, s11;
	s10 =	spop (v2sf)  }
0x165: {  	(v2sf) =	vpush v1, $0xF;
	s15 =	sadd.s32 s2, s14;
	s25 =	simm.s32 $0xB900;
	s16 =	sand.u32 $0xFFFFF80, s10  }
0x166: {  	[tilespmem:s25], [sflag:$0x1] =	stream.strided.gather [hbm4b:s7+s8], $0x800, s9, s8, $0x38;
	[tilespmem:$0x10100] =	vst v63  }
0x167: {  	s18 =	simm.s32 $0xC100;
	s7 =	spop (v2sf);
	s14 =	sadd.s32 s2, s16  }
0x168: {  	[tilespmem:s18], [sflag:$0x1] =	stream.strided.gather [hbm4b:s15+s8], $0x800, s9, s8, $0x38;
	[tilespmem:$0x10100] =	vst v63  }
0x169: {  	s16 =	spop (v2sf);
	s15 =	sand.u32 $0xFFFFF80, s7;
	s18 =	simm.s32 $0xC900  }
0x16a: {  	s5 =	spop (v2sf);
	s0 =	sadd.s32 s2, s15;
	s15 =	simm.s32 $0xD100  }
0x16b: {  	[tilespmem:s18], [sflag:$0x1] =	stream.strided.gather [hbm4b:s14+s8], $0x800, s9, s8, $0x38;
	[tilespmem:$0x10100] =	vst v63  }
0x16c: {  	s3 =	spop (v2sf);
	s14 =	sand.u32 $0xFFFFF80, s16;
	s18 =	simm.s32 $0xD900  }
0x16d: {  	[tilespmem:s15], [sflag:$0x1] =	stream.strided.gather [hbm4b:s0+s8], $0x800, s9, s8, $0x38;
	[tilespmem:$0x10100] =	vst v63  }
0x16e: {  	s14 =	sadd.s32 s2, s14;
	s15 =	sand.u32 $0xFFFFF80, s5;
	s0 =	simm.s32 $0xE100  }
0x16f: {  	[tilespmem:s18], [sflag:$0x1] =	stream.strided.gather [hbm4b:s14+s8], $0x800, s9, s8, $0x38;
	[tilespmem:$0x10100] =	vst v63  }
0x170: {  	s14 =	sadd.s32 s2, s15;
	s15 =	sand.u32 $0xFFFFF80, s3;
	s18 =	spop (v2sf)  }
0x171: {  	[tilespmem:s0], [sflag:$0x1] =	stream.strided.gather [hbm4b:s14+s8], $0x800, s9, s8, $0x38;
	[tilespmem:$0x10100] =	vst v63  }
0x172: {  	s14 =	sadd.s32 s2, s15;
	s0 =	sand.u32 $0xFFFFF80, s18;
	s15 =	simm.s32 $0xE900  }
0x173: {  	[tilespmem:s15], [sflag:$0x1] =	stream.strided.gather [hbm4b:s14+s8], $0x800, s9, s8, $0x38;
	[tilespmem:$0x10100] =	vst v63  }
0x174: {  	s15 =	spop (v2sf);
	s14 =	sadd.s32 s2, s0;
	s0 =	simm.s32 $0xF100  }
0x175: {  	[tilespmem:s0], [sflag:$0x1] =	stream.strided.gather [hbm4b:s14+s8], $0x800, s9, s8, $0x38;
	[tilespmem:$0x10100] =	vst v63  }
0x176: {  	s13 =	sand.u32 $0x7F, s13;
	s0 =	sand.u32 $0xFFFFF80, s15  }
0x177: {  	v1 =	vor.u32 s13, v0;
	s14 =	simm.s32 $0xF900;
	s0 =	sadd.s32 s2, s0  }
0x178: {  	[tilespmem:s14], [sflag:$0x1] =	stream.strided.gather [hbm4b:s0+s8], $0x800, s9, s8, $0x38;
	[tilespmem:$0x10100] =	vst v63  }
0x179: {  	_ =	swait.ge [sflag:s26], $0x800  }
0x17a: {  	[sflag:s26] =	ssyncset.done $0x0  }
0x17b: {  	[sflag:s26] =	ssyncadd.s32 $0xFFFFF800  }
0x17c: {  	v1 =	vld.idx.msk [tilespmem:v1+s17+$0x0], $0xffff;
	_ =	sdelay $0x2  }
0x17d: {  	s4 =	sand.u32 $0x7F, s4  }
0x17e: {  	v2 =	vor.u32 s4, v0;
	s4 =	sadd.s32 $0x800, s30  }
0x17f: {  	[tilespmem:s4+$0xFFFFFC00] =	vst v1  }
0x180: {  	_ =	swait.ge [sflag:s26], $0x800  }
0x181: {  	[sflag:s26] =	ssyncset.done $0x0  }
0x182: {  	[sflag:s26] =	ssyncadd.s32 $0xFFFFF800  }
0x183: {  	v1 =	vld.idx.msk [tilespmem:v2+s19+$0x0], $0xffff;
	_ =	sdelay $0x2  }
0x184: {  	s19 =	sand.u32 $0x7F, s6  }
0x185: {  	v2 =	vor.u32 s19, v0  }
0x186: {  	[tilespmem:s4+$0xFFFFFC80] =	vst v1  }
0x187: {  	_ =	swait.ge [sflag:s26], $0x800  }
0x188: {  	[sflag:s26] =	ssyncset.done $0x0  }
0x189: {  	[sflag:s26] =	ssyncadd.s32 $0xFFFFF800  }
0x18a: {  	v1 =	vld.idx.msk [tilespmem:v2+s20+$0x0], $0xffff;
	_ =	sdelay $0x2  }
0x18b: {  	s20 =	sand.u32 $0x7F, s1  }
0x18c: {  	v2 =	vor.u32 s20, v0  }
0x18d: {  	[tilespmem:s4+$0xFFFFFD00] =	vst v1  }
0x18e: {  	_ =	swait.ge [sflag:s26], $0x800  }
0x18f: {  	[sflag:s26] =	ssyncset.done $0x0  }
0x190: {  	[sflag:s26] =	ssyncadd.s32 $0xFFFFF800  }
0x191: {  	v1 =	vld.idx.msk [tilespmem:v2+s21+$0x0], $0xffff;
	_ =	sdelay $0x2  }
0x192: {  	s21 =	sand.u32 $0x7F, s31  }
0x193: {  	v2 =	vor.u32 s21, v0  }
0x194: {  	[tilespmem:s4+$0xFFFFFD80] =	vst v1  }
0x195: {  	_ =	swait.ge [sflag:s26], $0x800  }
0x196: {  	[sflag:s26] =	ssyncset.done $0x0  }
0x197: {  	[sflag:s26] =	ssyncadd.s32 $0xFFFFF800  }
0x198: {  	v1 =	vld.idx.msk [tilespmem:v2+s22+$0x0], $0xffff;
	_ =	sdelay $0x2  }
0x199: {  	s22 =	sand.u32 $0x7F, s12  }
0x19a: {  	v2 =	vor.u32 s22, v0  }
0x19b: {  	[tilespmem:s4+$0xFFFFFE00] =	vst v1  }
0x19c: {  	_ =	swait.ge [sflag:s26], $0x800  }
0x19d: {  	[sflag:s26] =	ssyncset.done $0x0  }
0x19e: {  	[sflag:s26] =	ssyncadd.s32 $0xFFFFF800  }
0x19f: {  	v1 =	vld.idx.msk [tilespmem:v2+s23+$0x0], $0xffff;
	_ =	sdelay $0x2  }
0x1a0: {  	s30 =	sand.u32 $0x7F, s29  }
0x1a1: {  	v2 =	vor.u32 s30, v0  }
0x1a2: {  	[tilespmem:s4+$0xFFFFFE80] =	vst v1  }
0x1a3: {  	_ =	swait.ge [sflag:s26], $0x800  }
0x1a4: {  	[sflag:s26] =	ssyncset.done $0x0  }
0x1a5: {  	[sflag:s26] =	ssyncadd.s32 $0xFFFFF800  }
0x1a6: {  	v1 =	vld.idx.msk [tilespmem:v2+s24+$0x0], $0xffff;
	_ =	sdelay $0x2  }
0x1a7: {  	s31 =	sand.u32 $0x7F, s28  }
0x1a8: {  	v2 =	vor.u32 s31, v0  }
0x1a9: {  	[tilespmem:s4+$0xFFFFFF00] =	vst v1  }
0x1aa: {  	_ =	swait.ge [sflag:s26], $0x800  }
0x1ab: {  	[sflag:s26] =	ssyncset.done $0x0  }
0x1ac: {  	[sflag:s26] =	ssyncadd.s32 $0xFFFFF800  }
0x1ad: {  	v1 =	vld.idx.msk [tilespmem:v2+s25+$0x0], $0xffff;
	_ =	sdelay $0x2  }
0x1ae: {  	s1 =	sand.u32 $0x7F, s11  }
0x1af: {  	v2 =	vor.u32 s1, v0  }
0x1b0: {  	[tilespmem:s4+$0xFFFFFF80] =	vst v1  }
0x1b1: {  	_ =	swait.ge [sflag:s26], $0x800  }
0x1b2: {  	[sflag:s26] =	ssyncset.done $0x0  }
0x1b3: {  	s6 =	simm.s32 $0xC100;
	[sflag:s26] =	ssyncadd.s32 $0xFFFFF800  }
0x1b4: {  	v1 =	vld.idx.msk [tilespmem:v2+s6+$0x0], $0xffff;
	_ =	sdelay $0x2  }
0x1b5: {  	s10 =	sand.u32 $0x7F, s10  }
0x1b6: {  	v2 =	vor.u32 s10, v0  }
0x1b7: {  	[tilespmem:s4+$0x0] =	vst v1  }
0x1b8: {  	_ =	swait.ge [sflag:s26], $0x800  }
0x1b9: {  	[sflag:s26] =	ssyncset.done $0x0  }
0x1ba: {  	s11 =	simm.s32 $0xC900;
	[sflag:s26] =	ssyncadd.s32 $0xFFFFF800  }
0x1bb: {  	v1 =	vld.idx.msk [tilespmem:v2+s11+$0x0], $0xffff;
	_ =	sdelay $0x2  }
0x1bc: {  	s12 =	sand.u32 $0x7F, s7  }
0x1bd: {  	v2 =	vor.u32 s12, v0  }
0x1be: {  	[tilespmem:s4+$0x80] =	vst v1  }
0x1bf: {  	_ =	swait.ge [sflag:s26], $0x800  }
0x1c0: {  	[sflag:s26] =	ssyncset.done $0x0  }
0x1c1: {  	s13 =	simm.s32 $0xD100;
	[sflag:s26] =	ssyncadd.s32 $0xFFFFF800  }
0x1c2: {  	v1 =	vld.idx.msk [tilespmem:v2+s13+$0x0], $0xffff;
	_ =	sdelay $0x2  }
0x1c3: {  	s16 =	sand.u32 $0x7F, s16  }
0x1c4: {  	v2 =	vor.u32 s16, v0  }
0x1c5: {  	[tilespmem:s4+$0x100] =	vst v1  }
0x1c6: {  	_ =	swait.ge [sflag:s26], $0x800  }
0x1c7: {  	[sflag:s26] =	ssyncset.done $0x0  }
0x1c8: {  	s17 =	simm.s32 $0xD900;
	[sflag:s26] =	ssyncadd.s32 $0xFFFFF800  }
0x1c9: {  	v1 =	vld.idx.msk [tilespmem:v2+s17+$0x0], $0xffff;
	_ =	sdelay $0x2  }
0x1ca: {  	s19 =	sand.u32 $0x7F, s5  }
0x1cb: {  	v2 =	vor.u32 s19, v0  }
0x1cc: {  	[tilespmem:s4+$0x180] =	vst v1  }
0x1cd: {  	_ =	swait.ge [sflag:s26], $0x800  }
0x1ce: {  	[sflag:s26] =	ssyncset.done $0x0  }
0x1cf: {  	s20 =	simm.s32 $0xE100;
	[sflag:s26] =	ssyncadd.s32 $0xFFFFF800  }
0x1d0: {  	v1 =	vld.idx.msk [tilespmem:v2+s20+$0x0], $0xffff;
	_ =	sdelay $0x2  }
0x1d1: {  	s21 =	sand.u32 $0x7F, s3  }
0x1d2: {  	v2 =	vor.u32 s21, v0  }
0x1d3: {  	[tilespmem:s4+$0x200] =	vst v1  }
0x1d4: {  	_ =	swait.ge [sflag:s26], $0x800  }
0x1d5: {  	[sflag:s26] =	ssyncset.done $0x0  }
0x1d6: {  	s22 =	simm.s32 $0xE900;
	[sflag:s26] =	ssyncadd.s32 $0xFFFFF800  }
0x1d7: {  	v1 =	vld.idx.msk [tilespmem:v2+s22+$0x0], $0xffff;
	_ =	sdelay $0x2  }
0x1d8: {  	s23 =	sand.u32 $0x7F, s18  }
0x1d9: {  	v2 =	vor.u32 s23, v0  }
0x1da: {  	[tilespmem:s4+$0x280] =	vst v1  }
0x1db: {  	_ =	swait.ge [sflag:s26], $0x800  }
0x1dc: {  	[sflag:s26] =	ssyncset.done $0x0  }
0x1dd: {  	s24 =	simm.s32 $0xF100;
	[sflag:s26] =	ssyncadd.s32 $0xFFFFF800  }
0x1de: {  	v1 =	vld.idx.msk [tilespmem:v2+s24+$0x0], $0xffff;
	_ =	sdelay $0x2  }
0x1df: {  	s25 =	sand.u32 $0x7F, s15  }
0x1e0: {  	v2 =	vor.u32 s25, v0  }
0x1e1: {  	[tilespmem:s4+$0x300] =	vst v1  }
0x1e2: {  	_ =	swait.ge [sflag:s26], $0x800  }
0x1e3: {  	[sflag:s26] =	ssyncset.done $0x0  }
0x1e4: {  	[sflag:s26] =	ssyncadd.s32 $0xFFFFF800  }
0x1e5: {  	v1 =	vld.idx.msk [tilespmem:v2+s14+$0x0], $0xffff;
	_ =	sdelay $0x3  }
0x1e6: {  	s29 =	simm.s32 $0x100  }
0x1e7: {  	s1 =	simm.s32 $0x2;
	s6 =	simm.s32 $0x0;
	s28 =	rddreg [dreg:$0x5];
	[tilespmem:s4+$0x380] =	vst v1  }
0x1e8: {  	[hbm4b:s28+s6] =	stream.linear.scatter [tilespmem:s29], [sflag:$0x2], $0x8000, $0x38;
	[tilespmem:$0x10100] =	vst v63  }
0x1e9: {  	_ =	swait.ge [sflag:s1], $0x8000  }
0x1ea: {  	s30 =	rddreg [dreg:$0x7]  }
0x1eb: {  	s31 =	rddreg [dreg:$0x6];
	s3 =	sadd.s32 $0x1, s30  }
0x1ec: {  	p0 =	sne.s32 s3, s31  }
.Ltmp1:
0x1ed: {  	_ = 	snop;
	(pc) =	sbr.rel @p0 .LBB2_1-.Ltmp1, $3  }
0x1ee: {  	_ =	sdelay $0x1  }
0x1ef: {  	[sflag:s1] =	ssyncset.done $0x0  }
0x1f0: {  	[sflag:s1] =	ssyncadd.s32 $0xFFFF8000  }
0x1f1: {  	_ =	sfence.sel $0x180000  }
0x1f2: {  	[bflag:$0x0] =	sbarrier.arrive $0xFFFF  }
0x1f3: {  	_ =	strace $0x90000047  }
0x1f4: {  	s0 =	stileid.u32;
	[bflag:$0x2] =	sbarrier.arrive $0xFFFF  }
0x1f5: {  	p0 =	sne.s32 s0, $0x0;
	s0 =	rddreg [dreg:$0x2]  }
0x1f6: {  	s0 =	sadd.s32 @!p0 $0x100000, s0  }
0x1f7: {  	[sflag:s0] =	ssyncadd.tile.s32 @!p0 $0x1;
	_ =	shalt  }
.Lfunc_end2:
_tile_overlayer_lowered:
.L_overlay_start_2:
0x1f8: {  	(tag) =	ssettag $0x2  }
0x1f9: {  	s0 =	rddreg [dreg:$0x0];
	s2 =	stileid.u32  }
0x1fa: {  	s1 =	rddreg [dreg:$0x1];
	p0 =	sne.s32 s2, $0x0  }
0x1fb: {  	s3 =	rddreg [dreg:$0x2];
	[bflag:$0x3] =	sbarrier.arrive $0xFFFF;
	s2 =	simm.s32 @!p0 $0x1C02  }
0x1fc: {  	[timem:s3], [sflag:s2] =	dma.local @!p0 [hbm:s0], s1  }
0x1fd: {  	s0 =	simm.s32 @!p0 $0x2  }
0x1fe: {  	_ =	swait.ge @!p0 [sflag:s0], s1  }
0x1ff: {  	s1 =	ssub.s32 @!p0 $0x0, s1;
	[sflag:s0] =	ssyncset.done @!p0 $0x0  }
0x200: {  	[sflag:s0] =	ssyncadd.s32 @!p0 s1  }
0x201: {  	[bflag:$0x3] =	sbarrier.arrive $0xFFFF  }
0x202: {  	_ =	shalt  }

// kernel: kernel.9.cloned.1.call-start
scs
__scs_entry_jumppad:
0x0: {  	(pc) =	sbr.rel $0x88, $3  }
0x1: {  	(tag) =	ssettag $0x0;
	lr =	simm.s32 $0x1  }
0x2: {  	[smem:$0x3F9B] =	sst lr;
	_ =	strace $0xD0000000  }
0x3: {  	_ = 	snop  }
0x4: {  	_ = 	snop  }
0x5: {  	_ = 	snop  }
0x6: {  	_ = 	snop  }
0x7: {  	_ = 	snop  }
__scs_overlays_trampoline_lowered:
0x8: {  	[smem:$0x3FAA] =	sst s0  }
0x9: {  	[smem:$0x3FAB] =	sst s1  }
0xa: {  	[smem:$0x3FAC] =	sst s2  }
0xb: {  	[smem:$0x3FAD] =	sst s3  }
0xc: {  	[smem:$0x3FAE] =	sst s4  }
0xd: {  	[smem:$0x3FAF] =	sst s5  }
0xe: {  	[smem:$0x3FB0] =	sst s6  }
0xf: {  	[smem:$0x3FB1] =	sst s7  }
0x10: {  	[smem:$0x3FB2] =	sst s8  }
0x11: {  	[smem:$0x3FB3] =	sst s9;
	s0 =	simm.s32 @!p0 $0x0  }
0x12: {  	s1 =	sld [smem:$0x3F99];
	s0 =	simm.s32 @p0 $0x1  }
0x13: {  	[smem:$0x3FB4] =	sst s0;
	s0 =	simm.s32 @!p1 $0x0  }
0x14: {  	s2 =	sld [smem:$0x3F98];
	s0 =	simm.s32 @p1 $0x1  }
0x15: {  	[smem:$0x3FB5] =	sst s0;
	s0 =	simm.s32 @!p2 $0x0  }
0x16: {  	s3 =	sld [smem:$0x3FDB];
	s0 =	simm.s32 @p2 $0x1  }
0x17: {  	s4 =	simm.s32 $0x1BF5;
	[smem:$0x3FB7] =	sst s0  }
0x18: {  	s0 =	sld [smem:$0x3F9A];
	_ =	swait.ge [sflag:s4], $0x0  }
0x19: {  	s7 =	sld [smem:$0x3F9B]  }
0x1a: {  	s8 =	sadd.s32 $0xFFFFE003, lr  }
0x1b: {  	s9 =	sadd.s32 $0xFFFFFEF7, lr;
	s5 =	simm.s32 $0xFFFFFFFF;
	p2 =	slt.u32 s8, $0xFFFFF086  }
0x1c: {  	p1 =	slt.u32 s9, $0xF7A;
	s5 =	simm.s32 @!p2 $0x0  }
0x1d: {  	s5 =	simm.s32 @p1 $0x1;
	p0 =	seq.s32 s7, s2  }
0x1e: {  	s7 =	smul.u32 @!p0 $0xF7A, s2;
	p2 =	seq.s32 @!p0 s5, $0x0  }
0x1f: {  	s9 =	smul.u32 $0xF7A, s1;
	s8 =	simm.s32 @!p0 $0x1BF5;
	p2 =	por !p2, p0  }
0x20: {  	[sflag:s8] =	ssyncset.s32 @!p0 $0xFFFFF086;
	s6 =	sadd.s32 @!p0 s3, s7;
	s7 =	simm.s32 @!p0 $0x108  }
0x21: {  	s3 =	sadd.s32 s3, s9;
	s6 =	sadd.s32 @!p0 $0x88, s6;
	s7 =	simm.s32 @p2 $0x1082  }
0x22: {  	[simem:s7], [sflag:s8] =	dma.local @!p0 [hbm:s6], $0xF7A  }
0x23: {  	s9 =	sor.u32 $0xD0000000, s2;
	s6 =	simm.s32 $0x108;
	_ =	swait.ge @!p0 [sflag:s8], $0x0  }
0x24: {  	s3 =	sadd.s32 $0x88, s3;
	s6 =	simm.s32 @!p1 $0x1082;
	[sflag:s4] =	ssyncset.s32 $0xFFFFF086  }
0x25: {  	[simem:s6], [sflag:s4] =	dma.local [hbm:s3], $0xF7A  }
0x26: {  	[smem:$0x3F9B] =	sst s1;
	(tag) =	ssettag s2;
	_ =	strace s9  }
0x27: {  	s1 =	sld [smem:$0x3FAB]  }
0x28: {  	s2 =	sld [smem:$0x3FAC]  }
0x29: {  	s4 =	sld [smem:$0x3FAE]  }
0x2a: {  	p0 =	seq.s32 s5, $0x0;
	s5 =	sld [smem:$0x3FAF]  }
0x2b: {  	s6 =	sld [smem:$0x3FB0]  }
0x2c: {  	s7 =	sld [smem:$0x3FB1]  }
0x2d: {  	s3 =	simm.s32 $0x108;
	s8 =	sld [smem:$0x3FB2]  }
0x2e: {  	s3 =	simm.s32 @!p0 $0x1082;
	s9 =	sld [smem:$0x3FB3]  }
0x2f: {  	lr =	sadd.s32 s0, s3;
	s0 =	sld [smem:$0x3FAA]  }
0x30: {  	s3 =	sld [smem:$0x3FAD]  }
0x31: {  	[smem:$0x3FB6] =	sst s10  }
0x32: {  	s10 =	sld [smem:$0x3FB4];
	_ =	sdelay $0x3  }
0x33: {  	p0 =	seq.s32 s10, $0x1;
	s10 =	sld [smem:$0x3FB6];
	_ =	sdelay $0x3  }
0x34: {  	[smem:$0x3FB6] =	sst s10  }
0x35: {  	s10 =	sld [smem:$0x3FB5];
	_ =	sdelay $0x3  }
0x36: {  	p1 =	seq.s32 s10, $0x1;
	s10 =	sld [smem:$0x3FB6];
	_ =	sdelay $0x3  }
0x37: {  	[smem:$0x3FB6] =	sst s10  }
0x38: {  	s10 =	sld [smem:$0x3FB7]  }
0x39: {  	_ = 	snop;
	(pc) =	sbr.ind lr, $3  }
0x3a: {  	_ = 	snop  }
0x3b: {  	_ = 	snop  }
0x3c: {  	p2 =	seq.s32 s10, $0x1;
	s10 =	sld [smem:$0x3FB6]  }
0x3d: {  	_ =	shalt  }
0x3e: {  	_ =	shalt  }
0x3f: {  	_ =	shalt  }
0x40: {  	_ =	shalt  }
0x41: {  	_ =	shalt  }
0x42: {  	_ =	shalt  }
0x43: {  	_ =	shalt  }
0x44: {  	_ =	shalt  }
0x45: {  	_ =	shalt  }
0x46: {  	_ =	shalt  }
0x47: {  	_ =	shalt  }
0x48: {  	_ =	shalt  }
0x49: {  	_ =	shalt  }
0x4a: {  	_ =	shalt  }
0x4b: {  	_ =	shalt  }
0x4c: {  	_ =	shalt  }
0x4d: {  	_ =	shalt  }
0x4e: {  	_ =	shalt  }
0x4f: {  	_ =	shalt  }
0x50: {  	_ =	shalt  }
0x51: {  	_ =	shalt  }
0x52: {  	_ =	shalt  }
0x53: {  	_ =	shalt  }
0x54: {  	_ =	shalt  }
0x55: {  	_ =	shalt  }
0x56: {  	_ =	shalt  }
0x57: {  	_ =	shalt  }
0x58: {  	_ =	shalt  }
0x59: {  	_ =	shalt  }
0x5a: {  	_ =	shalt  }
0x5b: {  	_ =	shalt  }
0x5c: {  	_ =	shalt  }
0x5d: {  	_ =	shalt  }
0x5e: {  	_ =	shalt  }
0x5f: {  	_ =	shalt  }
0x60: {  	_ =	shalt  }
0x61: {  	_ =	shalt  }
0x62: {  	_ =	shalt  }
0x63: {  	_ =	shalt  }
0x64: {  	_ =	shalt  }
0x65: {  	_ =	shalt  }
0x66: {  	_ =	shalt  }
0x67: {  	_ =	shalt  }
0x68: {  	_ =	shalt  }
0x69: {  	_ =	shalt  }
0x6a: {  	_ =	shalt  }
0x6b: {  	_ =	shalt  }
0x6c: {  	_ =	shalt  }
0x6d: {  	_ =	shalt  }
0x6e: {  	_ =	shalt  }
0x6f: {  	_ =	shalt  }
0x70: {  	_ =	shalt  }
0x71: {  	_ =	shalt  }
0x72: {  	_ =	shalt  }
0x73: {  	_ =	shalt  }
0x74: {  	_ =	shalt  }
0x75: {  	_ =	shalt  }
0x76: {  	_ =	shalt  }
0x77: {  	_ =	shalt  }
0x78: {  	_ =	shalt  }
0x79: {  	_ =	shalt  }
0x7a: {  	_ =	shalt  }
0x7b: {  	_ =	shalt  }
0x7c: {  	_ =	shalt  }
0x7d: {  	_ =	shalt  }
0x7e: {  	_ =	shalt  }
0x7f: {  	_ =	shalt  }
0x80: {  	_ =	shalt  }
0x81: {  	_ =	shalt  }
0x82: {  	_ =	shalt  }
0x83: {  	_ =	shalt  }
0x84: {  	_ =	shalt  }
0x85: {  	_ =	shalt  }
0x86: {  	_ =	shalt  }
0x87: {  	_ =	shalt  }
.Lfunc_end0:
.L_simem_size_0:
called_computation.1_lowered:
.L_overlay_start_0:
0x88: {  	s2 =	sld [smem:$0x3FD9]  }
0x89: {  	s3 =	sld [smem:$0x3FFE];
	_ =	sdelay $0x1  }
0x8a: {  	s1 =	srdreg.scid  }
0x8b: {  	s0 =	sand.u32 $0x1, s1  }
0x8c: {  	s17 =	sshll.u32 s0, $0xA;
	s2 =	sadd.s32 s3, s2  }
0x8d: {  	s2 =	sadd.s32 s2, s17  }
0x8e: {  	[smem:$0x3FC2] =	sst s2  }
0x8f: {  	_ = 	snop  }
0x90: {  	s18 =	sld [smem:$0x3FC8]  }
0x91: {  	s4 =	sld [smem:$0x3FD0];
	(tm) =	ssettm $0x1  }
0x92: {  	s19 =	sld [smem:$0x3FFB];
	_ =	sdelay $0x3  }
0x93: {  	_ =	strace s19  }
0x94: {  	s2 =	sld [smem:$0x3FFC];
	_ =	sdelay $0x3  }
0x95: {  	_ =	strace s2  }
0x96: {  	s2 =	sld [smem:$0x3FFD];
	_ =	sdelay $0x3  }
0x97: {  	_ =	strace s2  }
0x98: {  	_ =	strace $0x8FFFFFFF  }
0x99: {  	s20 =	sld [smem:$0x3FDB];
	_ =	sdelay $0x1  }
0x9a: {  	s5 =	simm.s32 $_scs_section_size  }
0x9b: {  	s6 =	simm.s32 $_size__tile_overlayer_lowered;
	s7 =	simm.s32 $_tile_overlayer_lowered  }
0x9c: {  	s8 =	simm.s32 $0x1BFF;
	s21 =	sshll.u32 s7, $0x1;
	s5 =	sadd.s32 s5, s20  }
0x9d: {  	s22 =	simm.s32 $0x0;
	s6 =	sshll.u32 s6, $0x1;
	s7 =	sadd.s32 s21, s5  }
0x9e: {  	[timem:s22], [sflag:s8] =	dma.local [hbm:s7], s6  }
0x9f: {  	_ =	swait.ge [sflag:s8], s6  }
0xa0: {  	s6 =	ssub.s32 $0x0, s6;
	[sflag:s8] =	ssyncset.done $0x0  }
0xa1: {  	[sflag:s8] =	ssyncadd.s32 s6;
	_ =	sdelay $0x1  }
0xa2: {  	s23 =	simm.s32 $0x1B8B  }
0xa3: {  	_ =	swait.ge [sflag:s23], $0x1  }
0xa4: {  	[sflag:s23] =	ssyncset.done $0x0  }
0xa5: {  	[sflag:s23] =	ssyncadd.s32 $0xFFFFFFFF  }
0xa6: {  	s6 =	sld [smem:$0x0]  }
0xa7: {  	s7 =	sand.u32 $0xFFFFFFFE, s1  }
0xa8: {  	p0 =	sne.s32 s1, s7  }
0xa9: {  	s7 =	sshll.u32 @p0 s7, $0xE  }
0xaa: {  	s7 =	sadd.s32 @p0 $0x11B8D, s7;
	s8 =	sshll.u32 @p0 s6, $0x11  }
0xab: {  	s7 =	sor.u32 @p0 s8, s7  }
0xac: {  	[sflag:s7] =	ssyncadd.remote.s32 @p0 $0x1;
	_ =	sdelay $0x1  }
0xad: {  	s7 =	simm.s32 @p0 $0x1B8D  }
0xae: {  	_ =	swait.eq @p0 [sflag:s7], $0x1  }
0xaf: {  	[sflag:s7] =	ssyncadd.s32 @p0 $0xFFFFFFFF  }
0xb0: {  	s8 =	sshll.u32 @!p0 s1, $0xE  }
0xb1: {  	s8 =	sor.u32 @!p0 $0x4000, s8;
	s7 =	simm.s32 @!p0 $0x1B8D  }
0xb2: {  	s6 =	sshll.u32 @!p0 s6, $0x11;
	s8 =	sadd.s32 @!p0 $0x11B8D, s8;
	_ =	swait.eq @!p0 [sflag:s7], $0x1  }
0xb3: {  	s6 =	sor.u32 @!p0 s6, s8;
	[sflag:s7] =	ssyncadd.s32 @!p0 $0xFFFFFFFF  }
0xb4: {  	s25 =	simm.s32 $0x1B8E;
	s24 =	sld [smem:$0x3FFE];
	[sflag:s6] =	ssyncadd.remote.s32 @!p0 $0x1  }
0xb5: {  	s26 =	simm.s32 $execute0_lowered;
	[smem:$0x3FD2] =	sst s25  }
0xb6: {  	s7 =	sshll.u32 s26, $0x1;
	_ =	strace $0x80000049;
	[dreg:$0x1] =	wrdreg $0xFFFFFFFF  }
0xb7: {  	s28 =	simm.s32 $_size_execute0_lowered;
	s5 =	sadd.s32 s5, s7;
	[dreg:$0x0] =	wrdreg $0x0  }
0xb8: {  	s7 =	sshll.u32 s28, $0x1;
	[dreg:$0x2] =	wrdreg s5  }
0xb9: {  	[dreg:$0x3] =	wrdreg s7  }
0xba: {  	[dreg:$0x4] =	wrdreg $0xC0  }
0xbb: {  	_ =	task [dreg:s22], $0x5FFFF  }
0xbc: {  	[dreg:$0x1] =	wrdreg $0xFFFFFFFF  }
0xbd: {  	[dreg:$0x0] =	wrdreg $0x60  }
0xbe: {  	[dreg:$0x2] =	wrdreg s4  }
0xbf: {  	[dreg:$0x3] =	wrdreg s18  }
0xc0: {  	[dreg:$0x4] =	wrdreg s24  }
0xc1: {  	[dreg:$0x5] =	wrdreg $0xA  }
0xc2: {  	_ =	task.clear_ibuf [dreg:s22], $0x6FFFF;
	_ =	strace $0x90000049  }
0xc3: {  	s29 =	simm.s32 $0xA;
	_ =	strace $0x8000004B  }
0xc4: {  	_ =	swait.ge [sflag:s29], $0x1  }
0xc5: {  	[sflag:s29] =	ssyncadd.s32 $0xFFFFFFFF  }
0xc6: {  	_ =	strace $0x9000004B  }
0xc7: {  	_ =	sfence  }
0xc8: {  	s30 =	sld [smem:$0x0];
	_ =	sdelay $0x2  }
0xc9: {  	s31 =	sshll.u32 s1, $0xD;
	s1 =	sshrl.u32 s1, $0x2  }
0xca: {  	s4 =	sand.u32 $0x4000, s31;
	s1 =	sadd.s32 s1, s30  }
0xcb: {  	s0 =	sor.u32 s4, s0;
	s1 =	sshll.u32 s1, $0x11  }
0xcc: {  	s0 =	sor.u32 s1, s0  }
0xcd: {  	s0 =	sadd.s32 $0x8F2B, s0  }
0xce: {  	[sflag:s0] =	ssyncadd.remote.s32 $0x1  }
0xcf: {  	_ =	sfence.sel $0xFFFF  }
0xd0: {  	[dreg:$0x0] =	wrdreg $0xFFFFFFFF;
	(pc) =	sbr.abs _section_cstart, $3  }
0xd1: {  	[dreg:$0x1] =	wrdreg $0xFFFFFFFF  }
0xd2: {  	_ =	task.clear_ibuf [dreg:s22], $0x2FFFF;
	_ =	strace $0x9FFFFFFF  }
0xd3: {  	(tm) =	ssettm $0x7FFFFFFF  }
tec
execute0_lowered:
.L_overlay_start_1:
0x0: {  	(tag) =	ssettag $0x1  }
0x1: {  	s0 =	rddreg [dreg:$0x0]  }
0x2: {  	s1 =	rddreg [dreg:$0x1]  }
0x3: {  	s2 =	rddreg [dreg:$0x2];
	s3 =	srdreg.scid;
	s7 =	simm.s32 $0x0  }
0x4: {  	s4 =	stileid.u32;
	s8 =	simm.s32 $0x400;
	s3 =	sand.u32 $0x1, s3  }
0x5: {  	s9 =	simm.s32 $0x7A1400;
	s4 =	sshll.u32 s4, $0x9;
	s5 =	sshll.u32 s3, $0x8  }
0x6: {  	[smem:$0x7FF] =	sst s7;
	s3 =	ssub.s32 $0x2, s3;
	s4 =	sor.u32 s5, s4  }
0x7: {  	s6 =	sshrl.u32 s3, $0x1;
	s5 =	sshll.u32 s4, $0x4;
	s4 =	sshrl.u32 s4, $0x3  }
0x8: {  	_ =	strace $0x8000004A;
	s3 =	ssub.s32 s3, s6;
	s0 =	sadd.s32 s0, s4  }
0x9: {  	s2 =	sadd.s32 s5, s2;
	s31 =	smax.u32 s3, $0x1;
	[dreg:$0x5] =	wrdreg s0  }
0xa: {  	v0 =	vlaneseq.u32;
	s26 =	simm.s32 $0x1;
	s30 =	sadd.s32 $0x21800, s2;
	[dreg:$0x7] =	wrdreg s31  }
0xb: {  	v0 =	vmul.u32 $0x80, v0;
	s3 =	simm.s32 $0x0;
	s2 =	simm.s32 $0x2;
	[dreg:$0x6] =	wrdreg s30  }
.LBB2_1:
0xc: {  	[dreg:$0x8] =	wrdreg s3  }
0xd: {  	s0 =	rddreg [dreg:$0x5]  }
0xe: {  	[tilespmem:s7], [sflag:$0x2] =	stream.linear.gather [hbm4b:s0+s7], $0x100, $0x38;
	[tilespmem:$0x10100] =	vst v63  }
0xf: {  	_ =	swait.ge [sflag:s2], $0x100  }
0x10: {  	[sflag:s2] =	ssyncset.done $0x0  }
0x11: {  	s23 =	simm.s32 $0x0;
	[sflag:s2] =	ssyncadd.s32 $0xFFFFFF00  }
0x12: {  	v1 =	vld [tilespmem:s23+$0x0];
	_ =	sdelay $0x4  }
0x13: {  	(v2sf) =	vpush v1, $0x0  }
0x14: {  	(v2sf) =	vpush v1, $0x1  }
0x15: {  	(v2sf) =	vpush v1, $0x2;
	_ =	sdelay $0x1  }
0x16: {  	(v2sf) =	vpush v1, $0x3;
	_ =	sdelay $0x1  }
0x17: {  	(v2sf) =	vpush v1, $0x4  }
0x18: {  	(v2sf) =	vpush v1, $0x5;
	_ =	sdelay $0x1  }
0x19: {  	(v2sf) =	vpush v1, $0x6;
	_ =	sdelay $0x1  }
0x1a: {  	(v2sf) =	vpush v1, $0x7;
	_ =	sdelay $0x1  }
0x1b: {  	s17 =	simm.s32 $0x8100;
	(v2sf) =	vpush v1, $0x8  }
0x1c: {  	s18 =	simm.s32 $0x8900;
	s19 =	simm.s32 $0x9100;
	s20 =	simm.s32 $0x9900  }
0x1d: {  	s21 =	simm.s32 $0xA100;
	s22 =	simm.s32 $0xA900;
	s13 =	spop (v2sf)  }
0x1e: {  	s23 =	simm.s32 $0xB100;
	s24 =	sand.u32 $0xFFFFF80, s13;
	s30 =	spop (v2sf)  }
0x1f: {  	(v2sf) =	vpush v1, $0x9;
	s25 =	sadd.s32 s1, s24;
	s28 =	sand.u32 $0xFFFFF80, s30;
	s4 =	spop (v2sf)  }
0x20: {  	[tilespmem:s17], [sflag:$0x1] =	stream.strided.gather [hbm4b:s25+s8], $0x800, s9, s8, $0x38;
	[tilespmem:$0x10100] =	vst v63  }
0x21: {  	(v2sf) =	vpush v1, $0xA;
	s29 =	sadd.s32 s1, s28;
	s0 =	sand.u32 $0xFFFFF80, s4;
	s31 =	spop (v2sf)  }
0x22: {  	[tilespmem:s18], [sflag:$0x1] =	stream.strided.gather [hbm4b:s29+s8], $0x800, s9, s8, $0x38;
	[tilespmem:$0x10100] =	vst v63  }
0x23: {  	(v2sf) =	vpush v1, $0xB;
	s3 =	sadd.s32 s1, s0;
	s5 =	sand.u32 $0xFFFFF80, s31;
	s29 =	spop (v2sf)  }
0x24: {  	s6 =	sadd.s32 s1, s5;
	s7 =	sand.u32 $0xFFFFF80, s29;
	s12 =	spop (v2sf)  }
0x25: {  	[tilespmem:s19], [sflag:$0x1] =	stream.strided.gather [hbm4b:s3+s8], $0x800, s9, s8, $0x38;
	[tilespmem:$0x10100] =	vst v63  }
0x26: {  	(v2sf) =	vpush v1, $0xC;
	s10 =	sadd.s32 s1, s7;
	s11 =	sand.u32 $0xFFFFF80, s12;
	s28 =	spop (v2sf)  }
0x27: {  	[tilespmem:s20], [sflag:$0x1] =	stream.strided.gather [hbm4b:s6+s8], $0x800, s9, s8, $0x38;
	[tilespmem:$0x10100] =	vst v63  }
0x28: {  	(v2sf) =	vpush v1, $0xD;
	s14 =	sadd.s32 s1, s11;
	s15 =	sand.u32 $0xFFFFF80, s28;
	s11 =	spop (v2sf)  }
0x29: {  	[tilespmem:s21], [sflag:$0x1] =	stream.strided.gather [hbm4b:s10+s8], $0x800, s9, s8, $0x38;
	[tilespmem:$0x10100] =	vst v63  }
0x2a: {  	(v2sf) =	vpush v1, $0xE;
	s16 =	sadd.s32 s1, s15;
	s24 =	sand.u32 $0xFFFFF80, s11;
	s10 =	spop (v2sf)  }
0x2b: {  	[tilespmem:s22], [sflag:$0x1] =	stream.strided.gather [hbm4b:s14+s8], $0x800, s9, s8, $0x38;
	[tilespmem:$0x10100] =	vst v63  }
0x2c: {  	s25 =	sadd.s32 s1, s24;
	s24 =	simm.s32 $0xB900;
	s0 =	sand.u32 $0xFFFFF80, s10  }
0x2d: {  	[tilespmem:s23], [sflag:$0x1] =	stream.strided.gather [hbm4b:s16+s8], $0x800, s9, s8, $0x38;
	[tilespmem:$0x10100] =	vst v63  }
0x2e: {  	(v2sf) =	vpush v1, $0xF;
	s3 =	sadd.s32 s1, s0;
	s7 =	spop (v2sf);
	s16 =	simm.s32 $0xC900  }
0x2f: {  	[tilespmem:s24], [sflag:$0x1] =	stream.strided.gather [hbm4b:s25+s8], $0x800, s9, s8, $0x38;
	[tilespmem:$0x10100] =	vst v63  }
0x30: {  	s5 =	sand.u32 $0xFFFFF80, s7;
	s6 =	spop (v2sf);
	s25 =	simm.s32 $0xC100  }
0x31: {  	[tilespmem:s25], [sflag:$0x1] =	stream.strided.gather [hbm4b:s3+s8], $0x800, s9, s8, $0x38;
	[tilespmem:$0x10100] =	vst v63  }
0x32: {  	s14 =	sadd.s32 s1, s5;
	s15 =	sand.u32 $0xFFFFF80, s6;
	s5 =	spop (v2sf)  }
0x33: {  	[tilespmem:s16], [sflag:$0x1] =	stream.strided.gather [hbm4b:s14+s8], $0x800, s9, s8, $0x38;
	[tilespmem:$0x10100] =	vst v63  }
0x34: {  	s2 =	simm.s32 $0xE100;
	s3 =	sadd.s32 s1, s15;
	s14 =	sand.u32 $0xFFFFF80, s5  }
0x35: {  	s15 =	simm.s32 $0xD100;
	s16 =	spop (v2sf);
	s0 =	sadd.s32 s1, s14  }
0x36: {  	[tilespmem:s15], [sflag:$0x1] =	stream.strided.gather [hbm4b:s3+s8], $0x800, s9, s8, $0x38;
	[tilespmem:$0x10100] =	vst v63  }
0x37: {  	s14 =	sand.u32 $0xFFFFF80, s16;
	s3 =	spop (v2sf);
	s15 =	simm.s32 $0xD900  }
0x38: {  	[tilespmem:s15], [sflag:$0x1] =	stream.strided.gather [hbm4b:s0+s8], $0x800, s9, s8, $0x38;
	[tilespmem:$0x10100] =	vst v63  }
0x39: {  	s14 =	sadd.s32 s1, s14;
	s0 =	sand.u32 $0xFFFFF80, s3;
	s15 =	spop (v2sf)  }
0x3a: {  	[tilespmem:s2], [sflag:$0x1] =	stream.strided.gather [hbm4b:s14+s8], $0x800, s9, s8, $0x38;
	[tilespmem:$0x10100] =	vst v63  }
0x3b: {  	s0 =	sadd.s32 s1, s0;
	s2 =	sand.u32 $0xFFFFF80, s15;
	s14 =	simm.s32 $0xE900  }
0x3c: {  	[tilespmem:s14], [sflag:$0x1] =	stream.strided.gather [hbm4b:s0+s8], $0x800, s9, s8, $0x38;
	[tilespmem:$0x10100] =	vst v63  }
0x3d: {  	s14 =	spop (v2sf);
	s0 =	sadd.s32 s1, s2;
	s2 =	simm.s32 $0xF100  }
0x3e: {  	[tilespmem:s2], [sflag:$0x1] =	stream.strided.gather [hbm4b:s0+s8], $0x800, s9, s8, $0x38;
	[tilespmem:$0x10100] =	vst v63  }
0x3f: {  	s0 =	sand.u32 $0x7F, s13;
	s13 =	sand.u32 $0xFFFFF80, s14  }
0x40: {  	v1 =	vor.u32 s0, v0;
	s0 =	sadd.s32 s1, s13;
	s13 =	simm.s32 $0xF900  }
0x41: {  	[tilespmem:s13], [sflag:$0x1] =	stream.strided.gather [hbm4b:s0+s8], $0x800, s9, s8, $0x38;
	[tilespmem:$0x10100] =	vst v63  }
0x42: {  	_ =	swait.ge [sflag:s26], $0x800  }
0x43: {  	[sflag:s26] =	ssyncset.done $0x0  }
0x44: {  	[sflag:s26] =	ssyncadd.s32 $0xFFFFF800  }
0x45: {  	v1 =	vld.idx.msk [tilespmem:v1+s17+$0x0], $0xffff;
	_ =	sdelay $0x2  }
0x46: {  	s17 =	sand.u32 $0x7F, s30  }
0x47: {  	s30 =	simm.s32 $0x500;
	v2 =	vor.u32 s17, v0  }
0x48: {  	[tilespmem:s30+$0xFFFFFC00] =	vst v1  }
0x49: {  	_ =	swait.ge [sflag:s26], $0x800  }
0x4a: {  	[sflag:s26] =	ssyncset.done $0x0  }
0x4b: {  	[sflag:s26] =	ssyncadd.s32 $0xFFFFF800  }
0x4c: {  	v1 =	vld.idx.msk [tilespmem:v2+s18+$0x0], $0xffff;
	_ =	sdelay $0x2  }
0x4d: {  	s18 =	sand.u32 $0x7F, s4  }
0x4e: {  	v2 =	vor.u32 s18, v0  }
0x4f: {  	[tilespmem:s30+$0xFFFFFC80] =	vst v1  }
0x50: {  	_ =	swait.ge [sflag:s26], $0x800  }
0x51: {  	[sflag:s26] =	ssyncset.done $0x0  }
0x52: {  	[sflag:s26] =	ssyncadd.s32 $0xFFFFF800  }
0x53: {  	v1 =	vld.idx.msk [tilespmem:v2+s19+$0x0], $0xffff;
	_ =	sdelay $0x2  }
0x54: {  	s19 =	sand.u32 $0x7F, s31  }
0x55: {  	v2 =	vor.u32 s19, v0  }
0x56: {  	[tilespmem:s30+$0xFFFFFD00] =	vst v1  }
0x57: {  	_ =	swait.ge [sflag:s26], $0x800  }
0x58: {  	[sflag:s26] =	ssyncset.done $0x0  }
0x59: {  	[sflag:s26] =	ssyncadd.s32 $0xFFFFF800  }
0x5a: {  	v1 =	vld.idx.msk [tilespmem:v2+s20+$0x0], $0xffff;
	_ =	sdelay $0x2  }
0x5b: {  	s20 =	sand.u32 $0x7F, s29  }
0x5c: {  	v2 =	vor.u32 s20, v0  }
0x5d: {  	[tilespmem:s30+$0xFFFFFD80] =	vst v1  }
0x5e: {  	_ =	swait.ge [sflag:s26], $0x800  }
0x5f: {  	[sflag:s26] =	ssyncset.done $0x0  }
0x60: {  	[sflag:s26] =	ssyncadd.s32 $0xFFFFF800  }
0x61: {  	v1 =	vld.idx.msk [tilespmem:v2+s21+$0x0], $0xffff;
	_ =	sdelay $0x2  }
0x62: {  	s21 =	sand.u32 $0x7F, s12  }
0x63: {  	v2 =	vor.u32 s21, v0  }
0x64: {  	[tilespmem:s30+$0xFFFFFE00] =	vst v1  }
0x65: {  	_ =	swait.ge [sflag:s26], $0x800  }
0x66: {  	[sflag:s26] =	ssyncset.done $0x0  }
0x67: {  	[sflag:s26] =	ssyncadd.s32 $0xFFFFF800  }
0x68: {  	v1 =	vld.idx.msk [tilespmem:v2+s22+$0x0], $0xffff;
	_ =	sdelay $0x2  }
0x69: {  	s29 =	sand.u32 $0x7F, s28  }
0x6a: {  	v2 =	vor.u32 s29, v0  }
0x6b: {  	[tilespmem:s30+$0xFFFFFE80] =	vst v1  }
0x6c: {  	_ =	swait.ge [sflag:s26], $0x800  }
0x6d: {  	[sflag:s26] =	ssyncset.done $0x0  }
0x6e: {  	[sflag:s26] =	ssyncadd.s32 $0xFFFFF800  }
0x6f: {  	v1 =	vld.idx.msk [tilespmem:v2+s23+$0x0], $0xffff;
	_ =	sdelay $0x2  }
0x70: {  	s4 =	sand.u32 $0x7F, s11  }
0x71: {  	v2 =	vor.u32 s4, v0  }
0x72: {  	[tilespmem:s30+$0xFFFFFF00] =	vst v1  }
0x73: {  	_ =	swait.ge [sflag:s26], $0x800  }
0x74: {  	[sflag:s26] =	ssyncset.done $0x0  }
0x75: {  	[sflag:s26] =	ssyncadd.s32 $0xFFFFF800  }
0x76: {  	v1 =	vld.idx.msk [tilespmem:v2+s24+$0x0], $0xffff;
	_ =	sdelay $0x2  }
0x77: {  	s11 =	sand.u32 $0x7F, s10  }
0x78: {  	v2 =	vor.u32 s11, v0  }
0x79: {  	[tilespmem:s30+$0xFFFFFF80] =	vst v1  }
0x7a: {  	_ =	swait.ge [sflag:s26], $0x800  }
0x7b: {  	[sflag:s26] =	ssyncset.done $0x0  }
0x7c: {  	[sflag:s26] =	ssyncadd.s32 $0xFFFFF800  }
0x7d: {  	v1 =	vld.idx.msk [tilespmem:v2+s25+$0x0], $0xffff;
	_ =	sdelay $0x2  }
0x7e: {  	s12 =	sand.u32 $0x7F, s7  }
0x7f: {  	v2 =	vor.u32 s12, v0  }
0x80: {  	[tilespmem:s30+$0x0] =	vst v1  }
0x81: {  	_ =	swait.ge [sflag:s26], $0x800  }
0x82: {  	[sflag:s26] =	ssyncset.done $0x0  }
0x83: {  	s17 =	simm.s32 $0xC900;
	[sflag:s26] =	ssyncadd.s32 $0xFFFFF800  }
0x84: {  	v1 =	vld.idx.msk [tilespmem:v2+s17+$0x0], $0xffff;
	_ =	sdelay $0x2  }
0x85: {  	s18 =	sand.u32 $0x7F, s6  }
0x86: {  	v2 =	vor.u32 s18, v0  }
0x87: {  	[tilespmem:s30+$0x80] =	vst v1  }
0x88: {  	_ =	swait.ge [sflag:s26], $0x800  }
0x89: {  	[sflag:s26] =	ssyncset.done $0x0  }
0x8a: {  	s19 =	simm.s32 $0xD100;
	[sflag:s26] =	ssyncadd.s32 $0xFFFFF800  }
0x8b: {  	v1 =	vld.idx.msk [tilespmem:v2+s19+$0x0], $0xffff;
	_ =	sdelay $0x2  }
0x8c: {  	s20 =	sand.u32 $0x7F, s5  }
0x8d: {  	v2 =	vor.u32 s20, v0  }
0x8e: {  	[tilespmem:s30+$0x100] =	vst v1  }
0x8f: {  	_ =	swait.ge [sflag:s26], $0x800  }
0x90: {  	[sflag:s26] =	ssyncset.done $0x0  }
0x91: {  	s21 =	simm.s32 $0xD900;
	[sflag:s26] =	ssyncadd.s32 $0xFFFFF800  }
0x92: {  	v1 =	vld.idx.msk [tilespmem:v2+s21+$0x0], $0xffff;
	_ =	sdelay $0x2  }
0x93: {  	s22 =	sand.u32 $0x7F, s16  }
0x94: {  	v2 =	vor.u32 s22, v0  }
0x95: {  	[tilespmem:s30+$0x180] =	vst v1  }
0x96: {  	_ =	swait.ge [sflag:s26], $0x800  }
0x97: {  	[sflag:s26] =	ssyncset.done $0x0  }
0x98: {  	s23 =	simm.s32 $0xE100;
	[sflag:s26] =	ssyncadd.s32 $0xFFFFF800  }
0x99: {  	v1 =	vld.idx.msk [tilespmem:v2+s23+$0x0], $0xffff;
	_ =	sdelay $0x2  }
0x9a: {  	s24 =	sand.u32 $0x7F, s3  }
0x9b: {  	v2 =	vor.u32 s24, v0  }
0x9c: {  	[tilespmem:s30+$0x200] =	vst v1  }
0x9d: {  	_ =	swait.ge [sflag:s26], $0x800  }
0x9e: {  	[sflag:s26] =	ssyncset.done $0x0  }
0x9f: {  	s25 =	simm.s32 $0xE900;
	[sflag:s26] =	ssyncadd.s32 $0xFFFFF800  }
0xa0: {  	v1 =	vld.idx.msk [tilespmem:v2+s25+$0x0], $0xffff;
	_ =	sdelay $0x2  }
0xa1: {  	s28 =	sand.u32 $0x7F, s15  }
0xa2: {  	v2 =	vor.u32 s28, v0  }
0xa3: {  	[tilespmem:s30+$0x280] =	vst v1  }
0xa4: {  	_ =	swait.ge [sflag:s26], $0x800  }
0xa5: {  	[sflag:s26] =	ssyncset.done $0x0  }
0xa6: {  	[sflag:s26] =	ssyncadd.s32 $0xFFFFF800  }
0xa7: {  	v1 =	vld.idx.msk [tilespmem:v2+s2+$0x0], $0xffff;
	_ =	sdelay $0x2  }
0xa8: {  	s29 =	sand.u32 $0x7F, s14  }
0xa9: {  	v2 =	vor.u32 s29, v0  }
0xaa: {  	[tilespmem:s30+$0x300] =	vst v1  }
0xab: {  	_ =	swait.ge [sflag:s26], $0x800  }
0xac: {  	[sflag:s26] =	ssyncset.done $0x0  }
0xad: {  	[sflag:s26] =	ssyncadd.s32 $0xFFFFF800  }
0xae: {  	s31 =	simm.s32 $0x40;
	s2 =	simm.s32 $0x80;
	v1 =	vld.idx.msk [tilespmem:v2+s13+$0x0], $0xffff  }
.LBB2_2:
0xaf: {  	_ =	sdelay $0x3  }
0xb0: {  	s3 =	sshra.s32 s31, $0x2;
	[tilespmem:s30+$0x380] =	vst v1  }
0xb1: {  	v1 =	vld [tilespmem:s3+$0x0];
	_ =	sdelay $0x4  }
0xb2: {  	(v2sf) =	vpush v1, $0x0  }
0xb3: {  	(v2sf) =	vpush v1, $0x1  }
0xb4: {  	(v2sf) =	vpush v1, $0x2;
	_ =	sdelay $0x1  }
0xb5: {  	(v2sf) =	vpush v1, $0x3;
	_ =	sdelay $0x1  }
0xb6: {  	(v2sf) =	vpush v1, $0x4;
	_ =	sdelay $0x1  }
0xb7: {  	(v2sf) =	vpush v1, $0x5;
	_ =	sdelay $0x2  }
0xb8: {  	(v2sf) =	vpush v1, $0x6  }
0xb9: {  	s31 =	smov.u32 s2  }
0xba: {  	s0 =	sadd.s32 $0x40, s2;
	p0 =	sne.s32 s2, $0x3C0;
	s24 =	simm.s32 $0x8100;
	(v2sf) =	vpush v1, $0x7  }
0xbb: {  	s25 =	simm.s32 $0x8900;
	s12 =	simm.s32 $0x9900;
	s18 =	simm.s32 $0xA900  }
0xbc: {  	s21 =	simm.s32 $0xB100;
	[dreg:$0x4] =	wrdreg s0;
	(v2sf) =	vpush v1, $0x8;
	s13 =	spop (v2sf)  }
0xbd: {  	s0 =	simm.s32 $0x9100;
	s14 =	sand.u32 $0xFFFFF80, s13;
	s4 =	spop (v2sf)  }
0xbe: {  	(v2sf) =	vpush v1, $0x9;
	s5 =	sadd.s32 s1, s14;
	s6 =	sand.u32 $0xFFFFF80, s4;
	s3 =	spop (v2sf)  }
0xbf: {  	[tilespmem:s24], [sflag:$0x1] =	stream.strided.gather [hbm4b:s5+s8], $0x800, s9, s8, $0x38;
	[tilespmem:$0x10100] =	vst v63  }
0xc0: {  	(v2sf) =	vpush v1, $0xA;
	s6 =	sadd.s32 s1, s6;
	s7 =	sand.u32 $0xFFFFF80, s3;
	s5 =	spop (v2sf)  }
0xc1: {  	[tilespmem:s25], [sflag:$0x1] =	stream.strided.gather [hbm4b:s6+s8], $0x800, s9, s8, $0x38;
	[tilespmem:$0x10100] =	vst v63  }
0xc2: {  	s2 =	sand.u32 $0x7F, s13;
	s7 =	sadd.s32 s1, s7;
	s6 =	spop (v2sf)  }
0xc3: {  	(v2sf) =	vpush v1, $0xB;
	[tilespmem:s0], [sflag:$0x1] =	stream.strided.gather [hbm4b:s7+s8], $0x800, s9, s8, $0x38;
	[tilespmem:$0x10100] =	vst v63  }
0xc4: {  	s13 =	simm.s32 $0xA100;
	s10 =	sand.u32 $0xFFFFF80, s5;
	s7 =	spop (v2sf)  }
0xc5: {  	(v2sf) =	vpush v1, $0xC;
	s10 =	sadd.s32 s1, s10;
	s11 =	sand.u32 $0xFFFFF80, s6;
	s15 =	sand.u32 $0xFFFFF80, s7  }
0xc6: {  	[tilespmem:s12], [sflag:$0x1] =	stream.strided.gather [hbm4b:s10+s8], $0x800, s9, s8, $0x38;
	[tilespmem:$0x10100] =	vst v63  }
0xc7: {  	(v2sf) =	vpush v1, $0xD;
	s11 =	sadd.s32 s1, s11;
	s10 =	spop (v2sf);
	s16 =	sadd.s32 s1, s15  }
0xc8: {  	[tilespmem:s13], [sflag:$0x1] =	stream.strided.gather [hbm4b:s11+s8], $0x800, s9, s8, $0x38;
	[tilespmem:$0x10100] =	vst v63  }
0xc9: {  	s15 =	simm.s32 $0xB900;
	s17 =	sand.u32 $0xFFFFF80, s10;
	s28 =	spop (v2sf)  }
0xca: {  	(v2sf) =	vpush v1, $0xE;
	[tilespmem:s18], [sflag:$0x1] =	stream.strided.gather [hbm4b:s16+s8], $0x800, s9, s8, $0x38;
	[tilespmem:$0x10100] =	vst v63  }
0xcb: {  	s19 =	sadd.s32 s1, s17;
	s20 =	sand.u32 $0xFFFFF80, s28;
	s29 =	spop (v2sf)  }
0xcc: {  	(v2sf) =	vpush v1, $0xF;
	[tilespmem:s21], [sflag:$0x1] =	stream.strided.gather [hbm4b:s19+s8], $0x800, s9, s8, $0x38;
	[tilespmem:$0x10100] =	vst v63  }
0xcd: {  	s22 =	sadd.s32 s1, s20;
	s23 =	sand.u32 $0xFFFFF80, s29;
	s14 =	spop (v2sf)  }
0xce: {  	[tilespmem:s15], [sflag:$0x1] =	stream.strided.gather [hbm4b:s22+s8], $0x800, s9, s8, $0x38;
	[tilespmem:$0x10100] =	vst v63  }
0xcf: {  	s16 =	sadd.s32 s1, s23;
	s18 =	simm.s32 $0xC100;
	s15 =	spop (v2sf)  }
0xd0: {  	s21 =	simm.s32 $0xC900;
	s17 =	sand.u32 $0xFFFFF80, s14;
	s20 =	sand.u32 $0xFFFFF80, s15  }
0xd1: {  	[tilespmem:s18], [sflag:$0x1] =	stream.strided.gather [hbm4b:s16+s8], $0x800, s9, s8, $0x38;
	[tilespmem:$0x10100] =	vst v63  }
0xd2: {  	s19 =	sadd.s32 s1, s17;
	s16 =	spop (v2sf);
	s22 =	sadd.s32 s1, s20  }
0xd3: {  	[tilespmem:s21], [sflag:$0x1] =	stream.strided.gather [hbm4b:s19+s8], $0x800, s9, s8, $0x38;
	[tilespmem:$0x10100] =	vst v63  }
0xd4: {  	s18 =	simm.s32 $0xD100;
	s23 =	sand.u32 $0xFFFFF80, s16;
	s17 =	spop (v2sf)  }
0xd5: {  	[tilespmem:s18], [sflag:$0x1] =	stream.strided.gather [hbm4b:s22+s8], $0x800, s9, s8, $0x38;
	[tilespmem:$0x10100] =	vst v63  }
0xd6: {  	s19 =	sadd.s32 s1, s23;
	s20 =	sand.u32 $0xFFFFF80, s17;
	s18 =	spop (v2sf)  }
0xd7: {  	s21 =	simm.s32 $0xD900;
	s22 =	sadd.s32 s1, s20;
	s23 =	sand.u32 $0xFFFFF80, s18  }
0xd8: {  	[tilespmem:s21], [sflag:$0x1] =	stream.strided.gather [hbm4b:s19+s8], $0x800, s9, s8, $0x38;
	[tilespmem:$0x10100] =	vst v63  }
0xd9: {  	s20 =	simm.s32 $0xE100;
	s19 =	spop (v2sf);
	s21 =	sadd.s32 s1, s23  }
0xda: {  	[tilespmem:s20], [sflag:$0x1] =	stream.strided.gather [hbm4b:s22+s8], $0x800, s9, s8, $0x38;
	[tilespmem:$0x10100] =	vst v63  }
0xdb: {  	s23 =	simm.s32 $0xE900;
	s22 =	sand.u32 $0xFFFFF80, s19;
	s20 =	spop (v2sf)  }
0xdc: {  	[tilespmem:s23], [sflag:$0x1] =	stream.strided.gather [hbm4b:s21+s8], $0x800, s9, s8, $0x38;
	[tilespmem:$0x10100] =	vst v63  }
0xdd: {  	s13 =	sadd.s32 s1, s22;
	s22 =	sand.u32 $0xFFFFF80, s20;
	s23 =	simm.s32 $0xF100  }
0xde: {  	[tilespmem:s23], [sflag:$0x1] =	stream.strided.gather [hbm4b:s13+s8], $0x800, s9, s8, $0x38;
	[tilespmem:$0x10100] =	vst v63  }
0xdf: {  	v1 =	vor.u32 s2, v0;
	s11 =	simm.s32 $0xF900;
	s13 =	sadd.s32 s1, s22  }
0xe0: {  	[tilespmem:s11], [sflag:$0x1] =	stream.strided.gather [hbm4b:s13+s8], $0x800, s9, s8, $0x38;
	[tilespmem:$0x10100] =	vst v63  }
0xe1: {  	_ =	swait.ge [sflag:s26], $0x800  }
0xe2: {  	[sflag:s26] =	ssyncset.done $0x0  }
0xe3: {  	[sflag:s26] =	ssyncadd.s32 $0xFFFFF800  }
0xe4: {  	v1 =	vld.idx.msk [tilespmem:v1+s24+$0x0], $0xffff;
	_ =	sdelay $0x2  }
0xe5: {  	s21 =	sand.u32 $0x7F, s4  }
0xe6: {  	s30 =	sadd.s32 $0x800, s30;
	v2 =	vor.u32 s21, v0  }
0xe7: {  	[tilespmem:s30+$0xFFFFFC00] =	vst v1  }
0xe8: {  	_ =	swait.ge [sflag:s26], $0x800  }
0xe9: {  	[sflag:s26] =	ssyncset.done $0x0  }
0xea: {  	[sflag:s26] =	ssyncadd.s32 $0xFFFFF800  }
0xeb: {  	v1 =	vld.idx.msk [tilespmem:v2+s25+$0x0], $0xffff;
	_ =	sdelay $0x2  }
0xec: {  	s22 =	sand.u32 $0x7F, s3  }
0xed: {  	v2 =	vor.u32 s22, v0  }
0xee: {  	[tilespmem:s30+$0xFFFFFC80] =	vst v1  }
0xef: {  	_ =	swait.ge [sflag:s26], $0x800  }
0xf0: {  	[sflag:s26] =	ssyncset.done $0x0  }
0xf1: {  	[sflag:s26] =	ssyncadd.s32 $0xFFFFF800  }
0xf2: {  	v1 =	vld.idx.msk [tilespmem:v2+s0+$0x0], $0xffff;
	_ =	sdelay $0x2  }
0xf3: {  	s23 =	sand.u32 $0x7F, s5  }
0xf4: {  	v2 =	vor.u32 s23, v0  }
0xf5: {  	[tilespmem:s30+$0xFFFFFD00] =	vst v1  }
0xf6: {  	_ =	swait.ge [sflag:s26], $0x800  }
0xf7: {  	[sflag:s26] =	ssyncset.done $0x0  }
0xf8: {  	s5 =	sand.u32 $0x7F, s15;
	s15 =	simm.s32 $0x9900;
	[sflag:s26] =	ssyncadd.s32 $0xFFFFF800  }
0xf9: {  	v1 =	vld.idx.msk [tilespmem:v2+s15+$0x0], $0xffff;
	_ =	sdelay $0x2  }
0xfa: {  	s12 =	sand.u32 $0x7F, s6  }
0xfb: {  	v2 =	vor.u32 s12, v0  }
0xfc: {  	[tilespmem:s30+$0xFFFFFD80] =	vst v1  }
0xfd: {  	_ =	swait.ge [sflag:s26], $0x800  }
0xfe: {  	[sflag:s26] =	ssyncset.done $0x0  }
0xff: {  	s4 =	sand.u32 $0x7F, s16;
	s16 =	simm.s32 $0xA100;
	[sflag:s26] =	ssyncadd.s32 $0xFFFFF800  }
0x100: {  	v1 =	vld.idx.msk [tilespmem:v2+s16+$0x0], $0xffff;
	_ =	sdelay $0x2  }
0x101: {  	s11 =	sand.u32 $0x7F, s7  }
0x102: {  	v2 =	vor.u32 s11, v0  }
0x103: {  	[tilespmem:s30+$0xFFFFFE00] =	vst v1  }
0x104: {  	_ =	swait.ge [sflag:s26], $0x800  }
0x105: {  	[sflag:s26] =	ssyncset.done $0x0  }
0x106: {  	s24 =	sand.u32 $0x7F, s17;
	s17 =	simm.s32 $0xA900;
	[sflag:s26] =	ssyncadd.s32 $0xFFFFF800  }
0x107: {  	v1 =	vld.idx.msk [tilespmem:v2+s17+$0x0], $0xffff;
	_ =	sdelay $0x2  }
0x108: {  	s10 =	sand.u32 $0x7F, s10  }
0x109: {  	v2 =	vor.u32 s10, v0  }
0x10a: {  	[tilespmem:s30+$0xFFFFFE80] =	vst v1  }
0x10b: {  	_ =	swait.ge [sflag:s26], $0x800  }
0x10c: {  	[sflag:s26] =	ssyncset.done $0x0  }
0x10d: {  	s3 =	sand.u32 $0x7F, s18;
	s18 =	simm.s32 $0xB100;
	[sflag:s26] =	ssyncadd.s32 $0xFFFFF800  }
0x10e: {  	v1 =	vld.idx.msk [tilespmem:v2+s18+$0x0], $0xffff;
	_ =	sdelay $0x2  }
0x10f: {  	s7 =	sand.u32 $0x7F, s28  }
0x110: {  	v2 =	vor.u32 s7, v0  }
0x111: {  	[tilespmem:s30+$0xFFFFFF00] =	vst v1  }
0x112: {  	_ =	swait.ge [sflag:s26], $0x800  }
0x113: {  	[sflag:s26] =	ssyncset.done $0x0  }
0x114: {  	s2 =	sand.u32 $0x7F, s19;
	s19 =	simm.s32 $0xB900;
	[sflag:s26] =	ssyncadd.s32 $0xFFFFF800  }
0x115: {  	v1 =	vld.idx.msk [tilespmem:v2+s19+$0x0], $0xffff;
	_ =	sdelay $0x2  }
0x116: {  	s29 =	sand.u32 $0x7F, s29  }
0x117: {  	v2 =	vor.u32 s29, v0  }
0x118: {  	[tilespmem:s30+$0xFFFFFF80] =	vst v1  }
0x119: {  	_ =	swait.ge [sflag:s26], $0x800  }
0x11a: {  	s6 =	sand.u32 $0x7F, s14;
	[sflag:s26] =	ssyncset.done $0x0  }
0x11b: {  	s14 =	sand.u32 $0x7F, s20;
	s20 =	simm.s32 $0xC100;
	[sflag:s26] =	ssyncadd.s32 $0xFFFFF800  }
0x11c: {  	v1 =	vld.idx.msk [tilespmem:v2+s20+$0x0], $0xffff;
	_ =	sdelay $0x3  }
0x11d: {  	v2 =	vor.u32 s6, v0  }
0x11e: {  	[tilespmem:s30+$0x0] =	vst v1  }
0x11f: {  	_ =	swait.ge [sflag:s26], $0x800  }
0x120: {  	[sflag:s26] =	ssyncset.done $0x0  }
0x121: {  	s21 =	simm.s32 $0xC900;
	[sflag:s26] =	ssyncadd.s32 $0xFFFFF800  }
0x122: {  	v1 =	vld.idx.msk [tilespmem:v2+s21+$0x0], $0xffff;
	_ =	sdelay $0x3  }
0x123: {  	v2 =	vor.u32 s5, v0  }
0x124: {  	[tilespmem:s30+$0x80] =	vst v1  }
0x125: {  	_ =	swait.ge [sflag:s26], $0x800  }
0x126: {  	[sflag:s26] =	ssyncset.done $0x0  }
0x127: {  	s22 =	simm.s32 $0xD100;
	[sflag:s26] =	ssyncadd.s32 $0xFFFFF800  }
0x128: {  	v1 =	vld.idx.msk [tilespmem:v2+s22+$0x0], $0xffff;
	_ =	sdelay $0x3  }
0x129: {  	v2 =	vor.u32 s4, v0  }
0x12a: {  	[tilespmem:s30+$0x100] =	vst v1  }
0x12b: {  	_ =	swait.ge [sflag:s26], $0x800  }
0x12c: {  	[sflag:s26] =	ssyncset.done $0x0  }
0x12d: {  	s23 =	simm.s32 $0xD900;
	[sflag:s26] =	ssyncadd.s32 $0xFFFFF800  }
0x12e: {  	v1 =	vld.idx.msk [tilespmem:v2+s23+$0x0], $0xffff;
	_ =	sdelay $0x3  }
0x12f: {  	v2 =	vor.u32 s24, v0  }
0x130: {  	[tilespmem:s30+$0x180] =	vst v1  }
0x131: {  	_ =	swait.ge [sflag:s26], $0x800  }
0x132: {  	[sflag:s26] =	ssyncset.done $0x0  }
0x133: {  	s24 =	simm.s32 $0xE100;
	[sflag:s26] =	ssyncadd.s32 $0xFFFFF800  }
0x134: {  	v1 =	vld.idx.msk [tilespmem:v2+s24+$0x0], $0xffff;
	_ =	sdelay $0x3  }
0x135: {  	v2 =	vor.u32 s3, v0  }
0x136: {  	[tilespmem:s30+$0x200] =	vst v1  }
0x137: {  	_ =	swait.ge [sflag:s26], $0x800  }
0x138: {  	[sflag:s26] =	ssyncset.done $0x0  }
0x139: {  	s25 =	simm.s32 $0xE900;
	[sflag:s26] =	ssyncadd.s32 $0xFFFFF800  }
0x13a: {  	v1 =	vld.idx.msk [tilespmem:v2+s25+$0x0], $0xffff;
	_ =	sdelay $0x3  }
0x13b: {  	v2 =	vor.u32 s2, v0  }
0x13c: {  	[tilespmem:s30+$0x280] =	vst v1  }
0x13d: {  	_ =	swait.ge [sflag:s26], $0x800  }
0x13e: {  	[sflag:s26] =	ssyncset.done $0x0  }
0x13f: {  	s28 =	simm.s32 $0xF100;
	[sflag:s26] =	ssyncadd.s32 $0xFFFFF800  }
0x140: {  	v1 =	vld.idx.msk [tilespmem:v2+s28+$0x0], $0xffff;
	_ =	sdelay $0x3  }
0x141: {  	v2 =	vor.u32 s14, v0  }
.Ltmp0:
0x142: {  	[tilespmem:s30+$0x300] =	vst v1;
	(pc) =	sbr.rel @p0 .LBB2_2-.Ltmp0, $4  }
0x143: {  	_ =	swait.ge [sflag:s26], $0x800  }
0x144: {  	[sflag:s26] =	ssyncset.done $0x0  }
0x145: {  	s29 =	simm.s32 $0xF900;
	[sflag:s26] =	ssyncadd.s32 $0xFFFFF800  }
0x146: {  	s2 =	rddreg [dreg:$0x4];
	v1 =	vld.idx.msk [tilespmem:v2+s29+$0x0], $0xffff  }
0x147: {  	_ =	sdelay $0x3  }
0x148: {  	s0 =	sshra.s32 s31, $0x2;
	[tilespmem:s30+$0x380] =	vst v1  }
0x149: {  	v1 =	vld [tilespmem:s0+$0x0];
	_ =	sdelay $0x4  }
0x14a: {  	(v2sf) =	vpush v1, $0x0  }
0x14b: {  	(v2sf) =	vpush v1, $0x1  }
0x14c: {  	(v2sf) =	vpush v1, $0x2;
	_ =	sdelay $0x1  }
0x14d: {  	(v2sf) =	vpush v1, $0x3  }
0x14e: {  	(v2sf) =	vpush v1, $0x4;
	_ =	sdelay $0x1  }
0x14f: {  	(v2sf) =	vpush v1, $0x5;
	_ =	sdelay $0x1  }
0x150: {  	(v2sf) =	vpush v1, $0x6;
	_ =	sdelay $0x3  }
0x151: {  	(v2sf) =	vpush v1, $0x7  }
0x152: {  	s17 =	simm.s32 $0x8100  }
0x153: {  	s19 =	simm.s32 $0x8900;
	s20 =	simm.s32 $0x9100;
	(v2sf) =	vpush v1, $0x8;
	s13 =	spop (v2sf)  }
0x154: {  	s21 =	simm.s32 $0x9900;
	s6 =	sand.u32 $0xFFFFF80, s13;
	s4 =	spop (v2sf)  }
0x155: {  	s22 =	simm.s32 $0xA100;
	(v2sf) =	vpush v1, $0x9;
	s2 =	sadd.s32 s1, s6;
	s6 =	spop (v2sf)  }
0x156: {  	[tilespmem:s17], [sflag:$0x1] =	stream.strided.gather [hbm4b:s2+s8], $0x800, s9, s8, $0x38;
	[tilespmem:$0x10100] =	vst v63  }
0x157: {  	s23 =	simm.s32 $0xA900;
	s3 =	sand.u32 $0xFFFFF80, s4;
	s2 =	spop (v2sf)  }
0x158: {  	(v2sf) =	vpush v1, $0xA;
	s3 =	sadd.s32 s1, s3;
	s5 =	sand.u32 $0xFFFFF80, s6;
	s31 =	spop (v2sf)  }
0x159: {  	[tilespmem:s19], [sflag:$0x1] =	stream.strided.gather [hbm4b:s3+s8], $0x800, s9, s8, $0x38;
	[tilespmem:$0x10100] =	vst v63  }
0x15a: {  	(v2sf) =	vpush v1, $0xB;
	s7 =	sadd.s32 s1, s5;
	s10 =	sand.u32 $0xFFFFF80, s2;
	s12 =	spop (v2sf)  }
0x15b: {  	(v2sf) =	vpush v1, $0xC;
	[tilespmem:s20], [sflag:$0x1] =	stream.strided.gather [hbm4b:s7+s8], $0x800, s9, s8, $0x38;
	[tilespmem:$0x10100] =	vst v63  }
0x15c: {  	s11 =	sadd.s32 s1, s10;
	s14 =	sand.u32 $0xFFFFF80, s31;
	s29 =	spop (v2sf)  }
0x15d: {  	(v2sf) =	vpush v1, $0xD;
	[tilespmem:s21], [sflag:$0x1] =	stream.strided.gather [hbm4b:s11+s8], $0x800, s9, s8, $0x38;
	[tilespmem:$0x10100] =	vst v63  }
0x15e: {  	s15 =	sadd.s32 s1, s14;
	s16 =	sand.u32 $0xFFFFF80, s12;
	s24 =	sand.u32 $0xFFFFF80, s29  }
0x15f: {  	[tilespmem:s22], [sflag:$0x1] =	stream.strided.gather [hbm4b:s15+s8], $0x800, s9, s8, $0x38;
	[tilespmem:$0x10100] =	vst v63  }
0x160: {  	s18 =	sadd.s32 s1, s16;
	s28 =	spop (v2sf);
	s25 =	sadd.s32 s1, s24  }
0x161: {  	(v2sf) =	vpush v1, $0xE;
	[tilespmem:s23], [sflag:$0x1] =	stream.strided.gather [hbm4b:s18+s8], $0x800, s9, s8, $0x38;
	[tilespmem:$0x10100] =	vst v63  }
0x162: {  	s0 =	sand.u32 $0xFFFFF80, s28;
	s24 =	simm.s32 $0xB100;
	s11 =	spop (v2sf)  }
0x163: {  	[tilespmem:s24], [sflag:$0x1] =	stream.strided.gather [hbm4b:s25+s8], $0x800, s9, s8, $0x38;
	[tilespmem:$0x10100] =	vst v63  }
0x164: {  	s7 =	sadd.s32 s1, s0;
	s14 =	sand.u32 $0xFFFFF80, s11;
	s10 =	spop (v2sf)  }
0x165: {  	(v2sf) =	vpush v1, $0xF;
	s15 =	sadd.s32 s1, s14;
	s25 =	simm.s32 $0xB900;
	s16 =	sand.u32 $0xFFFFF80, s10  }
0x166: {  	[tilespmem:s25], [sflag:$0x1] =	stream.strided.gather [hbm4b:s7+s8], $0x800, s9, s8, $0x38;
	[tilespmem:$0x10100] =	vst v63  }
0x167: {  	s18 =	simm.s32 $0xC100;
	s7 =	spop (v2sf);
	s14 =	sadd.s32 s1, s16  }
0x168: {  	[tilespmem:s18], [sflag:$0x1] =	stream.strided.gather [hbm4b:s15+s8], $0x800, s9, s8, $0x38;
	[tilespmem:$0x10100] =	vst v63  }
0x169: {  	s16 =	spop (v2sf);
	s15 =	sand.u32 $0xFFFFF80, s7;
	s18 =	simm.s32 $0xC900  }
0x16a: {  	s5 =	spop (v2sf);
	s0 =	sadd.s32 s1, s15;
	s15 =	simm.s32 $0xD100  }
0x16b: {  	[tilespmem:s18], [sflag:$0x1] =	stream.strided.gather [hbm4b:s14+s8], $0x800, s9, s8, $0x38;
	[tilespmem:$0x10100] =	vst v63  }
0x16c: {  	s3 =	spop (v2sf);
	s14 =	sand.u32 $0xFFFFF80, s16;
	s18 =	simm.s32 $0xD900  }
0x16d: {  	[tilespmem:s15], [sflag:$0x1] =	stream.strided.gather [hbm4b:s0+s8], $0x800, s9, s8, $0x38;
	[tilespmem:$0x10100] =	vst v63  }
0x16e: {  	s14 =	sadd.s32 s1, s14;
	s15 =	sand.u32 $0xFFFFF80, s5;
	s0 =	simm.s32 $0xE100  }
0x16f: {  	[tilespmem:s18], [sflag:$0x1] =	stream.strided.gather [hbm4b:s14+s8], $0x800, s9, s8, $0x38;
	[tilespmem:$0x10100] =	vst v63  }
0x170: {  	s14 =	sadd.s32 s1, s15;
	s15 =	sand.u32 $0xFFFFF80, s3;
	s18 =	spop (v2sf)  }
0x171: {  	[tilespmem:s0], [sflag:$0x1] =	stream.strided.gather [hbm4b:s14+s8], $0x800, s9, s8, $0x38;
	[tilespmem:$0x10100] =	vst v63  }
0x172: {  	s14 =	sadd.s32 s1, s15;
	s0 =	sand.u32 $0xFFFFF80, s18;
	s15 =	simm.s32 $0xE900  }
0x173: {  	[tilespmem:s15], [sflag:$0x1] =	stream.strided.gather [hbm4b:s14+s8], $0x800, s9, s8, $0x38;
	[tilespmem:$0x10100] =	vst v63  }
0x174: {  	s15 =	spop (v2sf);
	s14 =	sadd.s32 s1, s0;
	s0 =	simm.s32 $0xF100  }
0x175: {  	[tilespmem:s0], [sflag:$0x1] =	stream.strided.gather [hbm4b:s14+s8], $0x800, s9, s8, $0x38;
	[tilespmem:$0x10100] =	vst v63  }
0x176: {  	s13 =	sand.u32 $0x7F, s13;
	s0 =	sand.u32 $0xFFFFF80, s15  }
0x177: {  	v1 =	vor.u32 s13, v0;
	s14 =	simm.s32 $0xF900;
	s0 =	sadd.s32 s1, s0  }
0x178: {  	[tilespmem:s14], [sflag:$0x1] =	stream.strided.gather [hbm4b:s0+s8], $0x800, s9, s8, $0x38;
	[tilespmem:$0x10100] =	vst v63  }
0x179: {  	_ =	swait.ge [sflag:s26], $0x800  }
0x17a: {  	[sflag:s26] =	ssyncset.done $0x0  }
0x17b: {  	[sflag:s26] =	ssyncadd.s32 $0xFFFFF800  }
0x17c: {  	v1 =	vld.idx.msk [tilespmem:v1+s17+$0x0], $0xffff;
	_ =	sdelay $0x2  }
0x17d: {  	s4 =	sand.u32 $0x7F, s4  }
0x17e: {  	v2 =	vor.u32 s4, v0;
	s4 =	sadd.s32 $0x800, s30  }
0x17f: {  	[tilespmem:s4+$0xFFFFFC00] =	vst v1  }
0x180: {  	_ =	swait.ge [sflag:s26], $0x800  }
0x181: {  	[sflag:s26] =	ssyncset.done $0x0  }
0x182: {  	[sflag:s26] =	ssyncadd.s32 $0xFFFFF800  }
0x183: {  	v1 =	vld.idx.msk [tilespmem:v2+s19+$0x0], $0xffff;
	_ =	sdelay $0x2  }
0x184: {  	s19 =	sand.u32 $0x7F, s6  }
0x185: {  	v2 =	vor.u32 s19, v0  }
0x186: {  	[tilespmem:s4+$0xFFFFFC80] =	vst v1  }
0x187: {  	_ =	swait.ge [sflag:s26], $0x800  }
0x188: {  	[sflag:s26] =	ssyncset.done $0x0  }
0x189: {  	[sflag:s26] =	ssyncadd.s32 $0xFFFFF800  }
0x18a: {  	v1 =	vld.idx.msk [tilespmem:v2+s20+$0x0], $0xffff;
	_ =	sdelay $0x2  }
0x18b: {  	s20 =	sand.u32 $0x7F, s2  }
0x18c: {  	v2 =	vor.u32 s20, v0  }
0x18d: {  	[tilespmem:s4+$0xFFFFFD00] =	vst v1  }
0x18e: {  	_ =	swait.ge [sflag:s26], $0x800  }
0x18f: {  	[sflag:s26] =	ssyncset.done $0x0  }
0x190: {  	[sflag:s26] =	ssyncadd.s32 $0xFFFFF800  }
0x191: {  	v1 =	vld.idx.msk [tilespmem:v2+s21+$0x0], $0xffff;
	_ =	sdelay $0x2  }
0x192: {  	s21 =	sand.u32 $0x7F, s31  }
0x193: {  	v2 =	vor.u32 s21, v0  }
0x194: {  	[tilespmem:s4+$0xFFFFFD80] =	vst v1  }
0x195: {  	_ =	swait.ge [sflag:s26], $0x800  }
0x196: {  	[sflag:s26] =	ssyncset.done $0x0  }
0x197: {  	[sflag:s26] =	ssyncadd.s32 $0xFFFFF800  }
0x198: {  	v1 =	vld.idx.msk [tilespmem:v2+s22+$0x0], $0xffff;
	_ =	sdelay $0x2  }
0x199: {  	s22 =	sand.u32 $0x7F, s12  }
0x19a: {  	v2 =	vor.u32 s22, v0  }
0x19b: {  	[tilespmem:s4+$0xFFFFFE00] =	vst v1  }
0x19c: {  	_ =	swait.ge [sflag:s26], $0x800  }
0x19d: {  	[sflag:s26] =	ssyncset.done $0x0  }
0x19e: {  	[sflag:s26] =	ssyncadd.s32 $0xFFFFF800  }
0x19f: {  	v1 =	vld.idx.msk [tilespmem:v2+s23+$0x0], $0xffff;
	_ =	sdelay $0x2  }
0x1a0: {  	s30 =	sand.u32 $0x7F, s29  }
0x1a1: {  	v2 =	vor.u32 s30, v0  }
0x1a2: {  	[tilespmem:s4+$0xFFFFFE80] =	vst v1  }
0x1a3: {  	_ =	swait.ge [sflag:s26], $0x800  }
0x1a4: {  	[sflag:s26] =	ssyncset.done $0x0  }
0x1a5: {  	[sflag:s26] =	ssyncadd.s32 $0xFFFFF800  }
0x1a6: {  	v1 =	vld.idx.msk [tilespmem:v2+s24+$0x0], $0xffff;
	_ =	sdelay $0x2  }
0x1a7: {  	s31 =	sand.u32 $0x7F, s28  }
0x1a8: {  	v2 =	vor.u32 s31, v0  }
0x1a9: {  	[tilespmem:s4+$0xFFFFFF00] =	vst v1  }
0x1aa: {  	_ =	swait.ge [sflag:s26], $0x800  }
0x1ab: {  	[sflag:s26] =	ssyncset.done $0x0  }
0x1ac: {  	[sflag:s26] =	ssyncadd.s32 $0xFFFFF800  }
0x1ad: {  	v1 =	vld.idx.msk [tilespmem:v2+s25+$0x0], $0xffff;
	_ =	sdelay $0x2  }
0x1ae: {  	s2 =	sand.u32 $0x7F, s11  }
0x1af: {  	v2 =	vor.u32 s2, v0  }
0x1b0: {  	[tilespmem:s4+$0xFFFFFF80] =	vst v1  }
0x1b1: {  	_ =	swait.ge [sflag:s26], $0x800  }
0x1b2: {  	[sflag:s26] =	ssyncset.done $0x0  }
0x1b3: {  	s6 =	simm.s32 $0xC100;
	[sflag:s26] =	ssyncadd.s32 $0xFFFFF800  }
0x1b4: {  	v1 =	vld.idx.msk [tilespmem:v2+s6+$0x0], $0xffff;
	_ =	sdelay $0x2  }
0x1b5: {  	s10 =	sand.u32 $0x7F, s10  }
0x1b6: {  	v2 =	vor.u32 s10, v0  }
0x1b7: {  	[tilespmem:s4+$0x0] =	vst v1  }
0x1b8: {  	_ =	swait.ge [sflag:s26], $0x800  }
0x1b9: {  	[sflag:s26] =	ssyncset.done $0x0  }
0x1ba: {  	s11 =	simm.s32 $0xC900;
	[sflag:s26] =	ssyncadd.s32 $0xFFFFF800  }
0x1bb: {  	v1 =	vld.idx.msk [tilespmem:v2+s11+$0x0], $0xffff;
	_ =	sdelay $0x2  }
0x1bc: {  	s12 =	sand.u32 $0x7F, s7  }
0x1bd: {  	v2 =	vor.u32 s12, v0  }
0x1be: {  	[tilespmem:s4+$0x80] =	vst v1  }
0x1bf: {  	_ =	swait.ge [sflag:s26], $0x800  }
0x1c0: {  	[sflag:s26] =	ssyncset.done $0x0  }
0x1c1: {  	s13 =	simm.s32 $0xD100;
	[sflag:s26] =	ssyncadd.s32 $0xFFFFF800  }
0x1c2: {  	v1 =	vld.idx.msk [tilespmem:v2+s13+$0x0], $0xffff;
	_ =	sdelay $0x2  }
0x1c3: {  	s16 =	sand.u32 $0x7F, s16  }
0x1c4: {  	v2 =	vor.u32 s16, v0  }
0x1c5: {  	[tilespmem:s4+$0x100] =	vst v1  }
0x1c6: {  	_ =	swait.ge [sflag:s26], $0x800  }
0x1c7: {  	[sflag:s26] =	ssyncset.done $0x0  }
0x1c8: {  	s17 =	simm.s32 $0xD900;
	[sflag:s26] =	ssyncadd.s32 $0xFFFFF800  }
0x1c9: {  	v1 =	vld.idx.msk [tilespmem:v2+s17+$0x0], $0xffff;
	_ =	sdelay $0x2  }
0x1ca: {  	s19 =	sand.u32 $0x7F, s5  }
0x1cb: {  	v2 =	vor.u32 s19, v0  }
0x1cc: {  	[tilespmem:s4+$0x180] =	vst v1  }
0x1cd: {  	_ =	swait.ge [sflag:s26], $0x800  }
0x1ce: {  	[sflag:s26] =	ssyncset.done $0x0  }
0x1cf: {  	s20 =	simm.s32 $0xE100;
	[sflag:s26] =	ssyncadd.s32 $0xFFFFF800  }
0x1d0: {  	v1 =	vld.idx.msk [tilespmem:v2+s20+$0x0], $0xffff;
	_ =	sdelay $0x2  }
0x1d1: {  	s21 =	sand.u32 $0x7F, s3  }
0x1d2: {  	v2 =	vor.u32 s21, v0  }
0x1d3: {  	[tilespmem:s4+$0x200] =	vst v1  }
0x1d4: {  	_ =	swait.ge [sflag:s26], $0x800  }
0x1d5: {  	[sflag:s26] =	ssyncset.done $0x0  }
0x1d6: {  	s22 =	simm.s32 $0xE900;
	[sflag:s26] =	ssyncadd.s32 $0xFFFFF800  }
0x1d7: {  	v1 =	vld.idx.msk [tilespmem:v2+s22+$0x0], $0xffff;
	_ =	sdelay $0x2  }
0x1d8: {  	s23 =	sand.u32 $0x7F, s18  }
0x1d9: {  	v2 =	vor.u32 s23, v0  }
0x1da: {  	[tilespmem:s4+$0x280] =	vst v1  }
0x1db: {  	_ =	swait.ge [sflag:s26], $0x800  }
0x1dc: {  	[sflag:s26] =	ssyncset.done $0x0  }
0x1dd: {  	s24 =	simm.s32 $0xF100;
	[sflag:s26] =	ssyncadd.s32 $0xFFFFF800  }
0x1de: {  	v1 =	vld.idx.msk [tilespmem:v2+s24+$0x0], $0xffff;
	_ =	sdelay $0x2  }
0x1df: {  	s25 =	sand.u32 $0x7F, s15  }
0x1e0: {  	v2 =	vor.u32 s25, v0  }
0x1e1: {  	[tilespmem:s4+$0x300] =	vst v1  }
0x1e2: {  	_ =	swait.ge [sflag:s26], $0x800  }
0x1e3: {  	[sflag:s26] =	ssyncset.done $0x0  }
0x1e4: {  	[sflag:s26] =	ssyncadd.s32 $0xFFFFF800  }
0x1e5: {  	v1 =	vld.idx.msk [tilespmem:v2+s14+$0x0], $0xffff;
	_ =	sdelay $0x3  }
0x1e6: {  	s29 =	simm.s32 $0x100  }
0x1e7: {  	s7 =	simm.s32 $0x0;
	s2 =	simm.s32 $0x2;
	s28 =	rddreg [dreg:$0x6];
	[tilespmem:s4+$0x380] =	vst v1  }
0x1e8: {  	[hbm4b:s28+s7] =	stream.linear.scatter [tilespmem:s29], [sflag:$0x2], $0x8000, $0x38;
	[tilespmem:$0x10100] =	vst v63  }
0x1e9: {  	_ =	swait.ge [sflag:s2], $0x8000  }
0x1ea: {  	s30 =	rddreg [dreg:$0x8]  }
0x1eb: {  	s31 =	rddreg [dreg:$0x7];
	s3 =	sadd.s32 $0x1, s30  }
0x1ec: {  	p0 =	sne.s32 s3, s31  }
.Ltmp1:
0x1ed: {  	_ = 	snop;
	(pc) =	sbr.rel @p0 .LBB2_1-.Ltmp1, $3  }
0x1ee: {  	_ =	sdelay $0x1  }
0x1ef: {  	[sflag:s2] =	ssyncset.done $0x0  }
0x1f0: {  	[sflag:s2] =	ssyncadd.s32 $0xFFFF8000  }
0x1f1: {  	_ =	sfence.sel $0x180000  }
0x1f2: {  	[bflag:$0x0] =	sbarrier.arrive $0xFFFF  }
0x1f3: {  	_ =	strace $0x9000004A  }
0x1f4: {  	s0 =	stileid.u32;
	[bflag:$0x2] =	sbarrier.arrive $0xFFFF  }
0x1f5: {  	p0 =	sne.s32 s0, $0x0;
	s0 =	rddreg [dreg:$0x3]  }
0x1f6: {  	s0 =	sadd.s32 @!p0 $0x100000, s0  }
0x1f7: {  	[sflag:s0] =	ssyncadd.tile.s32 @!p0 $0x1;
	_ =	shalt  }
.Lfunc_end2:
_tile_overlayer_lowered:
.L_overlay_start_2:
0x1f8: {  	(tag) =	ssettag $0x2  }
0x1f9: {  	s0 =	rddreg [dreg:$0x0];
	s2 =	stileid.u32  }
0x1fa: {  	s1 =	rddreg [dreg:$0x1];
	p0 =	sne.s32 s2, $0x0  }
0x1fb: {  	s3 =	rddreg [dreg:$0x2];
	[bflag:$0x3] =	sbarrier.arrive $0xFFFF;
	s2 =	simm.s32 @!p0 $0x1C02  }
0x1fc: {  	[timem:s3], [sflag:s2] =	dma.local @!p0 [hbm:s0], s1  }
0x1fd: {  	s0 =	simm.s32 @!p0 $0x2  }
0x1fe: {  	_ =	swait.ge @!p0 [sflag:s0], s1  }
0x1ff: {  	s1 =	ssub.s32 @!p0 $0x0, s1;
	[sflag:s0] =	ssyncset.done @!p0 $0x0  }
0x200: {  	[sflag:s0] =	ssyncadd.s32 @!p0 s1  }
0x201: {  	[bflag:$0x3] =	sbarrier.arrive $0xFFFF  }
0x202: {  	_ =	shalt  }

</sc_bundles>
